<compile_context>
chip_gen: v7x
topology: tpu7x:2x2x1
jax: 0.10.2.dev20260603
libtpu: 0.0.44.dev20260713+nightly
codegen_flags: <defaults>
</compile_context>

<pallas_src>
import numpy as np

import jax
import jax.numpy as jnp
from jax import lax
from jax.experimental import pallas as pl
from jax.experimental.pallas import tpu as pltpu
from jax.experimental.pallas import tpu_sc as plsc

N = 10000
E = 320000
D = 128
DH = 64
DW = 8
NC = 2
NS = 16
EW = E // NS
K = 80
NCHUNK = EW // K
NBG = 3
NBS = 3
NBW = 4
RSUB = 624
RTAIL = N - NS * RSUB
R = 1000

_g = np.arange(D) // 32 * 32
_t = np.arange(D) % 32
PERM = (_g + np.where(_t % 2 == 0, _t // 2, 16 + _t // 2)).astype(np.int32)



def _emit_prep(h, hpads_ref, as_ref, ad_ref, sw_ref, atts_ref, attd_ref):
    a_s = jnp.dot(h, atts_ref[...], preferred_element_type=jnp.float32)
    a_d = jnp.dot(h, attd_ref[...], preferred_element_type=jnp.float32)
    hpads_ref[0] = h[:, :DH].astype(jnp.bfloat16)
    hpads_ref[1] = h[:, DH:].astype(jnp.bfloat16)
    as_ref[...] = a_s
    ad_ref[...] = a_d
    s = a_s + a_d
    sw_ref[...] = jnp.exp(jnp.maximum(s, 0.2 * s))


def _combine(acc_ref, den_ref, sw_ref, hpads_ref, pmat_ref, b_ref):
    ht = jnp.concatenate([hpads_ref[0], hpads_ref[1]],
                         axis=1).astype(jnp.float32)
    h = jnp.dot(ht, pmat_ref[...], preferred_element_type=jnp.float32)
    sw = sw_ref[...]
    num = jnp.concatenate([acc_ref[0], acc_ref[1]], axis=1) + sw * h
    den = den_ref[0, :, 0:1] + sw
    return num / den + b_ref[...]


def _prep_body(z_ref, w_ref, atts_ref, attd_ref, hpads_ref, as_ref, ad_ref,
               sw_ref):
    h = jnp.dot(z_ref[...], w_ref[...], preferred_element_type=jnp.float32)
    _emit_prep(h, hpads_ref, as_ref, ad_ref, sw_ref, atts_ref, attd_ref)


def _mid_body(acc_ref, den_ref, sw_ref, hpads_ref, pmat_ref, b_ref, w_ref,
              atts_ref, attd_ref, hpads2_ref, as_ref, ad_ref, sw2_ref):
    z = jnp.maximum(_combine(acc_ref, den_ref, sw_ref, hpads_ref, pmat_ref,
                             b_ref), 0.0)
    h2 = jnp.dot(z, w_ref[...], preferred_element_type=jnp.float32)
    _emit_prep(h2, hpads2_ref, as_ref, ad_ref, sw2_ref, atts_ref, attd_ref)


def _fin_body(acc_ref, den_ref, sw_ref, hpads_ref, pmat_ref, b_ref, out_ref):
    out_ref[...] = _combine(acc_ref, den_ref, sw_ref, hpads_ref, pmat_ref,
                            b_ref)


_prep_outs = dict(
    out_specs=[
        pl.BlockSpec((NC, R, DH), lambda i: (0, i, 0)),
        pl.BlockSpec((R, 1), lambda i: (i, 0)),
        pl.BlockSpec((R, 1), lambda i: (i, 0)),
        pl.BlockSpec((R, 1), lambda i: (i, 0)),
    ],
    out_shape=[
        jax.ShapeDtypeStruct((NC, N, DH), jnp.bfloat16),
        jax.ShapeDtypeStruct((N, 1), jnp.float32),
        jax.ShapeDtypeStruct((N, 1), jnp.float32),
        jax.ShapeDtypeStruct((N, 1), jnp.float32),
    ],
)

_acc_specs = [
    pl.BlockSpec((NC, R, DH), lambda i: (0, i, 0)),
    pl.BlockSpec((NC, R, DW), lambda i: (0, i, 0)),
    pl.BlockSpec((R, 1), lambda i: (i, 0)),
    pl.BlockSpec((NC, R, DH), lambda i: (0, i, 0)),
    pl.BlockSpec((D, D), lambda i: (0, 0)),
    pl.BlockSpec((1, D), lambda i: (0, 0)),
]


def _tc_prep(z, W, att_s, att_d):
    return pl.pallas_call(
        _prep_body,
        grid=(N // R,),
        in_specs=[
            pl.BlockSpec((R, D), lambda i: (i, 0)),
            pl.BlockSpec((D, D), lambda i: (0, 0)),
            pl.BlockSpec((D, 1), lambda i: (0, 0)),
            pl.BlockSpec((D, 1), lambda i: (0, 0)),
        ],
        **_prep_outs,
    )(z, W, att_s, att_d)


def _tc_mid(acc, den, sw, hpads, pmat, b, W, att_s, att_d):
    return pl.pallas_call(
        _mid_body,
        grid=(N // R,),
        in_specs=_acc_specs + [
            pl.BlockSpec((D, D), lambda i: (0, 0)),
            pl.BlockSpec((D, 1), lambda i: (0, 0)),
            pl.BlockSpec((D, 1), lambda i: (0, 0)),
        ],
        **_prep_outs,
    )(acc, den, sw, hpads, pmat, b, W, att_s, att_d)


def _tc_fin(acc, den, sw, hpads, pmat, b):
    return pl.pallas_call(
        _fin_body,
        grid=(N // R,),
        in_specs=_acc_specs,
        out_specs=pl.BlockSpec((R, D), lambda i: (i, 0)),
        out_shape=jax.ShapeDtypeStruct((N, D), jnp.float32),
    )(acc, den, sw, hpads, pmat, b)



def _sc_body(hpads_hbm, as_hbm, ad_hbm, src_hbm, dst_hbm, zeros_hbm, zd_hbm,
             acc_out, den_out,
             srcv, dstv, astab, adtab, wbufs, rows_bf, rows_f, acc_sp, den_sp,
             gsem, ssem, wsem, psem):
    c = lax.axis_index("c")
    s = lax.axis_index("s")

    pltpu.async_copy(src_hbm.at[s], srcv, psem)
    pltpu.async_copy(dst_hbm.at[s], dstv, psem)
    pltpu.async_copy(as_hbm, astab, psem)
    pltpu.async_copy(ad_hbm, adtab, psem)
    pltpu.async_copy(zeros_hbm, acc_sp.at[pl.ds(s * RSUB, RSUB)], psem)
    pltpu.async_copy(zd_hbm.at[pl.ds(0, RSUB)],
                     den_sp.at[pl.ds(s * RSUB, RSUB)], psem)
    pltpu.async_copy(zd_hbm.at[pl.ds(0, NBW * K)], wbufs, psem)

    @pl.when(s == NS - 1)
    def _():
        pltpu.async_copy(zeros_hbm.at[pl.ds(0, RTAIL)],
                         acc_sp.at[pl.ds(NS * RSUB, RTAIL)], psem)
        pltpu.async_copy(zd_hbm.at[pl.ds(0, RTAIL)],
                         den_sp.at[pl.ds(NS * RSUB, RTAIL)], psem)

    pltpu.make_async_copy(src_hbm.at[s], srcv, psem).wait()
    htab = hpads_hbm.at[c]
    pltpu.async_copy(htab.at[srcv.at[0]], rows_bf.at[0], gsem)
    pltpu.async_copy(htab.at[srcv.at[1]], rows_bf.at[1], gsem)
    pltpu.make_async_copy(dst_hbm.at[s], dstv, psem).wait()
    pltpu.make_async_copy(as_hbm, astab, psem).wait()
    pltpu.make_async_copy(ad_hbm, adtab, psem).wait()
    pltpu.make_async_copy(zeros_hbm, acc_sp.at[pl.ds(s * RSUB, RSUB)],
                          psem).wait()
    pltpu.make_async_copy(zd_hbm.at[pl.ds(0, RSUB)],
                          den_sp.at[pl.ds(s * RSUB, RSUB)], psem).wait()
    pltpu.make_async_copy(zd_hbm.at[pl.ds(0, NBW * K)], wbufs, psem).wait()

    @pl.when(s == NS - 1)
    def _():
        pltpu.make_async_copy(zeros_hbm.at[pl.ds(0, RTAIL)],
                              acc_sp.at[pl.ds(NS * RSUB, RTAIL)], psem).wait()
        pltpu.make_async_copy(zd_hbm.at[pl.ds(0, RTAIL)],
                              den_sp.at[pl.ds(NS * RSUB, RTAIL)], psem).wait()

    plsc.subcore_barrier()
    col0 = jnp.zeros((16,), jnp.int32)
    lane = lax.iota(jnp.int32, 16)

    def chunk(i, carry):
        bg = lax.rem(i, NBG)
        bs = lax.rem(i, NBS)
        bw = lax.rem(i, NBW)

        @pl.when(i >= NBW)
        def _():
            pltpu.make_async_copy(
                wbufs.at[pl.ds(bw * K, K)],
                den_sp.at[dstv.at[i - NBW]], wsem).wait()

        @pl.when(i < NCHUNK - 2)
        def _():
            pltpu.async_copy(htab.at[srcv.at[i + 2]],
                             rows_bf.at[lax.rem(i + 2, NBG)], gsem)

        for j in range(K // 16):
            sidx = srcv[i, pl.ds(j * 16, 16)]
            didx = dstv[i, pl.ds(j * 16, 16)]
            a = plsc.load_gather(astab, [sidx]) + plsc.load_gather(adtab, [didx])
            w16 = jnp.exp(jnp.maximum(a, 0.2 * a))
            plsc.store_scatter(wbufs, [bw * K + j * 16 + lane, col0], w16)
        pltpu.async_copy(wbufs.at[pl.ds(bw * K, K)],
                         den_sp.at[dstv.at[i]], wsem, add=True)

        @pl.when(i >= NBS)
        def _():
            pltpu.make_async_copy(rows_f.at[bs],
                                  acc_sp.at[dstv.at[i - NBS]], ssem).wait()

        pltpu.make_async_copy(htab.at[srcv.at[i]], rows_bf.at[bg], gsem).wait()

        @plsc.parallel_loop(0, K, unroll=8)
        def scale(k):
            wv = plsc.load_gather(wbufs, [jnp.full((16,), bw * K + k,
                                                   jnp.int32), col0])
            for g in range(DH // 32):
                v = rows_bf[bg, k, pl.ds(g * 32, 32)]
                ev, od = plsc.unpack(v, format=plsc.PackFormat.INTERLEAVED,
                                     preferred_element_type=jnp.float32)
                rows_f[bs, k, pl.ds(g * 32, 16)] = ev * wv
                rows_f[bs, k, pl.ds(g * 32 + 16, 16)] = od * wv

        pltpu.async_copy(rows_f.at[bs], acc_sp.at[dstv.at[i]], ssem, add=True)
        return carry

    lax.fori_loop(0, NCHUNK, chunk, 0)
    for t in range(NBS):
        i = NCHUNK - NBS + t
        pltpu.make_async_copy(rows_f.at[lax.rem(i, NBS)],
                              acc_sp.at[dstv.at[i]], ssem).wait()
    for t in range(NBW):
        i = NCHUNK - NBW + t
        pltpu.make_async_copy(wbufs.at[pl.ds(lax.rem(i, NBW) * K, K)],
                              den_sp.at[dstv.at[i]], wsem).wait()
    plsc.subcore_barrier()
    pltpu.async_copy(acc_sp.at[pl.ds(s * RSUB, RSUB)],
                     acc_out.at[c, pl.ds(s * RSUB, RSUB)], psem)
    pltpu.async_copy(den_sp.at[pl.ds(s * RSUB, RSUB)],
                     den_out.at[c, pl.ds(s * RSUB, RSUB)], psem)

    @pl.when(s == NS - 1)
    def _():
        pltpu.async_copy(acc_sp.at[pl.ds(NS * RSUB, RTAIL)],
                         acc_out.at[c, pl.ds(NS * RSUB, RTAIL)], psem)
        pltpu.async_copy(den_sp.at[pl.ds(NS * RSUB, RTAIL)],
                         den_out.at[c, pl.ds(NS * RSUB, RTAIL)], psem)

    pltpu.make_async_copy(acc_sp.at[pl.ds(s * RSUB, RSUB)],
                          acc_out.at[c, pl.ds(s * RSUB, RSUB)], psem).wait()
    pltpu.make_async_copy(den_sp.at[pl.ds(s * RSUB, RSUB)],
                          den_out.at[c, pl.ds(s * RSUB, RSUB)], psem).wait()

    @pl.when(s == NS - 1)
    def _():
        pltpu.make_async_copy(acc_sp.at[pl.ds(NS * RSUB, RTAIL)],
                              acc_out.at[c, pl.ds(NS * RSUB, RTAIL)],
                              psem).wait()
        pltpu.make_async_copy(den_sp.at[pl.ds(NS * RSUB, RTAIL)],
                              den_out.at[c, pl.ds(NS * RSUB, RTAIL)],
                              psem).wait()


def _sc_edge(hpads, a_s, a_d, src, dst, zeros_blk, zd):
    mesh = plsc.VectorSubcoreMesh(core_axis_name="c", subcore_axis_name="s",
                                  num_cores=NC, num_subcores=NS)
    f = pl.kernel(
        _sc_body,
        out_type=[
            jax.ShapeDtypeStruct((NC, N, DH), jnp.float32),
            jax.ShapeDtypeStruct((NC, N, DW), jnp.float32),
        ],
        mesh=mesh,
        compiler_params=pltpu.CompilerParams(needs_layout_passes=False,
                                             use_tc_tiling_on_sc=False),
        scratch_types=[
            pltpu.VMEM((NCHUNK, K), jnp.int32),
            pltpu.VMEM((NCHUNK, K), jnp.int32),
            pltpu.VMEM((N,), jnp.float32),
            pltpu.VMEM((N,), jnp.float32),
            pltpu.VMEM((NBW * K, DW), jnp.float32),
            pltpu.VMEM((NBG, K, DH), jnp.bfloat16),
            pltpu.VMEM((NBS, K, DH), jnp.float32),
            pltpu.VMEM_SHARED((N, DH), jnp.float32),
            pltpu.VMEM_SHARED((N, DW), jnp.float32),
            pltpu.SemaphoreType.DMA,
            pltpu.SemaphoreType.DMA,
            pltpu.SemaphoreType.DMA,
            pltpu.SemaphoreType.DMA,
        ],
    )
    return f(hpads, a_s, a_d, src, dst, zeros_blk, zd)



def kernel(x, edge_index, W1, att_src1, att_dst1, b1, W2, att_src2, att_dst2,
           b2):
    src = edge_index[0].reshape(NS, NCHUNK, K)
    dst = edge_index[1].reshape(NS, NCHUNK, K)
    zeros_blk = jnp.zeros((RSUB, DH), jnp.float32)
    zd = jnp.zeros((RSUB, DW), jnp.float32)
    pmat = jnp.eye(D, dtype=jnp.float32)[PERM]

    hpads1, a_s1, a_d1, sw1 = _tc_prep(
        x, W1[:, PERM], att_src1.reshape(D, 1)[PERM],
        att_dst1.reshape(D, 1)[PERM])
    acc1, den1 = _sc_edge(hpads1, a_s1.reshape(N), a_d1.reshape(N), src, dst,
                          zeros_blk, zd)
    hpads2, a_s2, a_d2, sw2 = _tc_mid(
        acc1, den1, sw1, hpads1, pmat, b1.reshape(1, D), W2[:, PERM],
        att_src2.reshape(D, 1)[PERM], att_dst2.reshape(D, 1)[PERM])
    acc2, den2 = _sc_edge(hpads2, a_s2.reshape(N), a_d2.reshape(N), src, dst,
                          zeros_blk, zd)
    return _tc_fin(acc2, den2, sw2, hpads2, pmat, b2.reshape(1, D))

# --- scband reference (transcript-rebuilt; emitter-appended) ---
"""Pipeline reference for scband-gatmodel-5214090297617 (READ-ONLY COPY).

The authoritative reference and input builder live on the scoring server;
editing this copy changes nothing except your own understanding.
"""

import jax, jax.numpy as jnp
import numpy as np

N = 10000
E = 320000
D_IN = 128
HID = 128
OUT = 128
HEADS = 1


def setup_inputs(seed: int = 0) -> dict:
    key = jax.random.key(seed)
    ks = jax.random.split(key, 10)
    x = jax.random.normal(ks[0], (N, D_IN), dtype=jnp.float32)
    edge_index = jax.random.randint(ks[1], (2, E), 0, N, dtype=jnp.int32)
    W1 = jax.random.normal(ks[2], (D_IN, HEADS * HID), dtype=jnp.float32) * 0.1
    att_src1 = jax.random.normal(ks[3], (1, HEADS, HID), dtype=jnp.float32) * 0.1
    att_dst1 = jax.random.normal(ks[4], (1, HEADS, HID), dtype=jnp.float32) * 0.1
    b1 = jnp.zeros((HEADS * HID,), dtype=jnp.float32)
    W2 = jax.random.normal(ks[5], (HEADS * HID, OUT), dtype=jnp.float32) * 0.1
    att_src2 = jax.random.normal(ks[6], (1, 1, OUT), dtype=jnp.float32) * 0.1
    att_dst2 = jax.random.normal(ks[7], (1, 1, OUT), dtype=jnp.float32) * 0.1
    b2 = jnp.zeros((OUT,), dtype=jnp.float32)
    return {"x": x, "edge_index": edge_index, "W1": W1, "att_src1": att_src1,
            "att_dst1": att_dst1, "b1": b1, "W2": W2, "att_src2": att_src2,
            "att_dst2": att_dst2, "b2": b2}


def gat_conv(x, edge_index, W, att_s, att_d, b, heads, out_ch):
    # PyG-style GATConv with add_self_loops=True
    n = x.shape[0]
    loop = jnp.arange(n, dtype=edge_index.dtype)
    src = jnp.concatenate([edge_index[0], loop])
    dst = jnp.concatenate([edge_index[1], loop])
    h = (x @ W).reshape(n, heads, out_ch)
    a_s = (h * att_s).sum(-1)  # [n, heads]
    a_d = (h * att_d).sum(-1)  # [n, heads]
    alpha = jax.nn.leaky_relu(a_s[src] + a_d[dst], negative_slope=0.2)  # [E+n, heads]
    amax = jax.lax.stop_gradient(jax.ops.segment_max(alpha, dst, num_segments=n))
    alpha = jnp.exp(alpha - amax[dst])
    denom = jax.ops.segment_sum(alpha, dst, num_segments=n)
    alpha = alpha / (denom[dst] + 1e-16)
    msg = h[src] * alpha[:, :, None]  # gather + weight
    out = jax.ops.segment_sum(msg, dst, num_segments=n)  # scatter-add
    return out.reshape(n, heads * out_ch) + b


def reference(x, edge_index, W1, att_src1, att_dst1, b1, W2, att_src2, att_dst2, b2):
    h = jax.nn.relu(gat_conv(x, edge_index, W1, att_src1, att_dst1, b1, HEADS, HID))
    # dropout p=0.5 is identity in eval mode
    out = gat_conv(h, edge_index, W2, att_src2, att_dst2, b2, 1, OUT)
    return out

if __name__ == "__main__":
    import jax
    _d = setup_inputs()
    print(jax.jit(kernel)(*tuple(_d.values())))

</pallas_src>

<mosaic_0001>
#map = affine_map<(d0, d1) -> (0, 0, 0)>
#map1 = affine_map<(d0, d1) -> (0)>
#map2 = affine_map<(d0, d1) -> (0, 0)>
module attributes {stable_mosaic.version = 14 : i64} {
  func.func @_sc_body(%arg0: i32, %arg1: i32, %arg2: memref<2x10000x64xbf16, #tpu.memory_space<hbm>>, %arg3: memref<10000xf32, #tpu.memory_space<hbm>>, %arg4: memref<10000xf32, #tpu.memory_space<hbm>>, %arg5: memref<16x250x80xi32, #tpu.memory_space<hbm>>, %arg6: memref<16x250x80xi32, #tpu.memory_space<hbm>>, %arg7: memref<624x64xf32, #tpu.memory_space<hbm>>, %arg8: memref<624x8xf32, #tpu.memory_space<hbm>>, %arg9: memref<2x10000x64xf32, #tpu.memory_space<hbm>>, %arg10: memref<2x10000x8xf32, #tpu.memory_space<hbm>>, %arg11: memref<250x80xi32, #tpu.memory_space<vmem>>, %arg12: memref<250x80xi32, #tpu.memory_space<vmem>>, %arg13: memref<10000xf32, #tpu.memory_space<vmem>>, %arg14: memref<10000xf32, #tpu.memory_space<vmem>>, %arg15: memref<320x8xf32, #tpu.memory_space<vmem>>, %arg16: memref<3x80x64xbf16, #tpu.memory_space<vmem>>, %arg17: memref<3x80x64xf32, #tpu.memory_space<vmem>>, %arg18: memref<10000x64xf32, #tpu.memory_space<vmem_shared>>, %arg19: memref<10000x8xf32, #tpu.memory_space<vmem_shared>>, %arg20: memref<!tpu.dma_semaphore, #tpu.memory_space<semaphore_mem>>, %arg21: memref<!tpu.dma_semaphore, #tpu.memory_space<semaphore_mem>>, %arg22: memref<!tpu.dma_semaphore, #tpu.memory_space<semaphore_mem>>, %arg23: memref<!tpu.dma_semaphore, #tpu.memory_space<semaphore_mem>>) attributes {dimension_semantics = [#tpu.dimension_semantics<core_parallel>, #tpu.dimension_semantics<subcore_parallel>], iteration_bounds = array<i64: 2, 16>, scalar_prefetch = 0 : i64, scratch_operands = 13 : i64, tpu.core_type = #tpu.core_type<sc_vector_subcore>, window_params = [{transform_indices = #map}, {transform_indices = #map1}, {transform_indices = #map1}, {transform_indices = #map}, {transform_indices = #map}, {transform_indices = #map2}, {transform_indices = #map2}, {transform_indices = #map}, {transform_indices = #map}]} {
    %dma_start3A = arith.constant 0 : i32
    %dma_start3A_0 = arith.constant 0 : i32
    %dma_start3A_1 = tpu.memref_slice %arg5[%arg1, %dma_start3A, %dma_start3A_0] : memref<16x250x80xi32, #tpu.memory_space<hbm>> -> memref<1x250x80xi32, #tpu.memory_space<hbm>>
    %dma_start3A_2 = tpu.memref_squeeze %dma_start3A_1 : memref<1x250x80xi32, #tpu.memory_space<hbm>> -> memref<250x80xi32, #tpu.memory_space<hbm>>
    %dma_start3A_3 = arith.constant 0 : i32
    %dma_start3A_4 = arith.constant 0 : i32
    %dma_start3A_5 = tpu.memref_slice %arg5[%arg1, %dma_start3A_3, %dma_start3A_4] : memref<16x250x80xi32, #tpu.memory_space<hbm>> -> memref<1x250x80xi32, #tpu.memory_space<hbm>>
    %dma_start3A_6 = tpu.memref_squeeze %dma_start3A_5 : memref<1x250x80xi32, #tpu.memory_space<hbm>> -> memref<250x80xi32, #tpu.memory_space<hbm>>
    tpu.enqueue_dma source(%dma_start3A_6 : memref<250x80xi32, #tpu.memory_space<hbm>>) target(%arg11 : memref<250x80xi32, #tpu.memory_space<vmem>>) target_semaphore(%arg23 : memref<!tpu.dma_semaphore, #tpu.memory_space<semaphore_mem>>)
    %dma_start3A_7 = arith.constant 0 : i32
    %dma_start3A_8 = arith.constant 0 : i32
    %dma_start3A_9 = tpu.memref_slice %arg6[%arg1, %dma_start3A_7, %dma_start3A_8] : memref<16x250x80xi32, #tpu.memory_space<hbm>> -> memref<1x250x80xi32, #tpu.memory_space<hbm>>
    %dma_start3A_10 = tpu.memref_squeeze %dma_start3A_9 : memref<1x250x80xi32, #tpu.memory_space<hbm>> -> memref<250x80xi32, #tpu.memory_space<hbm>>
    %dma_start3A_11 = arith.constant 0 : i32
    %dma_start3A_12 = arith.constant 0 : i32
    %dma_start3A_13 = tpu.memref_slice %arg6[%arg1, %dma_start3A_11, %dma_start3A_12] : memref<16x250x80xi32, #tpu.memory_space<hbm>> -> memref<1x250x80xi32, #tpu.memory_space<hbm>>
    %dma_start3A_14 = tpu.memref_squeeze %dma_start3A_13 : memref<1x250x80xi32, #tpu.memory_space<hbm>> -> memref<250x80xi32, #tpu.memory_space<hbm>>
    tpu.enqueue_dma source(%dma_start3A_14 : memref<250x80xi32, #tpu.memory_space<hbm>>) target(%arg12 : memref<250x80xi32, #tpu.memory_space<vmem>>) target_semaphore(%arg23 : memref<!tpu.dma_semaphore, #tpu.memory_space<semaphore_mem>>)
    tpu.enqueue_dma source(%arg3 : memref<10000xf32, #tpu.memory_space<hbm>>) target(%arg13 : memref<10000xf32, #tpu.memory_space<vmem>>) target_semaphore(%arg23 : memref<!tpu.dma_semaphore, #tpu.memory_space<semaphore_mem>>)
    tpu.enqueue_dma source(%arg4 : memref<10000xf32, #tpu.memory_space<hbm>>) target(%arg14 : memref<10000xf32, #tpu.memory_space<vmem>>) target_semaphore(%arg23 : memref<!tpu.dma_semaphore, #tpu.memory_space<semaphore_mem>>)
    %mul3A = arith.constant 624 : i32
    %mul3A_15 = arith.muli %arg1, %mul3A : i32
    %dma_start3A_16 = arith.constant 0 : i32
    %dma_start3A_17 = tpu.memref_slice %arg18[%mul3A_15, %dma_start3A_16] : memref<10000x64xf32, #tpu.memory_space<vmem_shared>> -> memref<624x64xf32, #tpu.memory_space<vmem_shared>>
    tpu.enqueue_dma source(%arg7 : memref<624x64xf32, #tpu.memory_space<hbm>>) target(%dma_start3A_17 : memref<624x64xf32, #tpu.memory_space<vmem_shared>>) target_semaphore(%arg23 : memref<!tpu.dma_semaphore, #tpu.memory_space<semaphore_mem>>)
    %mul3A_18 = arith.constant 624 : i32
    %mul3A_19 = arith.muli %arg1, %mul3A_18 : i32
    %dma_start3A_20 = arith.constant 0 : i32
    %dma_start3A_21 = tpu.memref_slice %arg19[%mul3A_19, %dma_start3A_20] : memref<10000x8xf32, #tpu.memory_space<vmem_shared>> -> memref<624x8xf32, #tpu.memory_space<vmem_shared>>
    %dma_start3A_22 = arith.constant 0 : i32
    %dma_start3A_23 = arith.constant 0 : i32
    %dma_start3A_24 = tpu.memref_slice %arg8[%dma_start3A_22, %dma_start3A_23] : memref<624x8xf32, #tpu.memory_space<hbm>> -> memref<624x8xf32, #tpu.memory_space<hbm>>
    tpu.enqueue_dma source(%dma_start3A_24 : memref<624x8xf32, #tpu.memory_space<hbm>>) target(%dma_start3A_21 : memref<624x8xf32, #tpu.memory_space<vmem_shared>>) target_semaphore(%arg23 : memref<!tpu.dma_semaphore, #tpu.memory_space<semaphore_mem>>)
    %dma_start3A_25 = arith.constant 0 : i32
    %dma_start3A_26 = arith.constant 0 : i32
    %dma_start3A_27 = tpu.memref_slice %arg8[%dma_start3A_25, %dma_start3A_26] : memref<624x8xf32, #tpu.memory_space<hbm>> -> memref<320x8xf32, #tpu.memory_space<hbm>>
    %dma_start3A_28 = arith.constant 0 : i32
    %dma_start3A_29 = arith.constant 0 : i32
    %dma_start3A_30 = tpu.memref_slice %arg8[%dma_start3A_28, %dma_start3A_29] : memref<624x8xf32, #tpu.memory_space<hbm>> -> memref<320x8xf32, #tpu.memory_space<hbm>>
    tpu.enqueue_dma source(%dma_start3A_30 : memref<320x8xf32, #tpu.memory_space<hbm>>) target(%arg15 : memref<320x8xf32, #tpu.memory_space<vmem>>) target_semaphore(%arg23 : memref<!tpu.dma_semaphore, #tpu.memory_space<semaphore_mem>>)
    %eq3A = arith.constant 15 : i32
    %eq3A_31 = arith.cmpi eq, %arg1, %eq3A : i32
    %convert_element_type3A = arith.extui %eq3A_31 : i1 to i32
    %cond3A = arith.constant 0 : i32
    %cond3A_32 = arith.cmpi ne, %convert_element_type3A, %cond3A : i32
    scf.if %cond3A_32 {
      %dma_start3A_252 = arith.constant 9984 : i32
      %dma_start3A_253 = arith.constant 0 : i32
      %dma_start3A_254 = tpu.memref_slice %arg18[%dma_start3A_252, %dma_start3A_253] : memref<10000x64xf32, #tpu.memory_space<vmem_shared>> -> memref<16x64xf32, #tpu.memory_space<vmem_shared>>
      %dma_start3A_255 = arith.constant 0 : i32
      %dma_start3A_256 = arith.constant 0 : i32
      %dma_start3A_257 = tpu.memref_slice %arg7[%dma_start3A_255, %dma_start3A_256] : memref<624x64xf32, #tpu.memory_space<hbm>> -> memref<16x64xf32, #tpu.memory_space<hbm>>
      tpu.enqueue_dma source(%dma_start3A_257 : memref<16x64xf32, #tpu.memory_space<hbm>>) target(%dma_start3A_254 : memref<16x64xf32, #tpu.memory_space<vmem_shared>>) target_semaphore(%arg23 : memref<!tpu.dma_semaphore, #tpu.memory_space<semaphore_mem>>)
      %dma_start3A_258 = arith.constant 9984 : i32
      %dma_start3A_259 = arith.constant 0 : i32
      %dma_start3A_260 = tpu.memref_slice %arg19[%dma_start3A_258, %dma_start3A_259] : memref<10000x8xf32, #tpu.memory_space<vmem_shared>> -> memref<16x8xf32, #tpu.memory_space<vmem_shared>>
      %dma_start3A_261 = arith.constant 0 : i32
      %dma_start3A_262 = arith.constant 0 : i32
      %dma_start3A_263 = tpu.memref_slice %arg8[%dma_start3A_261, %dma_start3A_262] : memref<624x8xf32, #tpu.memory_space<hbm>> -> memref<16x8xf32, #tpu.memory_space<hbm>>
      tpu.enqueue_dma source(%dma_start3A_263 : memref<16x8xf32, #tpu.memory_space<hbm>>) target(%dma_start3A_260 : memref<16x8xf32, #tpu.memory_space<vmem_shared>>) target_semaphore(%arg23 : memref<!tpu.dma_semaphore, #tpu.memory_space<semaphore_mem>>)
    } else {
    }
    %dma_wait3A = arith.constant 0 : i32
    %dma_wait3A_33 = arith.constant 0 : i32
    %dma_wait3A_34 = tpu.memref_slice %arg5[%arg1, %dma_wait3A, %dma_wait3A_33] : memref<16x250x80xi32, #tpu.memory_space<hbm>> -> memref<1x250x80xi32, #tpu.memory_space<hbm>>
    %dma_wait3A_35 = tpu.memref_squeeze %dma_wait3A_34 : memref<1x250x80xi32, #tpu.memory_space<hbm>> -> memref<250x80xi32, #tpu.memory_space<hbm>>
    %dma_wait3A_36 = arith.constant 0 : i32
    %dma_wait3A_37 = arith.constant 0 : i32
    %dma_wait3A_38 = tpu.memref_slice %arg5[%arg1, %dma_wait3A_36, %dma_wait3A_37] : memref<16x250x80xi32, #tpu.memory_space<hbm>> -> memref<1x250x80xi32, #tpu.memory_space<hbm>>
    %dma_wait3A_39 = tpu.memref_squeeze %dma_wait3A_38 : memref<1x250x80xi32, #tpu.memory_space<hbm>> -> memref<250x80xi32, #tpu.memory_space<hbm>>
    tpu.wait_dma2 semaphore(%arg23 : memref<!tpu.dma_semaphore, #tpu.memory_space<semaphore_mem>>) src(%dma_wait3A_39 : memref<250x80xi32, #tpu.memory_space<hbm>>) dst(%arg11 : memref<250x80xi32, #tpu.memory_space<vmem>>)
    %dma_start3A_40 = arith.constant 0 : i32
    %dma_start3A_41 = arith.constant 0 : i32
    %dma_start3A_42 = arith.constant 0 : i32
    %dma_start3A_43 = arith.constant 0 : i32
    %dma_start3A_44 = tpu.memref_slice %arg16[%dma_start3A_41, %dma_start3A_42, %dma_start3A_43] : memref<3x80x64xbf16, #tpu.memory_space<vmem>> -> memref<1x80x64xbf16, #tpu.memory_space<vmem>>
    %dma_start3A_45 = tpu.memref_squeeze %dma_start3A_44 : memref<1x80x64xbf16, #tpu.memory_space<vmem>> -> memref<80x64xbf16, #tpu.memory_space<vmem>>
    %dma_start3A_46 = arith.constant 0 : i32
    %dma_start3A_47 = tpu.memref_slice %arg11[%dma_start3A_40, %dma_start3A_46] : memref<250x80xi32, #tpu.memory_space<vmem>> -> memref<1x80xi32, #tpu.memory_space<vmem>>
    %dma_start3A_48 = tpu.memref_squeeze %dma_start3A_47 : memref<1x80xi32, #tpu.memory_space<vmem>> -> memref<80xi32, #tpu.memory_space<vmem>>
    %dma_start3A_49 = arith.constant 0 : i32
    %dma_start3A_50 = arith.constant 0 : i32
    %dma_start3A_51 = tpu.memref_slice %arg2[%arg0, %dma_start3A_49, %dma_start3A_50] : memref<2x10000x64xbf16, #tpu.memory_space<hbm>> -> memref<1x10000x64xbf16, #tpu.memory_space<hbm>>
    %dma_start3A_52 = tpu.memref_squeeze %dma_start3A_51 : memref<1x10000x64xbf16, #tpu.memory_space<hbm>> -> memref<10000x64xbf16, #tpu.memory_space<hbm>>
    %dma_start3A_53 = arith.constant 0 : i32
    %dma_start3A_54 = arith.constant 0 : i32
    %dma_start3A_55 = tpu.memref_slice %dma_start3A_52[%dma_start3A_53, %dma_start3A_54] : memref<10000x64xbf16, #tpu.memory_space<hbm>> -> memref<10000x64xbf16, #tpu.memory_space<hbm>>
    tpu.enqueue_indirect_dma source(%dma_start3A_55 : memref<10000x64xbf16, #tpu.memory_space<hbm>>) target(%dma_start3A_45 : memref<80x64xbf16, #tpu.memory_space<vmem>>) offsets(%dma_start3A_48 : memref<80xi32, #tpu.memory_space<vmem>>) semaphore(%arg20 : memref<!tpu.dma_semaphore, #tpu.memory_space<semaphore_mem>>)
    %dma_start3A_56 = arith.constant 1 : i32
    %dma_start3A_57 = arith.constant 1 : i32
    %dma_start3A_58 = arith.constant 0 : i32
    %dma_start3A_59 = arith.constant 0 : i32
    %dma_start3A_60 = tpu.memref_slice %arg16[%dma_start3A_57, %dma_start3A_58, %dma_start3A_59] : memref<3x80x64xbf16, #tpu.memory_space<vmem>> -> memref<1x80x64xbf16, #tpu.memory_space<vmem>>
    %dma_start3A_61 = tpu.memref_squeeze %dma_start3A_60 : memref<1x80x64xbf16, #tpu.memory_space<vmem>> -> memref<80x64xbf16, #tpu.memory_space<vmem>>
    %dma_start3A_62 = arith.constant 0 : i32
    %dma_start3A_63 = tpu.memref_slice %arg11[%dma_start3A_56, %dma_start3A_62] : memref<250x80xi32, #tpu.memory_space<vmem>> -> memref<1x80xi32, #tpu.memory_space<vmem>>
    %dma_start3A_64 = tpu.memref_squeeze %dma_start3A_63 : memref<1x80xi32, #tpu.memory_space<vmem>> -> memref<80xi32, #tpu.memory_space<vmem>>
    %dma_start3A_65 = arith.constant 0 : i32
    %dma_start3A_66 = arith.constant 0 : i32
    %dma_start3A_67 = tpu.memref_slice %arg2[%arg0, %dma_start3A_65, %dma_start3A_66] : memref<2x10000x64xbf16, #tpu.memory_space<hbm>> -> memref<1x10000x64xbf16, #tpu.memory_space<hbm>>
    %dma_start3A_68 = tpu.memref_squeeze %dma_start3A_67 : memref<1x10000x64xbf16, #tpu.memory_space<hbm>> -> memref<10000x64xbf16, #tpu.memory_space<hbm>>
    %dma_start3A_69 = arith.constant 0 : i32
    %dma_start3A_70 = arith.constant 0 : i32
    %dma_start3A_71 = tpu.memref_slice %dma_start3A_68[%dma_start3A_69, %dma_start3A_70] : memref<10000x64xbf16, #tpu.memory_space<hbm>> -> memref<10000x64xbf16, #tpu.memory_space<hbm>>
    tpu.enqueue_indirect_dma source(%dma_start3A_71 : memref<10000x64xbf16, #tpu.memory_space<hbm>>) target(%dma_start3A_61 : memref<80x64xbf16, #tpu.memory_space<vmem>>) offsets(%dma_start3A_64 : memref<80xi32, #tpu.memory_space<vmem>>) semaphore(%arg20 : memref<!tpu.dma_semaphore, #tpu.memory_space<semaphore_mem>>)
    %dma_wait3A_72 = arith.constant 0 : i32
    %dma_wait3A_73 = arith.constant 0 : i32
    %dma_wait3A_74 = tpu.memref_slice %arg6[%arg1, %dma_wait3A_72, %dma_wait3A_73] : memref<16x250x80xi32, #tpu.memory_space<hbm>> -> memref<1x250x80xi32, #tpu.memory_space<hbm>>
    %dma_wait3A_75 = tpu.memref_squeeze %dma_wait3A_74 : memref<1x250x80xi32, #tpu.memory_space<hbm>> -> memref<250x80xi32, #tpu.memory_space<hbm>>
    %dma_wait3A_76 = arith.constant 0 : i32
    %dma_wait3A_77 = arith.constant 0 : i32
    %dma_wait3A_78 = tpu.memref_slice %arg6[%arg1, %dma_wait3A_76, %dma_wait3A_77] : memref<16x250x80xi32, #tpu.memory_space<hbm>> -> memref<1x250x80xi32, #tpu.memory_space<hbm>>
    %dma_wait3A_79 = tpu.memref_squeeze %dma_wait3A_78 : memref<1x250x80xi32, #tpu.memory_space<hbm>> -> memref<250x80xi32, #tpu.memory_space<hbm>>
    tpu.wait_dma2 semaphore(%arg23 : memref<!tpu.dma_semaphore, #tpu.memory_space<semaphore_mem>>) src(%dma_wait3A_79 : memref<250x80xi32, #tpu.memory_space<hbm>>) dst(%arg12 : memref<250x80xi32, #tpu.memory_space<vmem>>)
    tpu.wait_dma2 semaphore(%arg23 : memref<!tpu.dma_semaphore, #tpu.memory_space<semaphore_mem>>) src(%arg3 : memref<10000xf32, #tpu.memory_space<hbm>>) dst(%arg13 : memref<10000xf32, #tpu.memory_space<vmem>>)
    tpu.wait_dma2 semaphore(%arg23 : memref<!tpu.dma_semaphore, #tpu.memory_space<semaphore_mem>>) src(%arg4 : memref<10000xf32, #tpu.memory_space<hbm>>) dst(%arg14 : memref<10000xf32, #tpu.memory_space<vmem>>)
    %mul3A_80 = arith.constant 624 : i32
    %mul3A_81 = arith.muli %arg1, %mul3A_80 : i32
    %dma_wait3A_82 = arith.constant 0 : i32
    %dma_wait3A_83 = tpu.memref_slice %arg18[%mul3A_81, %dma_wait3A_82] : memref<10000x64xf32, #tpu.memory_space<vmem_shared>> -> memref<624x64xf32, #tpu.memory_space<vmem_shared>>
    tpu.wait_dma2 semaphore(%arg23 : memref<!tpu.dma_semaphore, #tpu.memory_space<semaphore_mem>>) src(%arg7 : memref<624x64xf32, #tpu.memory_space<hbm>>) dst(%dma_wait3A_83 : memref<624x64xf32, #tpu.memory_space<vmem_shared>>)
    %mul3A_84 = arith.constant 624 : i32
    %mul3A_85 = arith.muli %arg1, %mul3A_84 : i32
    %dma_wait3A_86 = arith.constant 0 : i32
    %dma_wait3A_87 = tpu.memref_slice %arg19[%mul3A_85, %dma_wait3A_86] : memref<10000x8xf32, #tpu.memory_space<vmem_shared>> -> memref<624x8xf32, #tpu.memory_space<vmem_shared>>
    %dma_wait3A_88 = arith.constant 0 : i32
    %dma_wait3A_89 = arith.constant 0 : i32
    %dma_wait3A_90 = tpu.memref_slice %arg8[%dma_wait3A_88, %dma_wait3A_89] : memref<624x8xf32, #tpu.memory_space<hbm>> -> memref<624x8xf32, #tpu.memory_space<hbm>>
    tpu.wait_dma2 semaphore(%arg23 : memref<!tpu.dma_semaphore, #tpu.memory_space<semaphore_mem>>) src(%dma_wait3A_90 : memref<624x8xf32, #tpu.memory_space<hbm>>) dst(%dma_wait3A_87 : memref<624x8xf32, #tpu.memory_space<vmem_shared>>)
    %dma_wait3A_91 = arith.constant 0 : i32
    %dma_wait3A_92 = arith.constant 0 : i32
    %dma_wait3A_93 = tpu.memref_slice %arg8[%dma_wait3A_91, %dma_wait3A_92] : memref<624x8xf32, #tpu.memory_space<hbm>> -> memref<320x8xf32, #tpu.memory_space<hbm>>
    %dma_wait3A_94 = arith.constant 0 : i32
    %dma_wait3A_95 = arith.constant 0 : i32
    %dma_wait3A_96 = tpu.memref_slice %arg8[%dma_wait3A_94, %dma_wait3A_95] : memref<624x8xf32, #tpu.memory_space<hbm>> -> memref<320x8xf32, #tpu.memory_space<hbm>>
    tpu.wait_dma2 semaphore(%arg23 : memref<!tpu.dma_semaphore, #tpu.memory_space<semaphore_mem>>) src(%dma_wait3A_96 : memref<320x8xf32, #tpu.memory_space<hbm>>) dst(%arg15 : memref<320x8xf32, #tpu.memory_space<vmem>>)
    %eq3A_97 = arith.constant 15 : i32
    %eq3A_98 = arith.cmpi eq, %arg1, %eq3A_97 : i32
    %convert_element_type3A_99 = arith.extui %eq3A_98 : i1 to i32
    %cond3A_100 = arith.constant 0 : i32
    %cond3A_101 = arith.cmpi ne, %convert_element_type3A_99, %cond3A_100 : i32
    scf.if %cond3A_101 {
      %dma_wait3A_252 = arith.constant 9984 : i32
      %dma_wait3A_253 = arith.constant 0 : i32
      %dma_wait3A_254 = tpu.memref_slice %arg18[%dma_wait3A_252, %dma_wait3A_253] : memref<10000x64xf32, #tpu.memory_space<vmem_shared>> -> memref<16x64xf32, #tpu.memory_space<vmem_shared>>
      %dma_wait3A_255 = arith.constant 0 : i32
      %dma_wait3A_256 = arith.constant 0 : i32
      %dma_wait3A_257 = tpu.memref_slice %arg7[%dma_wait3A_255, %dma_wait3A_256] : memref<624x64xf32, #tpu.memory_space<hbm>> -> memref<16x64xf32, #tpu.memory_space<hbm>>
      tpu.wait_dma2 semaphore(%arg23 : memref<!tpu.dma_semaphore, #tpu.memory_space<semaphore_mem>>) src(%dma_wait3A_257 : memref<16x64xf32, #tpu.memory_space<hbm>>) dst(%dma_wait3A_254 : memref<16x64xf32, #tpu.memory_space<vmem_shared>>)
      %dma_wait3A_258 = arith.constant 9984 : i32
      %dma_wait3A_259 = arith.constant 0 : i32
      %dma_wait3A_260 = tpu.memref_slice %arg19[%dma_wait3A_258, %dma_wait3A_259] : memref<10000x8xf32, #tpu.memory_space<vmem_shared>> -> memref<16x8xf32, #tpu.memory_space<vmem_shared>>
      %dma_wait3A_261 = arith.constant 0 : i32
      %dma_wait3A_262 = arith.constant 0 : i32
      %dma_wait3A_263 = tpu.memref_slice %arg8[%dma_wait3A_261, %dma_wait3A_262] : memref<624x8xf32, #tpu.memory_space<hbm>> -> memref<16x8xf32, #tpu.memory_space<hbm>>
      tpu.wait_dma2 semaphore(%arg23 : memref<!tpu.dma_semaphore, #tpu.memory_space<semaphore_mem>>) src(%dma_wait3A_263 : memref<16x8xf32, #tpu.memory_space<hbm>>) dst(%dma_wait3A_260 : memref<16x8xf32, #tpu.memory_space<vmem_shared>>)
    } else {
    }
    %barrier3A = arith.constant 0 : index
    tpu.barrier barrier_id(%barrier3A)
    %broadcast_in_dim3A = arith.constant 0 : i32
    %broadcast_in_dim3A_102 = vector.broadcast %broadcast_in_dim3A : i32 to vector<16xi32>
    %iota3A = tpu.iota {dimensions = array<i32: 0>} : vector<16xi32>
    %scan3A = arith.constant 0 : i32
    %scan3A_103 = arith.constant 0 : i32
    %scan3A_104 = arith.constant 250 : i32
    %scan3A_105 = arith.addi %scan3A_103, %scan3A_104 : i32
    %scan3A_106 = arith.constant 1 : i32
    scf.for %scan3A_252 = %scan3A_103 to %scan3A_105 step %scan3A_106  : i32 {
      %rem3A_253 = arith.constant 3 : i32
      %rem3A_254 = arith.remsi %scan3A_252, %rem3A_253 : i32
      %rem3A_255 = arith.constant 3 : i32
      %rem3A_256 = arith.remsi %scan3A_252, %rem3A_255 : i32
      %rem3A_257 = arith.constant 4 : i32
      %rem3A_258 = arith.remsi %scan3A_252, %rem3A_257 : i32
      %ge3A = arith.constant 4 : i32
      %ge3A_259 = arith.cmpi sge, %scan3A_252, %ge3A : i32
      %convert_element_type3A_260 = arith.extui %ge3A_259 : i1 to i32
      %cond3A_261 = arith.constant 0 : i32
      %cond3A_262 = arith.cmpi ne, %convert_element_type3A_260, %cond3A_261 : i32
      scf.if %cond3A_262 {
        %mul3A_403 = arith.constant 80 : i32
        %mul3A_404 = arith.muli %rem3A_258, %mul3A_403 : i32
        %sub3A = arith.constant 4 : i32
        %sub3A_405 = arith.subi %scan3A_252, %sub3A : i32
        %dma_wait3A_406 = arith.constant 0 : i32
        %dma_wait3A_407 = tpu.memref_slice %arg15[%mul3A_404, %dma_wait3A_406] : memref<320x8xf32, #tpu.memory_space<vmem>> -> memref<80x8xf32, #tpu.memory_space<vmem>>
        %dma_wait3A_408 = arith.constant 0 : i32
        %dma_wait3A_409 = tpu.memref_slice %arg12[%sub3A_405, %dma_wait3A_408] : memref<250x80xi32, #tpu.memory_space<vmem>> -> memref<1x80xi32, #tpu.memory_space<vmem>>
        %dma_wait3A_410 = tpu.memref_squeeze %dma_wait3A_409 : memref<1x80xi32, #tpu.memory_space<vmem>> -> memref<80xi32, #tpu.memory_space<vmem>>
        %dma_wait3A_411 = arith.constant 0 : i32
        %dma_wait3A_412 = arith.constant 0 : i32
        %dma_wait3A_413 = tpu.memref_slice %arg19[%dma_wait3A_411, %dma_wait3A_412] : memref<10000x8xf32, #tpu.memory_space<vmem_shared>> -> memref<10000x8xf32, #tpu.memory_space<vmem_shared>>
        tpu.wait_indirect_dma semaphore(%arg22 : memref<!tpu.dma_semaphore, #tpu.memory_space<semaphore_mem>>) src(%dma_wait3A_407 : memref<80x8xf32, #tpu.memory_space<vmem>>) dst(%dma_wait3A_413 : memref<10000x8xf32, #tpu.memory_space<vmem_shared>>)
      } else {
      }
      %lt3A = arith.constant 248 : i32
      %lt3A_263 = arith.cmpi slt, %scan3A_252, %lt3A : i32
      %convert_element_type3A_264 = arith.extui %lt3A_263 : i1 to i32
      %cond3A_265 = arith.constant 0 : i32
      %cond3A_266 = arith.cmpi ne, %convert_element_type3A_264, %cond3A_265 : i32
      scf.if %cond3A_266 {
        %add3A_403 = arith.constant 2 : i32
        %add3A_404 = arith.addi %scan3A_252, %add3A_403 : i32
        %add3A_405 = arith.constant 2 : i32
        %add3A_406 = arith.addi %scan3A_252, %add3A_405 : i32
        %rem3A_407 = arith.constant 3 : i32
        %rem3A_408 = arith.remsi %add3A_406, %rem3A_407 : i32
        %dma_start3A_409 = arith.constant 0 : i32
        %dma_start3A_410 = arith.constant 0 : i32
        %dma_start3A_411 = tpu.memref_slice %arg16[%rem3A_408, %dma_start3A_409, %dma_start3A_410] : memref<3x80x64xbf16, #tpu.memory_space<vmem>> -> memref<1x80x64xbf16, #tpu.memory_space<vmem>>
        %dma_start3A_412 = tpu.memref_squeeze %dma_start3A_411 : memref<1x80x64xbf16, #tpu.memory_space<vmem>> -> memref<80x64xbf16, #tpu.memory_space<vmem>>
        %dma_start3A_413 = arith.constant 0 : i32
        %dma_start3A_414 = tpu.memref_slice %arg11[%add3A_404, %dma_start3A_413] : memref<250x80xi32, #tpu.memory_space<vmem>> -> memref<1x80xi32, #tpu.memory_space<vmem>>
        %dma_start3A_415 = tpu.memref_squeeze %dma_start3A_414 : memref<1x80xi32, #tpu.memory_space<vmem>> -> memref<80xi32, #tpu.memory_space<vmem>>
        %dma_start3A_416 = arith.constant 0 : i32
        %dma_start3A_417 = arith.constant 0 : i32
        %dma_start3A_418 = tpu.memref_slice %arg2[%arg0, %dma_start3A_416, %dma_start3A_417] : memref<2x10000x64xbf16, #tpu.memory_space<hbm>> -> memref<1x10000x64xbf16, #tpu.memory_space<hbm>>
        %dma_start3A_419 = tpu.memref_squeeze %dma_start3A_418 : memref<1x10000x64xbf16, #tpu.memory_space<hbm>> -> memref<10000x64xbf16, #tpu.memory_space<hbm>>
        %dma_start3A_420 = arith.constant 0 : i32
        %dma_start3A_421 = arith.constant 0 : i32
        %dma_start3A_422 = tpu.memref_slice %dma_start3A_419[%dma_start3A_420, %dma_start3A_421] : memref<10000x64xbf16, #tpu.memory_space<hbm>> -> memref<10000x64xbf16, #tpu.memory_space<hbm>>
        tpu.enqueue_indirect_dma source(%dma_start3A_422 : memref<10000x64xbf16, #tpu.memory_space<hbm>>) target(%dma_start3A_412 : memref<80x64xbf16, #tpu.memory_space<vmem>>) offsets(%dma_start3A_415 : memref<80xi32, #tpu.memory_space<vmem>>) semaphore(%arg20 : memref<!tpu.dma_semaphore, #tpu.memory_space<semaphore_mem>>)
      } else {
      }
      %get3A = arith.index_cast %scan3A_252 : i32 to index
      %get3A_267 = arith.constant 0 : index
      %get3A_268 = tpu.vector_load %arg11[%get3A, %get3A_267] {strides = array<i32>} : memref<250x80xi32, #tpu.memory_space<vmem>>, vector<16xi32>,
      %get3A_269 = arith.index_cast %scan3A_252 : i32 to index
      %get3A_270 = arith.constant 0 : index
      %get3A_271 = tpu.vector_load %arg12[%get3A_269, %get3A_270] {strides = array<i32>} : memref<250x80xi32, #tpu.memory_space<vmem>>, vector<16xi32>,
      %gather3A = tpu.vector_load_idx %arg13[%get3A_268] : memref<10000xf32, #tpu.memory_space<vmem>>[vector<16xi32>], vector<16xf32>,
      %gather3A_272 = tpu.vector_load_idx %arg14[%get3A_271] : memref<10000xf32, #tpu.memory_space<vmem>>[vector<16xi32>], vector<16xf32>,
      %add3A = arith.addf %gather3A, %gather3A_272 : vector<16xf32>
      %mul3A_273 = arith.constant 2.000000e-01 : f32
      %mul3A_274 = vector.broadcast %mul3A_273 : f32 to vector<16xf32>
      %mul3A_275 = arith.mulf %mul3A_274, %add3A : vector<16xf32>
      %max3A = arith.maximumf %add3A, %mul3A_275 : vector<16xf32>
      %exp3A = math.exp %max3A : vector<16xf32>
      %mul3A_276 = arith.constant 80 : i32
      %mul3A_277 = arith.muli %rem3A_258, %mul3A_276 : i32
      %add3A_278 = arith.constant 0 : i32
      %add3A_279 = arith.addi %mul3A_277, %add3A_278 : i32
      %add3A_280 = vector.broadcast %add3A_279 : i32 to vector<16xi32>
      %add3A_281 = arith.addi %add3A_280, %iota3A : vector<16xi32>
      tpu.vector_store_idx %arg15[%add3A_281, %broadcast_in_dim3A_102], %exp3A : memref<320x8xf32, #tpu.memory_space<vmem>>[vector<16xi32>, vector<16xi32>], vector<16xf32>,
      %get3A_282 = arith.index_cast %scan3A_252 : i32 to index
      %get3A_283 = arith.constant 16 : index
      %get3A_284 = tpu.vector_load %arg11[%get3A_282, %get3A_283] {strides = array<i32>} : memref<250x80xi32, #tpu.memory_space<vmem>>, vector<16xi32>,
      %get3A_285 = arith.index_cast %scan3A_252 : i32 to index
      %get3A_286 = arith.constant 16 : index
      %get3A_287 = tpu.vector_load %arg12[%get3A_285, %get3A_286] {strides = array<i32>} : memref<250x80xi32, #tpu.memory_space<vmem>>, vector<16xi32>,
      %gather3A_288 = tpu.vector_load_idx %arg13[%get3A_284] : memref<10000xf32, #tpu.memory_space<vmem>>[vector<16xi32>], vector<16xf32>,
      %gather3A_289 = tpu.vector_load_idx %arg14[%get3A_287] : memref<10000xf32, #tpu.memory_space<vmem>>[vector<16xi32>], vector<16xf32>,
      %add3A_290 = arith.addf %gather3A_288, %gather3A_289 : vector<16xf32>
      %mul3A_291 = arith.constant 2.000000e-01 : f32
      %mul3A_292 = vector.broadcast %mul3A_291 : f32 to vector<16xf32>
      %mul3A_293 = arith.mulf %mul3A_292, %add3A_290 : vector<16xf32>
      %max3A_294 = arith.maximumf %add3A_290, %mul3A_293 : vector<16xf32>
      %exp3A_295 = math.exp %max3A_294 : vector<16xf32>
      %mul3A_296 = arith.constant 80 : i32
      %mul3A_297 = arith.muli %rem3A_258, %mul3A_296 : i32
      %add3A_298 = arith.constant 16 : i32
      %add3A_299 = arith.addi %mul3A_297, %add3A_298 : i32
      %add3A_300 = vector.broadcast %add3A_299 : i32 to vector<16xi32>
      %add3A_301 = arith.addi %add3A_300, %iota3A : vector<16xi32>
      tpu.vector_store_idx %arg15[%add3A_301, %broadcast_in_dim3A_102], %exp3A_295 : memref<320x8xf32, #tpu.memory_space<vmem>>[vector<16xi32>, vector<16xi32>], vector<16xf32>,
      %get3A_302 = arith.index_cast %scan3A_252 : i32 to index
      %get3A_303 = arith.constant 32 : index
      %get3A_304 = tpu.vector_load %arg11[%get3A_302, %get3A_303] {strides = array<i32>} : memref<250x80xi32, #tpu.memory_space<vmem>>, vector<16xi32>,
      %get3A_305 = arith.index_cast %scan3A_252 : i32 to index
      %get3A_306 = arith.constant 32 : index
      %get3A_307 = tpu.vector_load %arg12[%get3A_305, %get3A_306] {strides = array<i32>} : memref<250x80xi32, #tpu.memory_space<vmem>>, vector<16xi32>,
      %gather3A_308 = tpu.vector_load_idx %arg13[%get3A_304] : memref<10000xf32, #tpu.memory_space<vmem>>[vector<16xi32>], vector<16xf32>,
      %gather3A_309 = tpu.vector_load_idx %arg14[%get3A_307] : memref<10000xf32, #tpu.memory_space<vmem>>[vector<16xi32>], vector<16xf32>,
      %add3A_310 = arith.addf %gather3A_308, %gather3A_309 : vector<16xf32>
      %mul3A_311 = arith.constant 2.000000e-01 : f32
      %mul3A_312 = vector.broadcast %mul3A_311 : f32 to vector<16xf32>
      %mul3A_313 = arith.mulf %mul3A_312, %add3A_310 : vector<16xf32>
      %max3A_314 = arith.maximumf %add3A_310, %mul3A_313 : vector<16xf32>
      %exp3A_315 = math.exp %max3A_314 : vector<16xf32>
      %mul3A_316 = arith.constant 80 : i32
      %mul3A_317 = arith.muli %rem3A_258, %mul3A_316 : i32
      %add3A_318 = arith.constant 32 : i32
      %add3A_319 = arith.addi %mul3A_317, %add3A_318 : i32
      %add3A_320 = vector.broadcast %add3A_319 : i32 to vector<16xi32>
      %add3A_321 = arith.addi %add3A_320, %iota3A : vector<16xi32>
      tpu.vector_store_idx %arg15[%add3A_321, %broadcast_in_dim3A_102], %exp3A_315 : memref<320x8xf32, #tpu.memory_space<vmem>>[vector<16xi32>, vector<16xi32>], vector<16xf32>,
      %get3A_322 = arith.index_cast %scan3A_252 : i32 to index
      %get3A_323 = arith.constant 48 : index
      %get3A_324 = tpu.vector_load %arg11[%get3A_322, %get3A_323] {strides = array<i32>} : memref<250x80xi32, #tpu.memory_space<vmem>>, vector<16xi32>,
      %get3A_325 = arith.index_cast %scan3A_252 : i32 to index
      %get3A_326 = arith.constant 48 : index
      %get3A_327 = tpu.vector_load %arg12[%get3A_325, %get3A_326] {strides = array<i32>} : memref<250x80xi32, #tpu.memory_space<vmem>>, vector<16xi32>,
      %gather3A_328 = tpu.vector_load_idx %arg13[%get3A_324] : memref<10000xf32, #tpu.memory_space<vmem>>[vector<16xi32>], vector<16xf32>,
      %gather3A_329 = tpu.vector_load_idx %arg14[%get3A_327] : memref<10000xf32, #tpu.memory_space<vmem>>[vector<16xi32>], vector<16xf32>,
      %add3A_330 = arith.addf %gather3A_328, %gather3A_329 : vector<16xf32>
      %mul3A_331 = arith.constant 2.000000e-01 : f32
      %mul3A_332 = vector.broadcast %mul3A_331 : f32 to vector<16xf32>
      %mul3A_333 = arith.mulf %mul3A_332, %add3A_330 : vector<16xf32>
      %max3A_334 = arith.maximumf %add3A_330, %mul3A_333 : vector<16xf32>
      %exp3A_335 = math.exp %max3A_334 : vector<16xf32>
      %mul3A_336 = arith.constant 80 : i32
      %mul3A_337 = arith.muli %rem3A_258, %mul3A_336 : i32
      %add3A_338 = arith.constant 48 : i32
      %add3A_339 = arith.addi %mul3A_337, %add3A_338 : i32
      %add3A_340 = vector.broadcast %add3A_339 : i32 to vector<16xi32>
      %add3A_341 = arith.addi %add3A_340, %iota3A : vector<16xi32>
      tpu.vector_store_idx %arg15[%add3A_341, %broadcast_in_dim3A_102], %exp3A_335 : memref<320x8xf32, #tpu.memory_space<vmem>>[vector<16xi32>, vector<16xi32>], vector<16xf32>,
      %get3A_342 = arith.index_cast %scan3A_252 : i32 to index
      %get3A_343 = arith.constant 64 : index
      %get3A_344 = tpu.vector_load %arg11[%get3A_342, %get3A_343] {strides = array<i32>} : memref<250x80xi32, #tpu.memory_space<vmem>>, vector<16xi32>,
      %get3A_345 = arith.index_cast %scan3A_252 : i32 to index
      %get3A_346 = arith.constant 64 : index
      %get3A_347 = tpu.vector_load %arg12[%get3A_345, %get3A_346] {strides = array<i32>} : memref<250x80xi32, #tpu.memory_space<vmem>>, vector<16xi32>,
      %gather3A_348 = tpu.vector_load_idx %arg13[%get3A_344] : memref<10000xf32, #tpu.memory_space<vmem>>[vector<16xi32>], vector<16xf32>,
      %gather3A_349 = tpu.vector_load_idx %arg14[%get3A_347] : memref<10000xf32, #tpu.memory_space<vmem>>[vector<16xi32>], vector<16xf32>,
      %add3A_350 = arith.addf %gather3A_348, %gather3A_349 : vector<16xf32>
      %mul3A_351 = arith.constant 2.000000e-01 : f32
      %mul3A_352 = vector.broadcast %mul3A_351 : f32 to vector<16xf32>
      %mul3A_353 = arith.mulf %mul3A_352, %add3A_350 : vector<16xf32>
      %max3A_354 = arith.maximumf %add3A_350, %mul3A_353 : vector<16xf32>
      %exp3A_355 = math.exp %max3A_354 : vector<16xf32>
      %mul3A_356 = arith.constant 80 : i32
      %mul3A_357 = arith.muli %rem3A_258, %mul3A_356 : i32
      %add3A_358 = arith.constant 64 : i32
      %add3A_359 = arith.addi %mul3A_357, %add3A_358 : i32
      %add3A_360 = vector.broadcast %add3A_359 : i32 to vector<16xi32>
      %add3A_361 = arith.addi %add3A_360, %iota3A : vector<16xi32>
      tpu.vector_store_idx %arg15[%add3A_361, %broadcast_in_dim3A_102], %exp3A_355 : memref<320x8xf32, #tpu.memory_space<vmem>>[vector<16xi32>, vector<16xi32>], vector<16xf32>,
      %mul3A_362 = arith.constant 80 : i32
      %mul3A_363 = arith.muli %rem3A_258, %mul3A_362 : i32
      %dma_start3A_364 = arith.constant 0 : i32
      %dma_start3A_365 = tpu.memref_slice %arg15[%mul3A_363, %dma_start3A_364] : memref<320x8xf32, #tpu.memory_space<vmem>> -> memref<80x8xf32, #tpu.memory_space<vmem>>
      %dma_start3A_366 = arith.constant 0 : i32
      %dma_start3A_367 = tpu.memref_slice %arg12[%scan3A_252, %dma_start3A_366] : memref<250x80xi32, #tpu.memory_space<vmem>> -> memref<1x80xi32, #tpu.memory_space<vmem>>
      %dma_start3A_368 = tpu.memref_squeeze %dma_start3A_367 : memref<1x80xi32, #tpu.memory_space<vmem>> -> memref<80xi32, #tpu.memory_space<vmem>>
      %dma_start3A_369 = arith.constant 0 : i32
      %dma_start3A_370 = arith.constant 0 : i32
      %dma_start3A_371 = tpu.memref_slice %arg19[%dma_start3A_369, %dma_start3A_370] : memref<10000x8xf32, #tpu.memory_space<vmem_shared>> -> memref<10000x8xf32, #tpu.memory_space<vmem_shared>>
      tpu.enqueue_indirect_dma source(%dma_start3A_365 : memref<80x8xf32, #tpu.memory_space<vmem>>) target(%dma_start3A_371 : memref<10000x8xf32, #tpu.memory_space<vmem_shared>>) offsets(%dma_start3A_368 : memref<80xi32, #tpu.memory_space<vmem>>) semaphore(%arg22 : memref<!tpu.dma_semaphore, #tpu.memory_space<semaphore_mem>>) {add = true}
      %ge3A_372 = arith.constant 3 : i32
      %ge3A_373 = arith.cmpi sge, %scan3A_252, %ge3A_372 : i32
      %convert_element_type3A_374 = arith.extui %ge3A_373 : i1 to i32
      %cond3A_375 = arith.constant 0 : i32
      %cond3A_376 = arith.cmpi ne, %convert_element_type3A_374, %cond3A_375 : i32
      scf.if %cond3A_376 {
        %sub3A = arith.constant 3 : i32
        %sub3A_403 = arith.subi %scan3A_252, %sub3A : i32
        %dma_wait3A_404 = arith.constant 0 : i32
        %dma_wait3A_405 = arith.constant 0 : i32
        %dma_wait3A_406 = tpu.memref_slice %arg17[%rem3A_256, %dma_wait3A_404, %dma_wait3A_405] : memref<3x80x64xf32, #tpu.memory_space<vmem>> -> memref<1x80x64xf32, #tpu.memory_space<vmem>>
        %dma_wait3A_407 = tpu.memref_squeeze %dma_wait3A_406 : memref<1x80x64xf32, #tpu.memory_space<vmem>> -> memref<80x64xf32, #tpu.memory_space<vmem>>
        %dma_wait3A_408 = arith.constant 0 : i32
        %dma_wait3A_409 = tpu.memref_slice %arg12[%sub3A_403, %dma_wait3A_408] : memref<250x80xi32, #tpu.memory_space<vmem>> -> memref<1x80xi32, #tpu.memory_space<vmem>>
        %dma_wait3A_410 = tpu.memref_squeeze %dma_wait3A_409 : memref<1x80xi32, #tpu.memory_space<vmem>> -> memref<80xi32, #tpu.memory_space<vmem>>
        %dma_wait3A_411 = arith.constant 0 : i32
        %dma_wait3A_412 = arith.constant 0 : i32
        %dma_wait3A_413 = tpu.memref_slice %arg18[%dma_wait3A_411, %dma_wait3A_412] : memref<10000x64xf32, #tpu.memory_space<vmem_shared>> -> memref<10000x64xf32, #tpu.memory_space<vmem_shared>>
        tpu.wait_indirect_dma semaphore(%arg21 : memref<!tpu.dma_semaphore, #tpu.memory_space<semaphore_mem>>) src(%dma_wait3A_407 : memref<80x64xf32, #tpu.memory_space<vmem>>) dst(%dma_wait3A_413 : memref<10000x64xf32, #tpu.memory_space<vmem_shared>>)
      } else {
      }
      %dma_wait3A_377 = arith.constant 0 : i32
      %dma_wait3A_378 = arith.constant 0 : i32
      %dma_wait3A_379 = tpu.memref_slice %arg16[%rem3A_254, %dma_wait3A_377, %dma_wait3A_378] : memref<3x80x64xbf16, #tpu.memory_space<vmem>> -> memref<1x80x64xbf16, #tpu.memory_space<vmem>>
      %dma_wait3A_380 = tpu.memref_squeeze %dma_wait3A_379 : memref<1x80x64xbf16, #tpu.memory_space<vmem>> -> memref<80x64xbf16, #tpu.memory_space<vmem>>
      %dma_wait3A_381 = arith.constant 0 : i32
      %dma_wait3A_382 = tpu.memref_slice %arg11[%scan3A_252, %dma_wait3A_381] : memref<250x80xi32, #tpu.memory_space<vmem>> -> memref<1x80xi32, #tpu.memory_space<vmem>>
      %dma_wait3A_383 = tpu.memref_squeeze %dma_wait3A_382 : memref<1x80xi32, #tpu.memory_space<vmem>> -> memref<80xi32, #tpu.memory_space<vmem>>
      %dma_wait3A_384 = arith.constant 0 : i32
      %dma_wait3A_385 = arith.constant 0 : i32
      %dma_wait3A_386 = tpu.memref_slice %arg2[%arg0, %dma_wait3A_384, %dma_wait3A_385] : memref<2x10000x64xbf16, #tpu.memory_space<hbm>> -> memref<1x10000x64xbf16, #tpu.memory_space<hbm>>
      %dma_wait3A_387 = tpu.memref_squeeze %dma_wait3A_386 : memref<1x10000x64xbf16, #tpu.memory_space<hbm>> -> memref<10000x64xbf16, #tpu.memory_space<hbm>>
      %dma_wait3A_388 = arith.constant 0 : i32
      %dma_wait3A_389 = arith.constant 0 : i32
      %dma_wait3A_390 = tpu.memref_slice %dma_wait3A_387[%dma_wait3A_388, %dma_wait3A_389] : memref<10000x64xbf16, #tpu.memory_space<hbm>> -> memref<10000x64xbf16, #tpu.memory_space<hbm>>
      tpu.wait_indirect_dma semaphore(%arg20 : memref<!tpu.dma_semaphore, #tpu.memory_space<semaphore_mem>>) src(%dma_wait3A_390 : memref<10000x64xbf16, #tpu.memory_space<hbm>>) dst(%dma_wait3A_380 : memref<80x64xbf16, #tpu.memory_space<vmem>>)
      %parallel_loop3A = arith.constant 0 : i32
      %parallel_loop3A_391 = arith.constant 80 : i32
      %parallel_loop3A_392 = arith.constant 1 : i32
      scf.for %parallel_loop3A_403 = %parallel_loop3A to %parallel_loop3A_391 step %parallel_loop3A_392  : i32 {
        %parallel_loop3A_404 = arith.constant 80 : i32
        %parallel_loop3A_405 = arith.muli %rem3A_258, %parallel_loop3A_404 : i32
        %parallel_loop3A_406 = arith.addi %parallel_loop3A_405, %parallel_loop3A_403 : i32
        %parallel_loop3A_407 = vector.broadcast %parallel_loop3A_406 : i32 to vector<16xi32>
        %parallel_loop3A_408 = tpu.vector_load_idx %arg15[%parallel_loop3A_407, %broadcast_in_dim3A_102] : memref<320x8xf32, #tpu.memory_space<vmem>>[vector<16xi32>, vector<16xi32>], vector<16xf32>,
        %parallel_loop3A_409 = arith.index_cast %rem3A_254 : i32 to index
        %parallel_loop3A_410 = arith.index_cast %parallel_loop3A_403 : i32 to index
        %parallel_loop3A_411 = arith.constant 0 : index
        %parallel_loop3A_412 = tpu.vector_load %arg16[%parallel_loop3A_409, %parallel_loop3A_410, %parallel_loop3A_411] {strides = array<i32>} : memref<3x80x64xbf16, #tpu.memory_space<vmem>>, vector<32xbf16>,
        %parallel_loop3A_413 = tpu.unpack_subelements %parallel_loop3A_412, 0 {pack_format = #tpu.pack_format<interleaved>} : vector<32xbf16> -> vector<16xf32>
        %parallel_loop3A_414 = tpu.unpack_subelements %parallel_loop3A_412, 1 {pack_format = #tpu.pack_format<interleaved>} : vector<32xbf16> -> vector<16xf32>
        %parallel_loop3A_415 = arith.mulf %parallel_loop3A_413, %parallel_loop3A_408 : vector<16xf32>
        %parallel_loop3A_416 = arith.index_cast %rem3A_256 : i32 to index
        %parallel_loop3A_417 = arith.index_cast %parallel_loop3A_403 : i32 to index
        %parallel_loop3A_418 = arith.constant 0 : index
        %parallel_loop3A_419 = tpu.vector_load %arg17[%parallel_loop3A_416, %parallel_loop3A_417, %parallel_loop3A_418] {strides = array<i32>} : memref<3x80x64xf32, #tpu.memory_space<vmem>>, vector<16xf32>,
        tpu.vector_store %arg17[%parallel_loop3A_416, %parallel_loop3A_417, %parallel_loop3A_418], %parallel_loop3A_415 {strides = array<i32>} : memref<3x80x64xf32, #tpu.memory_space<vmem>>, vector<16xf32>,
        %parallel_loop3A_420 = arith.mulf %parallel_loop3A_414, %parallel_loop3A_408 : vector<16xf32>
        %parallel_loop3A_421 = arith.index_cast %rem3A_256 : i32 to index
        %parallel_loop3A_422 = arith.index_cast %parallel_loop3A_403 : i32 to index
        %parallel_loop3A_423 = arith.constant 16 : index
        %parallel_loop3A_424 = tpu.vector_load %arg17[%parallel_loop3A_421, %parallel_loop3A_422, %parallel_loop3A_423] {strides = array<i32>} : memref<3x80x64xf32, #tpu.memory_space<vmem>>, vector<16xf32>,
        tpu.vector_store %arg17[%parallel_loop3A_421, %parallel_loop3A_422, %parallel_loop3A_423], %parallel_loop3A_420 {strides = array<i32>} : memref<3x80x64xf32, #tpu.memory_space<vmem>>, vector<16xf32>,
        %parallel_loop3A_425 = arith.index_cast %rem3A_254 : i32 to index
        %parallel_loop3A_426 = arith.index_cast %parallel_loop3A_403 : i32 to index
        %parallel_loop3A_427 = arith.constant 32 : index
        %parallel_loop3A_428 = tpu.vector_load %arg16[%parallel_loop3A_425, %parallel_loop3A_426, %parallel_loop3A_427] {strides = array<i32>} : memref<3x80x64xbf16, #tpu.memory_space<vmem>>, vector<32xbf16>,
        %parallel_loop3A_429 = tpu.unpack_subelements %parallel_loop3A_428, 0 {pack_format = #tpu.pack_format<interleaved>} : vector<32xbf16> -> vector<16xf32>
        %parallel_loop3A_430 = tpu.unpack_subelements %parallel_loop3A_428, 1 {pack_format = #tpu.pack_format<interleaved>} : vector<32xbf16> -> vector<16xf32>
        %parallel_loop3A_431 = arith.mulf %parallel_loop3A_429, %parallel_loop3A_408 : vector<16xf32>
        %parallel_loop3A_432 = arith.index_cast %rem3A_256 : i32 to index
        %parallel_loop3A_433 = arith.index_cast %parallel_loop3A_403 : i32 to index
        %parallel_loop3A_434 = arith.constant 32 : index
        %parallel_loop3A_435 = tpu.vector_load %arg17[%parallel_loop3A_432, %parallel_loop3A_433, %parallel_loop3A_434] {strides = array<i32>} : memref<3x80x64xf32, #tpu.memory_space<vmem>>, vector<16xf32>,
        tpu.vector_store %arg17[%parallel_loop3A_432, %parallel_loop3A_433, %parallel_loop3A_434], %parallel_loop3A_431 {strides = array<i32>} : memref<3x80x64xf32, #tpu.memory_space<vmem>>, vector<16xf32>,
        %parallel_loop3A_436 = arith.mulf %parallel_loop3A_430, %parallel_loop3A_408 : vector<16xf32>
        %parallel_loop3A_437 = arith.index_cast %rem3A_256 : i32 to index
        %parallel_loop3A_438 = arith.index_cast %parallel_loop3A_403 : i32 to index
        %parallel_loop3A_439 = arith.constant 48 : index
        %parallel_loop3A_440 = tpu.vector_load %arg17[%parallel_loop3A_437, %parallel_loop3A_438, %parallel_loop3A_439] {strides = array<i32>} : memref<3x80x64xf32, #tpu.memory_space<vmem>>, vector<16xf32>,
        tpu.vector_store %arg17[%parallel_loop3A_437, %parallel_loop3A_438, %parallel_loop3A_439], %parallel_loop3A_436 {strides = array<i32>} : memref<3x80x64xf32, #tpu.memory_space<vmem>>, vector<16xf32>,
      } {sc.loop_unroll_factor = 8 : i64, sc.parallel_access}
      %dma_start3A_393 = arith.constant 0 : i32
      %dma_start3A_394 = arith.constant 0 : i32
      %dma_start3A_395 = tpu.memref_slice %arg17[%rem3A_256, %dma_start3A_393, %dma_start3A_394] : memref<3x80x64xf32, #tpu.memory_space<vmem>> -> memref<1x80x64xf32, #tpu.memory_space<vmem>>
      %dma_start3A_396 = tpu.memref_squeeze %dma_start3A_395 : memref<1x80x64xf32, #tpu.memory_space<vmem>> -> memref<80x64xf32, #tpu.memory_space<vmem>>
      %dma_start3A_397 = arith.constant 0 : i32
      %dma_start3A_398 = tpu.memref_slice %arg12[%scan3A_252, %dma_start3A_397] : memref<250x80xi32, #tpu.memory_space<vmem>> -> memref<1x80xi32, #tpu.memory_space<vmem>>
      %dma_start3A_399 = tpu.memref_squeeze %dma_start3A_398 : memref<1x80xi32, #tpu.memory_space<vmem>> -> memref<80xi32, #tpu.memory_space<vmem>>
      %dma_start3A_400 = arith.constant 0 : i32
      %dma_start3A_401 = arith.constant 0 : i32
      %dma_start3A_402 = tpu.memref_slice %arg18[%dma_start3A_400, %dma_start3A_401] : memref<10000x64xf32, #tpu.memory_space<vmem_shared>> -> memref<10000x64xf32, #tpu.memory_space<vmem_shared>>
      tpu.enqueue_indirect_dma source(%dma_start3A_396 : memref<80x64xf32, #tpu.memory_space<vmem>>) target(%dma_start3A_402 : memref<10000x64xf32, #tpu.memory_space<vmem_shared>>) offsets(%dma_start3A_399 : memref<80xi32, #tpu.memory_space<vmem>>) semaphore(%arg21 : memref<!tpu.dma_semaphore, #tpu.memory_space<semaphore_mem>>) {add = true}
    }
    %scan3A_107 = arith.constant 250 : i32
    %rem3A = arith.constant 247 : i32
    %rem3A_108 = arith.constant 3 : i32
    %rem3A_109 = arith.remsi %rem3A, %rem3A_108 : i32
    %dma_wait3A_110 = arith.constant 247 : i32
    %dma_wait3A_111 = arith.constant 0 : i32
    %dma_wait3A_112 = arith.constant 0 : i32
    %dma_wait3A_113 = tpu.memref_slice %arg17[%rem3A_109, %dma_wait3A_111, %dma_wait3A_112] : memref<3x80x64xf32, #tpu.memory_space<vmem>> -> memref<1x80x64xf32, #tpu.memory_space<vmem>>
    %dma_wait3A_114 = tpu.memref_squeeze %dma_wait3A_113 : memref<1x80x64xf32, #tpu.memory_space<vmem>> -> memref<80x64xf32, #tpu.memory_space<vmem>>
    %dma_wait3A_115 = arith.constant 0 : i32
    %dma_wait3A_116 = tpu.memref_slice %arg12[%dma_wait3A_110, %dma_wait3A_115] : memref<250x80xi32, #tpu.memory_space<vmem>> -> memref<1x80xi32, #tpu.memory_space<vmem>>
    %dma_wait3A_117 = tpu.memref_squeeze %dma_wait3A_116 : memref<1x80xi32, #tpu.memory_space<vmem>> -> memref<80xi32, #tpu.memory_space<vmem>>
    %dma_wait3A_118 = arith.constant 0 : i32
    %dma_wait3A_119 = arith.constant 0 : i32
    %dma_wait3A_120 = tpu.memref_slice %arg18[%dma_wait3A_118, %dma_wait3A_119] : memref<10000x64xf32, #tpu.memory_space<vmem_shared>> -> memref<10000x64xf32, #tpu.memory_space<vmem_shared>>
    tpu.wait_indirect_dma semaphore(%arg21 : memref<!tpu.dma_semaphore, #tpu.memory_space<semaphore_mem>>) src(%dma_wait3A_114 : memref<80x64xf32, #tpu.memory_space<vmem>>) dst(%dma_wait3A_120 : memref<10000x64xf32, #tpu.memory_space<vmem_shared>>)
    %rem3A_121 = arith.constant 248 : i32
    %rem3A_122 = arith.constant 3 : i32
    %rem3A_123 = arith.remsi %rem3A_121, %rem3A_122 : i32
    %dma_wait3A_124 = arith.constant 248 : i32
    %dma_wait3A_125 = arith.constant 0 : i32
    %dma_wait3A_126 = arith.constant 0 : i32
    %dma_wait3A_127 = tpu.memref_slice %arg17[%rem3A_123, %dma_wait3A_125, %dma_wait3A_126] : memref<3x80x64xf32, #tpu.memory_space<vmem>> -> memref<1x80x64xf32, #tpu.memory_space<vmem>>
    %dma_wait3A_128 = tpu.memref_squeeze %dma_wait3A_127 : memref<1x80x64xf32, #tpu.memory_space<vmem>> -> memref<80x64xf32, #tpu.memory_space<vmem>>
    %dma_wait3A_129 = arith.constant 0 : i32
    %dma_wait3A_130 = tpu.memref_slice %arg12[%dma_wait3A_124, %dma_wait3A_129] : memref<250x80xi32, #tpu.memory_space<vmem>> -> memref<1x80xi32, #tpu.memory_space<vmem>>
    %dma_wait3A_131 = tpu.memref_squeeze %dma_wait3A_130 : memref<1x80xi32, #tpu.memory_space<vmem>> -> memref<80xi32, #tpu.memory_space<vmem>>
    %dma_wait3A_132 = arith.constant 0 : i32
    %dma_wait3A_133 = arith.constant 0 : i32
    %dma_wait3A_134 = tpu.memref_slice %arg18[%dma_wait3A_132, %dma_wait3A_133] : memref<10000x64xf32, #tpu.memory_space<vmem_shared>> -> memref<10000x64xf32, #tpu.memory_space<vmem_shared>>
    tpu.wait_indirect_dma semaphore(%arg21 : memref<!tpu.dma_semaphore, #tpu.memory_space<semaphore_mem>>) src(%dma_wait3A_128 : memref<80x64xf32, #tpu.memory_space<vmem>>) dst(%dma_wait3A_134 : memref<10000x64xf32, #tpu.memory_space<vmem_shared>>)
    %rem3A_135 = arith.constant 249 : i32
    %rem3A_136 = arith.constant 3 : i32
    %rem3A_137 = arith.remsi %rem3A_135, %rem3A_136 : i32
    %dma_wait3A_138 = arith.constant 249 : i32
    %dma_wait3A_139 = arith.constant 0 : i32
    %dma_wait3A_140 = arith.constant 0 : i32
    %dma_wait3A_141 = tpu.memref_slice %arg17[%rem3A_137, %dma_wait3A_139, %dma_wait3A_140] : memref<3x80x64xf32, #tpu.memory_space<vmem>> -> memref<1x80x64xf32, #tpu.memory_space<vmem>>
    %dma_wait3A_142 = tpu.memref_squeeze %dma_wait3A_141 : memref<1x80x64xf32, #tpu.memory_space<vmem>> -> memref<80x64xf32, #tpu.memory_space<vmem>>
    %dma_wait3A_143 = arith.constant 0 : i32
    %dma_wait3A_144 = tpu.memref_slice %arg12[%dma_wait3A_138, %dma_wait3A_143] : memref<250x80xi32, #tpu.memory_space<vmem>> -> memref<1x80xi32, #tpu.memory_space<vmem>>
    %dma_wait3A_145 = tpu.memref_squeeze %dma_wait3A_144 : memref<1x80xi32, #tpu.memory_space<vmem>> -> memref<80xi32, #tpu.memory_space<vmem>>
    %dma_wait3A_146 = arith.constant 0 : i32
    %dma_wait3A_147 = arith.constant 0 : i32
    %dma_wait3A_148 = tpu.memref_slice %arg18[%dma_wait3A_146, %dma_wait3A_147] : memref<10000x64xf32, #tpu.memory_space<vmem_shared>> -> memref<10000x64xf32, #tpu.memory_space<vmem_shared>>
    tpu.wait_indirect_dma semaphore(%arg21 : memref<!tpu.dma_semaphore, #tpu.memory_space<semaphore_mem>>) src(%dma_wait3A_142 : memref<80x64xf32, #tpu.memory_space<vmem>>) dst(%dma_wait3A_148 : memref<10000x64xf32, #tpu.memory_space<vmem_shared>>)
    %rem3A_149 = arith.constant 246 : i32
    %rem3A_150 = arith.constant 4 : i32
    %rem3A_151 = arith.remsi %rem3A_149, %rem3A_150 : i32
    %mul3A_152 = arith.constant 80 : i32
    %mul3A_153 = arith.muli %rem3A_151, %mul3A_152 : i32
    %dma_wait3A_154 = arith.constant 246 : i32
    %dma_wait3A_155 = arith.constant 0 : i32
    %dma_wait3A_156 = tpu.memref_slice %arg15[%mul3A_153, %dma_wait3A_155] : memref<320x8xf32, #tpu.memory_space<vmem>> -> memref<80x8xf32, #tpu.memory_space<vmem>>
    %dma_wait3A_157 = arith.constant 0 : i32
    %dma_wait3A_158 = tpu.memref_slice %arg12[%dma_wait3A_154, %dma_wait3A_157] : memref<250x80xi32, #tpu.memory_space<vmem>> -> memref<1x80xi32, #tpu.memory_space<vmem>>
    %dma_wait3A_159 = tpu.memref_squeeze %dma_wait3A_158 : memref<1x80xi32, #tpu.memory_space<vmem>> -> memref<80xi32, #tpu.memory_space<vmem>>
    %dma_wait3A_160 = arith.constant 0 : i32
    %dma_wait3A_161 = arith.constant 0 : i32
    %dma_wait3A_162 = tpu.memref_slice %arg19[%dma_wait3A_160, %dma_wait3A_161] : memref<10000x8xf32, #tpu.memory_space<vmem_shared>> -> memref<10000x8xf32, #tpu.memory_space<vmem_shared>>
    tpu.wait_indirect_dma semaphore(%arg22 : memref<!tpu.dma_semaphore, #tpu.memory_space<semaphore_mem>>) src(%dma_wait3A_156 : memref<80x8xf32, #tpu.memory_space<vmem>>) dst(%dma_wait3A_162 : memref<10000x8xf32, #tpu.memory_space<vmem_shared>>)
    %rem3A_163 = arith.constant 247 : i32
    %rem3A_164 = arith.constant 4 : i32
    %rem3A_165 = arith.remsi %rem3A_163, %rem3A_164 : i32
    %mul3A_166 = arith.constant 80 : i32
    %mul3A_167 = arith.muli %rem3A_165, %mul3A_166 : i32
    %dma_wait3A_168 = arith.constant 247 : i32
    %dma_wait3A_169 = arith.constant 0 : i32
    %dma_wait3A_170 = tpu.memref_slice %arg15[%mul3A_167, %dma_wait3A_169] : memref<320x8xf32, #tpu.memory_space<vmem>> -> memref<80x8xf32, #tpu.memory_space<vmem>>
    %dma_wait3A_171 = arith.constant 0 : i32
    %dma_wait3A_172 = tpu.memref_slice %arg12[%dma_wait3A_168, %dma_wait3A_171] : memref<250x80xi32, #tpu.memory_space<vmem>> -> memref<1x80xi32, #tpu.memory_space<vmem>>
    %dma_wait3A_173 = tpu.memref_squeeze %dma_wait3A_172 : memref<1x80xi32, #tpu.memory_space<vmem>> -> memref<80xi32, #tpu.memory_space<vmem>>
    %dma_wait3A_174 = arith.constant 0 : i32
    %dma_wait3A_175 = arith.constant 0 : i32
    %dma_wait3A_176 = tpu.memref_slice %arg19[%dma_wait3A_174, %dma_wait3A_175] : memref<10000x8xf32, #tpu.memory_space<vmem_shared>> -> memref<10000x8xf32, #tpu.memory_space<vmem_shared>>
    tpu.wait_indirect_dma semaphore(%arg22 : memref<!tpu.dma_semaphore, #tpu.memory_space<semaphore_mem>>) src(%dma_wait3A_170 : memref<80x8xf32, #tpu.memory_space<vmem>>) dst(%dma_wait3A_176 : memref<10000x8xf32, #tpu.memory_space<vmem_shared>>)
    %rem3A_177 = arith.constant 248 : i32
    %rem3A_178 = arith.constant 4 : i32
    %rem3A_179 = arith.remsi %rem3A_177, %rem3A_178 : i32
    %mul3A_180 = arith.constant 80 : i32
    %mul3A_181 = arith.muli %rem3A_179, %mul3A_180 : i32
    %dma_wait3A_182 = arith.constant 248 : i32
    %dma_wait3A_183 = arith.constant 0 : i32
    %dma_wait3A_184 = tpu.memref_slice %arg15[%mul3A_181, %dma_wait3A_183] : memref<320x8xf32, #tpu.memory_space<vmem>> -> memref<80x8xf32, #tpu.memory_space<vmem>>
    %dma_wait3A_185 = arith.constant 0 : i32
    %dma_wait3A_186 = tpu.memref_slice %arg12[%dma_wait3A_182, %dma_wait3A_185] : memref<250x80xi32, #tpu.memory_space<vmem>> -> memref<1x80xi32, #tpu.memory_space<vmem>>
    %dma_wait3A_187 = tpu.memref_squeeze %dma_wait3A_186 : memref<1x80xi32, #tpu.memory_space<vmem>> -> memref<80xi32, #tpu.memory_space<vmem>>
    %dma_wait3A_188 = arith.constant 0 : i32
    %dma_wait3A_189 = arith.constant 0 : i32
    %dma_wait3A_190 = tpu.memref_slice %arg19[%dma_wait3A_188, %dma_wait3A_189] : memref<10000x8xf32, #tpu.memory_space<vmem_shared>> -> memref<10000x8xf32, #tpu.memory_space<vmem_shared>>
    tpu.wait_indirect_dma semaphore(%arg22 : memref<!tpu.dma_semaphore, #tpu.memory_space<semaphore_mem>>) src(%dma_wait3A_184 : memref<80x8xf32, #tpu.memory_space<vmem>>) dst(%dma_wait3A_190 : memref<10000x8xf32, #tpu.memory_space<vmem_shared>>)
    %rem3A_191 = arith.constant 249 : i32
    %rem3A_192 = arith.constant 4 : i32
    %rem3A_193 = arith.remsi %rem3A_191, %rem3A_192 : i32
    %mul3A_194 = arith.constant 80 : i32
    %mul3A_195 = arith.muli %rem3A_193, %mul3A_194 : i32
    %dma_wait3A_196 = arith.constant 249 : i32
    %dma_wait3A_197 = arith.constant 0 : i32
    %dma_wait3A_198 = tpu.memref_slice %arg15[%mul3A_195, %dma_wait3A_197] : memref<320x8xf32, #tpu.memory_space<vmem>> -> memref<80x8xf32, #tpu.memory_space<vmem>>
    %dma_wait3A_199 = arith.constant 0 : i32
    %dma_wait3A_200 = tpu.memref_slice %arg12[%dma_wait3A_196, %dma_wait3A_199] : memref<250x80xi32, #tpu.memory_space<vmem>> -> memref<1x80xi32, #tpu.memory_space<vmem>>
    %dma_wait3A_201 = tpu.memref_squeeze %dma_wait3A_200 : memref<1x80xi32, #tpu.memory_space<vmem>> -> memref<80xi32, #tpu.memory_space<vmem>>
    %dma_wait3A_202 = arith.constant 0 : i32
    %dma_wait3A_203 = arith.constant 0 : i32
    %dma_wait3A_204 = tpu.memref_slice %arg19[%dma_wait3A_202, %dma_wait3A_203] : memref<10000x8xf32, #tpu.memory_space<vmem_shared>> -> memref<10000x8xf32, #tpu.memory_space<vmem_shared>>
    tpu.wait_indirect_dma semaphore(%arg22 : memref<!tpu.dma_semaphore, #tpu.memory_space<semaphore_mem>>) src(%dma_wait3A_198 : memref<80x8xf32, #tpu.memory_space<vmem>>) dst(%dma_wait3A_204 : memref<10000x8xf32, #tpu.memory_space<vmem_shared>>)
    %barrier3A_205 = arith.constant 0 : index
    tpu.barrier barrier_id(%barrier3A_205)
    %mul3A_206 = arith.constant 624 : i32
    %mul3A_207 = arith.muli %arg1, %mul3A_206 : i32
    %mul3A_208 = arith.constant 624 : i32
    %mul3A_209 = arith.muli %arg1, %mul3A_208 : i32
    %dma_start3A_210 = arith.constant 0 : i32
    %dma_start3A_211 = tpu.memref_slice %arg9[%arg0, %mul3A_209, %dma_start3A_210] : memref<2x10000x64xf32, #tpu.memory_space<hbm>> -> memref<1x624x64xf32, #tpu.memory_space<hbm>>
    %dma_start3A_212 = tpu.memref_squeeze %dma_start3A_211 : memref<1x624x64xf32, #tpu.memory_space<hbm>> -> memref<624x64xf32, #tpu.memory_space<hbm>>
    %dma_start3A_213 = arith.constant 0 : i32
    %dma_start3A_214 = tpu.memref_slice %arg18[%mul3A_207, %dma_start3A_213] : memref<10000x64xf32, #tpu.memory_space<vmem_shared>> -> memref<624x64xf32, #tpu.memory_space<vmem_shared>>
    tpu.enqueue_dma source(%dma_start3A_214 : memref<624x64xf32, #tpu.memory_space<vmem_shared>>) target(%dma_start3A_212 : memref<624x64xf32, #tpu.memory_space<hbm>>) target_semaphore(%arg23 : memref<!tpu.dma_semaphore, #tpu.memory_space<semaphore_mem>>)
    %mul3A_215 = arith.constant 624 : i32
    %mul3A_216 = arith.muli %arg1, %mul3A_215 : i32
    %mul3A_217 = arith.constant 624 : i32
    %mul3A_218 = arith.muli %arg1, %mul3A_217 : i32
    %dma_start3A_219 = arith.constant 0 : i32
    %dma_start3A_220 = tpu.memref_slice %arg10[%arg0, %mul3A_218, %dma_start3A_219] : memref<2x10000x8xf32, #tpu.memory_space<hbm>> -> memref<1x624x8xf32, #tpu.memory_space<hbm>>
    %dma_start3A_221 = tpu.memref_squeeze %dma_start3A_220 : memref<1x624x8xf32, #tpu.memory_space<hbm>> -> memref<624x8xf32, #tpu.memory_space<hbm>>
    %dma_start3A_222 = arith.constant 0 : i32
    %dma_start3A_223 = tpu.memref_slice %arg19[%mul3A_216, %dma_start3A_222] : memref<10000x8xf32, #tpu.memory_space<vmem_shared>> -> memref<624x8xf32, #tpu.memory_space<vmem_shared>>
    tpu.enqueue_dma source(%dma_start3A_223 : memref<624x8xf32, #tpu.memory_space<vmem_shared>>) target(%dma_start3A_221 : memref<624x8xf32, #tpu.memory_space<hbm>>) target_semaphore(%arg23 : memref<!tpu.dma_semaphore, #tpu.memory_space<semaphore_mem>>)
    %eq3A_224 = arith.constant 15 : i32
    %eq3A_225 = arith.cmpi eq, %arg1, %eq3A_224 : i32
    %convert_element_type3A_226 = arith.extui %eq3A_225 : i1 to i32
    %cond3A_227 = arith.constant 0 : i32
    %cond3A_228 = arith.cmpi ne, %convert_element_type3A_226, %cond3A_227 : i32
    scf.if %cond3A_228 {
      %dma_start3A_252 = arith.constant 9984 : i32
      %dma_start3A_253 = arith.constant 0 : i32
      %dma_start3A_254 = tpu.memref_slice %arg9[%arg0, %dma_start3A_252, %dma_start3A_253] : memref<2x10000x64xf32, #tpu.memory_space<hbm>> -> memref<1x16x64xf32, #tpu.memory_space<hbm>>
      %dma_start3A_255 = tpu.memref_squeeze %dma_start3A_254 : memref<1x16x64xf32, #tpu.memory_space<hbm>> -> memref<16x64xf32, #tpu.memory_space<hbm>>
      %dma_start3A_256 = arith.constant 9984 : i32
      %dma_start3A_257 = arith.constant 0 : i32
      %dma_start3A_258 = tpu.memref_slice %arg18[%dma_start3A_256, %dma_start3A_257] : memref<10000x64xf32, #tpu.memory_space<vmem_shared>> -> memref<16x64xf32, #tpu.memory_space<vmem_shared>>
      tpu.enqueue_dma source(%dma_start3A_258 : memref<16x64xf32, #tpu.memory_space<vmem_shared>>) target(%dma_start3A_255 : memref<16x64xf32, #tpu.memory_space<hbm>>) target_semaphore(%arg23 : memref<!tpu.dma_semaphore, #tpu.memory_space<semaphore_mem>>)
      %dma_start3A_259 = arith.constant 9984 : i32
      %dma_start3A_260 = arith.constant 0 : i32
      %dma_start3A_261 = tpu.memref_slice %arg10[%arg0, %dma_start3A_259, %dma_start3A_260] : memref<2x10000x8xf32, #tpu.memory_space<hbm>> -> memref<1x16x8xf32, #tpu.memory_space<hbm>>
      %dma_start3A_262 = tpu.memref_squeeze %dma_start3A_261 : memref<1x16x8xf32, #tpu.memory_space<hbm>> -> memref<16x8xf32, #tpu.memory_space<hbm>>
      %dma_start3A_263 = arith.constant 9984 : i32
      %dma_start3A_264 = arith.constant 0 : i32
      %dma_start3A_265 = tpu.memref_slice %arg19[%dma_start3A_263, %dma_start3A_264] : memref<10000x8xf32, #tpu.memory_space<vmem_shared>> -> memref<16x8xf32, #tpu.memory_space<vmem_shared>>
      tpu.enqueue_dma source(%dma_start3A_265 : memref<16x8xf32, #tpu.memory_space<vmem_shared>>) target(%dma_start3A_262 : memref<16x8xf32, #tpu.memory_space<hbm>>) target_semaphore(%arg23 : memref<!tpu.dma_semaphore, #tpu.memory_space<semaphore_mem>>)
    } else {
    }
    %mul3A_229 = arith.constant 624 : i32
    %mul3A_230 = arith.muli %arg1, %mul3A_229 : i32
    %mul3A_231 = arith.constant 624 : i32
    %mul3A_232 = arith.muli %arg1, %mul3A_231 : i32
    %dma_wait3A_233 = arith.constant 0 : i32
    %dma_wait3A_234 = tpu.memref_slice %arg9[%arg0, %mul3A_232, %dma_wait3A_233] : memref<2x10000x64xf32, #tpu.memory_space<hbm>> -> memref<1x624x64xf32, #tpu.memory_space<hbm>>
    %dma_wait3A_235 = tpu.memref_squeeze %dma_wait3A_234 : memref<1x624x64xf32, #tpu.memory_space<hbm>> -> memref<624x64xf32, #tpu.memory_space<hbm>>
    %dma_wait3A_236 = arith.constant 0 : i32
    %dma_wait3A_237 = tpu.memref_slice %arg18[%mul3A_230, %dma_wait3A_236] : memref<10000x64xf32, #tpu.memory_space<vmem_shared>> -> memref<624x64xf32, #tpu.memory_space<vmem_shared>>
    tpu.wait_dma2 semaphore(%arg23 : memref<!tpu.dma_semaphore, #tpu.memory_space<semaphore_mem>>) src(%dma_wait3A_237 : memref<624x64xf32, #tpu.memory_space<vmem_shared>>) dst(%dma_wait3A_235 : memref<624x64xf32, #tpu.memory_space<hbm>>)
    %mul3A_238 = arith.constant 624 : i32
    %mul3A_239 = arith.muli %arg1, %mul3A_238 : i32
    %mul3A_240 = arith.constant 624 : i32
    %mul3A_241 = arith.muli %arg1, %mul3A_240 : i32
    %dma_wait3A_242 = arith.constant 0 : i32
    %dma_wait3A_243 = tpu.memref_slice %arg10[%arg0, %mul3A_241, %dma_wait3A_242] : memref<2x10000x8xf32, #tpu.memory_space<hbm>> -> memref<1x624x8xf32, #tpu.memory_space<hbm>>
    %dma_wait3A_244 = tpu.memref_squeeze %dma_wait3A_243 : memref<1x624x8xf32, #tpu.memory_space<hbm>> -> memref<624x8xf32, #tpu.memory_space<hbm>>
    %dma_wait3A_245 = arith.constant 0 : i32
    %dma_wait3A_246 = tpu.memref_slice %arg19[%mul3A_239, %dma_wait3A_245] : memref<10000x8xf32, #tpu.memory_space<vmem_shared>> -> memref<624x8xf32, #tpu.memory_space<vmem_shared>>
    tpu.wait_dma2 semaphore(%arg23 : memref<!tpu.dma_semaphore, #tpu.memory_space<semaphore_mem>>) src(%dma_wait3A_246 : memref<624x8xf32, #tpu.memory_space<vmem_shared>>) dst(%dma_wait3A_244 : memref<624x8xf32, #tpu.memory_space<hbm>>)
    %eq3A_247 = arith.constant 15 : i32
    %eq3A_248 = arith.cmpi eq, %arg1, %eq3A_247 : i32
    %convert_element_type3A_249 = arith.extui %eq3A_248 : i1 to i32
    %cond3A_250 = arith.constant 0 : i32
    %cond3A_251 = arith.cmpi ne, %convert_element_type3A_249, %cond3A_250 : i32
    scf.if %cond3A_251 {
      %dma_wait3A_252 = arith.constant 9984 : i32
      %dma_wait3A_253 = arith.constant 0 : i32
      %dma_wait3A_254 = tpu.memref_slice %arg9[%arg0, %dma_wait3A_252, %dma_wait3A_253] : memref<2x10000x64xf32, #tpu.memory_space<hbm>> -> memref<1x16x64xf32, #tpu.memory_space<hbm>>
      %dma_wait3A_255 = tpu.memref_squeeze %dma_wait3A_254 : memref<1x16x64xf32, #tpu.memory_space<hbm>> -> memref<16x64xf32, #tpu.memory_space<hbm>>
      %dma_wait3A_256 = arith.constant 9984 : i32
      %dma_wait3A_257 = arith.constant 0 : i32
      %dma_wait3A_258 = tpu.memref_slice %arg18[%dma_wait3A_256, %dma_wait3A_257] : memref<10000x64xf32, #tpu.memory_space<vmem_shared>> -> memref<16x64xf32, #tpu.memory_space<vmem_shared>>
      tpu.wait_dma2 semaphore(%arg23 : memref<!tpu.dma_semaphore, #tpu.memory_space<semaphore_mem>>) src(%dma_wait3A_258 : memref<16x64xf32, #tpu.memory_space<vmem_shared>>) dst(%dma_wait3A_255 : memref<16x64xf32, #tpu.memory_space<hbm>>)
      %dma_wait3A_259 = arith.constant 9984 : i32
      %dma_wait3A_260 = arith.constant 0 : i32
      %dma_wait3A_261 = tpu.memref_slice %arg10[%arg0, %dma_wait3A_259, %dma_wait3A_260] : memref<2x10000x8xf32, #tpu.memory_space<hbm>> -> memref<1x16x8xf32, #tpu.memory_space<hbm>>
      %dma_wait3A_262 = tpu.memref_squeeze %dma_wait3A_261 : memref<1x16x8xf32, #tpu.memory_space<hbm>> -> memref<16x8xf32, #tpu.memory_space<hbm>>
      %dma_wait3A_263 = arith.constant 9984 : i32
      %dma_wait3A_264 = arith.constant 0 : i32
      %dma_wait3A_265 = tpu.memref_slice %arg19[%dma_wait3A_263, %dma_wait3A_264] : memref<10000x8xf32, #tpu.memory_space<vmem_shared>> -> memref<16x8xf32, #tpu.memory_space<vmem_shared>>
      tpu.wait_dma2 semaphore(%arg23 : memref<!tpu.dma_semaphore, #tpu.memory_space<semaphore_mem>>) src(%dma_wait3A_265 : memref<16x8xf32, #tpu.memory_space<vmem_shared>>) dst(%dma_wait3A_262 : memref<16x8xf32, #tpu.memory_space<hbm>>)
    } else {
    }
    return
  }
}

#map = affine_map<(d0, d1) -> (0, 0, 0)>
#map1 = affine_map<(d0, d1) -> (0)>
#map2 = affine_map<(d0, d1) -> (0, 0)>
module attributes {stable_mosaic.version = 14 : i64} {
  func.func @_sc_body(%arg0: i32, %arg1: i32, %arg2: memref<2x10000x64xbf16, #tpu.memory_space<hbm>>, %arg3: memref<10000xf32, #tpu.memory_space<hbm>>, %arg4: memref<10000xf32, #tpu.memory_space<hbm>>, %arg5: memref<16x250x80xi32, #tpu.memory_space<hbm>>, %arg6: memref<16x250x80xi32, #tpu.memory_space<hbm>>, %arg7: memref<624x64xf32, #tpu.memory_space<hbm>>, %arg8: memref<624x8xf32, #tpu.memory_space<hbm>>, %arg9: memref<2x10000x64xf32, #tpu.memory_space<hbm>>, %arg10: memref<2x10000x8xf32, #tpu.memory_space<hbm>>, %arg11: memref<250x80xi32, #tpu.memory_space<vmem>>, %arg12: memref<250x80xi32, #tpu.memory_space<vmem>>, %arg13: memref<10000xf32, #tpu.memory_space<vmem>>, %arg14: memref<10000xf32, #tpu.memory_space<vmem>>, %arg15: memref<320x8xf32, #tpu.memory_space<vmem>>, %arg16: memref<3x80x64xbf16, #tpu.memory_space<vmem>>, %arg17: memref<3x80x64xf32, #tpu.memory_space<vmem>>, %arg18: memref<10000x64xf32, #tpu.memory_space<vmem_shared>>, %arg19: memref<10000x8xf32, #tpu.memory_space<vmem_shared>>, %arg20: memref<!tpu.dma_semaphore, #tpu.memory_space<semaphore_mem>>, %arg21: memref<!tpu.dma_semaphore, #tpu.memory_space<semaphore_mem>>, %arg22: memref<!tpu.dma_semaphore, #tpu.memory_space<semaphore_mem>>, %arg23: memref<!tpu.dma_semaphore, #tpu.memory_space<semaphore_mem>>) attributes {dimension_semantics = [#tpu.dimension_semantics<core_parallel>, #tpu.dimension_semantics<subcore_parallel>], iteration_bounds = array<i64: 2, 16>, scalar_prefetch = 0 : i64, scratch_operands = 13 : i64, tpu.core_type = #tpu.core_type<sc_vector_subcore>, window_params = [{transform_indices = #map}, {transform_indices = #map1}, {transform_indices = #map1}, {transform_indices = #map}, {transform_indices = #map}, {transform_indices = #map2}, {transform_indices = #map2}, {transform_indices = #map}, {transform_indices = #map}]} {
    %dma_start3A = arith.constant 0 : i32
    %dma_start3A_0 = arith.constant 0 : i32
    %dma_start3A_1 = tpu.memref_slice %arg5[%arg1, %dma_start3A, %dma_start3A_0] : memref<16x250x80xi32, #tpu.memory_space<hbm>> -> memref<1x250x80xi32, #tpu.memory_space<hbm>>
    %dma_start3A_2 = tpu.memref_squeeze %dma_start3A_1 : memref<1x250x80xi32, #tpu.memory_space<hbm>> -> memref<250x80xi32, #tpu.memory_space<hbm>>
    %dma_start3A_3 = arith.constant 0 : i32
    %dma_start3A_4 = arith.constant 0 : i32
    %dma_start3A_5 = tpu.memref_slice %arg5[%arg1, %dma_start3A_3, %dma_start3A_4] : memref<16x250x80xi32, #tpu.memory_space<hbm>> -> memref<1x250x80xi32, #tpu.memory_space<hbm>>
    %dma_start3A_6 = tpu.memref_squeeze %dma_start3A_5 : memref<1x250x80xi32, #tpu.memory_space<hbm>> -> memref<250x80xi32, #tpu.memory_space<hbm>>
    tpu.enqueue_dma source(%dma_start3A_6 : memref<250x80xi32, #tpu.memory_space<hbm>>) target(%arg11 : memref<250x80xi32, #tpu.memory_space<vmem>>) target_semaphore(%arg23 : memref<!tpu.dma_semaphore, #tpu.memory_space<semaphore_mem>>)
    %dma_start3A_7 = arith.constant 0 : i32
    %dma_start3A_8 = arith.constant 0 : i32
    %dma_start3A_9 = tpu.memref_slice %arg6[%arg1, %dma_start3A_7, %dma_start3A_8] : memref<16x250x80xi32, #tpu.memory_space<hbm>> -> memref<1x250x80xi32, #tpu.memory_space<hbm>>
    %dma_start3A_10 = tpu.memref_squeeze %dma_start3A_9 : memref<1x250x80xi32, #tpu.memory_space<hbm>> -> memref<250x80xi32, #tpu.memory_space<hbm>>
    %dma_start3A_11 = arith.constant 0 : i32
    %dma_start3A_12 = arith.constant 0 : i32
    %dma_start3A_13 = tpu.memref_slice %arg6[%arg1, %dma_start3A_11, %dma_start3A_12] : memref<16x250x80xi32, #tpu.memory_space<hbm>> -> memref<1x250x80xi32, #tpu.memory_space<hbm>>
    %dma_start3A_14 = tpu.memref_squeeze %dma_start3A_13 : memref<1x250x80xi32, #tpu.memory_space<hbm>> -> memref<250x80xi32, #tpu.memory_space<hbm>>
    tpu.enqueue_dma source(%dma_start3A_14 : memref<250x80xi32, #tpu.memory_space<hbm>>) target(%arg12 : memref<250x80xi32, #tpu.memory_space<vmem>>) target_semaphore(%arg23 : memref<!tpu.dma_semaphore, #tpu.memory_space<semaphore_mem>>)
    tpu.enqueue_dma source(%arg3 : memref<10000xf32, #tpu.memory_space<hbm>>) target(%arg13 : memref<10000xf32, #tpu.memory_space<vmem>>) target_semaphore(%arg23 : memref<!tpu.dma_semaphore, #tpu.memory_space<semaphore_mem>>)
    tpu.enqueue_dma source(%arg4 : memref<10000xf32, #tpu.memory_space<hbm>>) target(%arg14 : memref<10000xf32, #tpu.memory_space<vmem>>) target_semaphore(%arg23 : memref<!tpu.dma_semaphore, #tpu.memory_space<semaphore_mem>>)
    %mul3A = arith.constant 624 : i32
    %mul3A_15 = arith.muli %arg1, %mul3A : i32
    %dma_start3A_16 = arith.constant 0 : i32
    %dma_start3A_17 = tpu.memref_slice %arg18[%mul3A_15, %dma_start3A_16] : memref<10000x64xf32, #tpu.memory_space<vmem_shared>> -> memref<624x64xf32, #tpu.memory_space<vmem_shared>>
    tpu.enqueue_dma source(%arg7 : memref<624x64xf32, #tpu.memory_space<hbm>>) target(%dma_start3A_17 : memref<624x64xf32, #tpu.memory_space<vmem_shared>>) target_semaphore(%arg23 : memref<!tpu.dma_semaphore, #tpu.memory_space<semaphore_mem>>)
    %mul3A_18 = arith.constant 624 : i32
    %mul3A_19 = arith.muli %arg1, %mul3A_18 : i32
    %dma_start3A_20 = arith.constant 0 : i32
    %dma_start3A_21 = tpu.memref_slice %arg19[%mul3A_19, %dma_start3A_20] : memref<10000x8xf32, #tpu.memory_space<vmem_shared>> -> memref<624x8xf32, #tpu.memory_space<vmem_shared>>
    %dma_start3A_22 = arith.constant 0 : i32
    %dma_start3A_23 = arith.constant 0 : i32
    %dma_start3A_24 = tpu.memref_slice %arg8[%dma_start3A_22, %dma_start3A_23] : memref<624x8xf32, #tpu.memory_space<hbm>> -> memref<624x8xf32, #tpu.memory_space<hbm>>
    tpu.enqueue_dma source(%dma_start3A_24 : memref<624x8xf32, #tpu.memory_space<hbm>>) target(%dma_start3A_21 : memref<624x8xf32, #tpu.memory_space<vmem_shared>>) target_semaphore(%arg23 : memref<!tpu.dma_semaphore, #tpu.memory_space<semaphore_mem>>)
    %dma_start3A_25 = arith.constant 0 : i32
    %dma_start3A_26 = arith.constant 0 : i32
    %dma_start3A_27 = tpu.memref_slice %arg8[%dma_start3A_25, %dma_start3A_26] : memref<624x8xf32, #tpu.memory_space<hbm>> -> memref<320x8xf32, #tpu.memory_space<hbm>>
    %dma_start3A_28 = arith.constant 0 : i32
    %dma_start3A_29 = arith.constant 0 : i32
    %dma_start3A_30 = tpu.memref_slice %arg8[%dma_start3A_28, %dma_start3A_29] : memref<624x8xf32, #tpu.memory_space<hbm>> -> memref<320x8xf32, #tpu.memory_space<hbm>>
    tpu.enqueue_dma source(%dma_start3A_30 : memref<320x8xf32, #tpu.memory_space<hbm>>) target(%arg15 : memref<320x8xf32, #tpu.memory_space<vmem>>) target_semaphore(%arg23 : memref<!tpu.dma_semaphore, #tpu.memory_space<semaphore_mem>>)
    %eq3A = arith.constant 15 : i32
    %eq3A_31 = arith.cmpi eq, %arg1, %eq3A : i32
    %convert_element_type3A = arith.extui %eq3A_31 : i1 to i32
    %cond3A = arith.constant 0 : i32
    %cond3A_32 = arith.cmpi ne, %convert_element_type3A, %cond3A : i32
    scf.if %cond3A_32 {
      %dma_start3A_252 = arith.constant 9984 : i32
      %dma_start3A_253 = arith.constant 0 : i32
      %dma_start3A_254 = tpu.memref_slice %arg18[%dma_start3A_252, %dma_start3A_253] : memref<10000x64xf32, #tpu.memory_space<vmem_shared>> -> memref<16x64xf32, #tpu.memory_space<vmem_shared>>
      %dma_start3A_255 = arith.constant 0 : i32
      %dma_start3A_256 = arith.constant 0 : i32
      %dma_start3A_257 = tpu.memref_slice %arg7[%dma_start3A_255, %dma_start3A_256] : memref<624x64xf32, #tpu.memory_space<hbm>> -> memref<16x64xf32, #tpu.memory_space<hbm>>
      tpu.enqueue_dma source(%dma_start3A_257 : memref<16x64xf32, #tpu.memory_space<hbm>>) target(%dma_start3A_254 : memref<16x64xf32, #tpu.memory_space<vmem_shared>>) target_semaphore(%arg23 : memref<!tpu.dma_semaphore, #tpu.memory_space<semaphore_mem>>)
      %dma_start3A_258 = arith.constant 9984 : i32
      %dma_start3A_259 = arith.constant 0 : i32
      %dma_start3A_260 = tpu.memref_slice %arg19[%dma_start3A_258, %dma_start3A_259] : memref<10000x8xf32, #tpu.memory_space<vmem_shared>> -> memref<16x8xf32, #tpu.memory_space<vmem_shared>>
      %dma_start3A_261 = arith.constant 0 : i32
      %dma_start3A_262 = arith.constant 0 : i32
      %dma_start3A_263 = tpu.memref_slice %arg8[%dma_start3A_261, %dma_start3A_262] : memref<624x8xf32, #tpu.memory_space<hbm>> -> memref<16x8xf32, #tpu.memory_space<hbm>>
      tpu.enqueue_dma source(%dma_start3A_263 : memref<16x8xf32, #tpu.memory_space<hbm>>) target(%dma_start3A_260 : memref<16x8xf32, #tpu.memory_space<vmem_shared>>) target_semaphore(%arg23 : memref<!tpu.dma_semaphore, #tpu.memory_space<semaphore_mem>>)
    } else {
    }
    %dma_wait3A = arith.constant 0 : i32
    %dma_wait3A_33 = arith.constant 0 : i32
    %dma_wait3A_34 = tpu.memref_slice %arg5[%arg1, %dma_wait3A, %dma_wait3A_33] : memref<16x250x80xi32, #tpu.memory_space<hbm>> -> memref<1x250x80xi32, #tpu.memory_space<hbm>>
    %dma_wait3A_35 = tpu.memref_squeeze %dma_wait3A_34 : memref<1x250x80xi32, #tpu.memory_space<hbm>> -> memref<250x80xi32, #tpu.memory_space<hbm>>
    %dma_wait3A_36 = arith.constant 0 : i32
    %dma_wait3A_37 = arith.constant 0 : i32
    %dma_wait3A_38 = tpu.memref_slice %arg5[%arg1, %dma_wait3A_36, %dma_wait3A_37] : memref<16x250x80xi32, #tpu.memory_space<hbm>> -> memref<1x250x80xi32, #tpu.memory_space<hbm>>
    %dma_wait3A_39 = tpu.memref_squeeze %dma_wait3A_38 : memref<1x250x80xi32, #tpu.memory_space<hbm>> -> memref<250x80xi32, #tpu.memory_space<hbm>>
    tpu.wait_dma2 semaphore(%arg23 : memref<!tpu.dma_semaphore, #tpu.memory_space<semaphore_mem>>) src(%dma_wait3A_39 : memref<250x80xi32, #tpu.memory_space<hbm>>) dst(%arg11 : memref<250x80xi32, #tpu.memory_space<vmem>>)
    %dma_start3A_40 = arith.constant 0 : i32
    %dma_start3A_41 = arith.constant 0 : i32
    %dma_start3A_42 = arith.constant 0 : i32
    %dma_start3A_43 = arith.constant 0 : i32
    %dma_start3A_44 = tpu.memref_slice %arg16[%dma_start3A_41, %dma_start3A_42, %dma_start3A_43] : memref<3x80x64xbf16, #tpu.memory_space<vmem>> -> memref<1x80x64xbf16, #tpu.memory_space<vmem>>
    %dma_start3A_45 = tpu.memref_squeeze %dma_start3A_44 : memref<1x80x64xbf16, #tpu.memory_space<vmem>> -> memref<80x64xbf16, #tpu.memory_space<vmem>>
    %dma_start3A_46 = arith.constant 0 : i32
    %dma_start3A_47 = tpu.memref_slice %arg11[%dma_start3A_40, %dma_start3A_46] : memref<250x80xi32, #tpu.memory_space<vmem>> -> memref<1x80xi32, #tpu.memory_space<vmem>>
    %dma_start3A_48 = tpu.memref_squeeze %dma_start3A_47 : memref<1x80xi32, #tpu.memory_space<vmem>> -> memref<80xi32, #tpu.memory_space<vmem>>
    %dma_start3A_49 = arith.constant 0 : i32
    %dma_start3A_50 = arith.constant 0 : i32
    %dma_start3A_51 = tpu.memref_slice %arg2[%arg0, %dma_start3A_49, %dma_start3A_50] : memref<2x10000x64xbf16, #tpu.memory_space<hbm>> -> memref<1x10000x64xbf16, #tpu.memory_space<hbm>>
    %dma_start3A_52 = tpu.memref_squeeze %dma_start3A_51 : memref<1x10000x64xbf16, #tpu.memory_space<hbm>> -> memref<10000x64xbf16, #tpu.memory_space<hbm>>
    %dma_start3A_53 = arith.constant 0 : i32
    %dma_start3A_54 = arith.constant 0 : i32
    %dma_start3A_55 = tpu.memref_slice %dma_start3A_52[%dma_start3A_53, %dma_start3A_54] : memref<10000x64xbf16, #tpu.memory_space<hbm>> -> memref<10000x64xbf16, #tpu.memory_space<hbm>>
    tpu.enqueue_indirect_dma source(%dma_start3A_55 : memref<10000x64xbf16, #tpu.memory_space<hbm>>) target(%dma_start3A_45 : memref<80x64xbf16, #tpu.memory_space<vmem>>) offsets(%dma_start3A_48 : memref<80xi32, #tpu.memory_space<vmem>>) semaphore(%arg20 : memref<!tpu.dma_semaphore, #tpu.memory_space<semaphore_mem>>)
    %dma_start3A_56 = arith.constant 1 : i32
    %dma_start3A_57 = arith.constant 1 : i32
    %dma_start3A_58 = arith.constant 0 : i32
    %dma_start3A_59 = arith.constant 0 : i32
    %dma_start3A_60 = tpu.memref_slice %arg16[%dma_start3A_57, %dma_start3A_58, %dma_start3A_59] : memref<3x80x64xbf16, #tpu.memory_space<vmem>> -> memref<1x80x64xbf16, #tpu.memory_space<vmem>>
    %dma_start3A_61 = tpu.memref_squeeze %dma_start3A_60 : memref<1x80x64xbf16, #tpu.memory_space<vmem>> -> memref<80x64xbf16, #tpu.memory_space<vmem>>
    %dma_start3A_62 = arith.constant 0 : i32
    %dma_start3A_63 = tpu.memref_slice %arg11[%dma_start3A_56, %dma_start3A_62] : memref<250x80xi32, #tpu.memory_space<vmem>> -> memref<1x80xi32, #tpu.memory_space<vmem>>
    %dma_start3A_64 = tpu.memref_squeeze %dma_start3A_63 : memref<1x80xi32, #tpu.memory_space<vmem>> -> memref<80xi32, #tpu.memory_space<vmem>>
    %dma_start3A_65 = arith.constant 0 : i32
    %dma_start3A_66 = arith.constant 0 : i32
    %dma_start3A_67 = tpu.memref_slice %arg2[%arg0, %dma_start3A_65, %dma_start3A_66] : memref<2x10000x64xbf16, #tpu.memory_space<hbm>> -> memref<1x10000x64xbf16, #tpu.memory_space<hbm>>
    %dma_start3A_68 = tpu.memref_squeeze %dma_start3A_67 : memref<1x10000x64xbf16, #tpu.memory_space<hbm>> -> memref<10000x64xbf16, #tpu.memory_space<hbm>>
    %dma_start3A_69 = arith.constant 0 : i32
    %dma_start3A_70 = arith.constant 0 : i32
    %dma_start3A_71 = tpu.memref_slice %dma_start3A_68[%dma_start3A_69, %dma_start3A_70] : memref<10000x64xbf16, #tpu.memory_space<hbm>> -> memref<10000x64xbf16, #tpu.memory_space<hbm>>
    tpu.enqueue_indirect_dma source(%dma_start3A_71 : memref<10000x64xbf16, #tpu.memory_space<hbm>>) target(%dma_start3A_61 : memref<80x64xbf16, #tpu.memory_space<vmem>>) offsets(%dma_start3A_64 : memref<80xi32, #tpu.memory_space<vmem>>) semaphore(%arg20 : memref<!tpu.dma_semaphore, #tpu.memory_space<semaphore_mem>>)
    %dma_wait3A_72 = arith.constant 0 : i32
    %dma_wait3A_73 = arith.constant 0 : i32
    %dma_wait3A_74 = tpu.memref_slice %arg6[%arg1, %dma_wait3A_72, %dma_wait3A_73] : memref<16x250x80xi32, #tpu.memory_space<hbm>> -> memref<1x250x80xi32, #tpu.memory_space<hbm>>
    %dma_wait3A_75 = tpu.memref_squeeze %dma_wait3A_74 : memref<1x250x80xi32, #tpu.memory_space<hbm>> -> memref<250x80xi32, #tpu.memory_space<hbm>>
    %dma_wait3A_76 = arith.constant 0 : i32
    %dma_wait3A_77 = arith.constant 0 : i32
    %dma_wait3A_78 = tpu.memref_slice %arg6[%arg1, %dma_wait3A_76, %dma_wait3A_77] : memref<16x250x80xi32, #tpu.memory_space<hbm>> -> memref<1x250x80xi32, #tpu.memory_space<hbm>>
    %dma_wait3A_79 = tpu.memref_squeeze %dma_wait3A_78 : memref<1x250x80xi32, #tpu.memory_space<hbm>> -> memref<250x80xi32, #tpu.memory_space<hbm>>
    tpu.wait_dma2 semaphore(%arg23 : memref<!tpu.dma_semaphore, #tpu.memory_space<semaphore_mem>>) src(%dma_wait3A_79 : memref<250x80xi32, #tpu.memory_space<hbm>>) dst(%arg12 : memref<250x80xi32, #tpu.memory_space<vmem>>)
    tpu.wait_dma2 semaphore(%arg23 : memref<!tpu.dma_semaphore, #tpu.memory_space<semaphore_mem>>) src(%arg3 : memref<10000xf32, #tpu.memory_space<hbm>>) dst(%arg13 : memref<10000xf32, #tpu.memory_space<vmem>>)
    tpu.wait_dma2 semaphore(%arg23 : memref<!tpu.dma_semaphore, #tpu.memory_space<semaphore_mem>>) src(%arg4 : memref<10000xf32, #tpu.memory_space<hbm>>) dst(%arg14 : memref<10000xf32, #tpu.memory_space<vmem>>)
    %mul3A_80 = arith.constant 624 : i32
    %mul3A_81 = arith.muli %arg1, %mul3A_80 : i32
    %dma_wait3A_82 = arith.constant 0 : i32
    %dma_wait3A_83 = tpu.memref_slice %arg18[%mul3A_81, %dma_wait3A_82] : memref<10000x64xf32, #tpu.memory_space<vmem_shared>> -> memref<624x64xf32, #tpu.memory_space<vmem_shared>>
    tpu.wait_dma2 semaphore(%arg23 : memref<!tpu.dma_semaphore, #tpu.memory_space<semaphore_mem>>) src(%arg7 : memref<624x64xf32, #tpu.memory_space<hbm>>) dst(%dma_wait3A_83 : memref<624x64xf32, #tpu.memory_space<vmem_shared>>)
    %mul3A_84 = arith.constant 624 : i32
    %mul3A_85 = arith.muli %arg1, %mul3A_84 : i32
    %dma_wait3A_86 = arith.constant 0 : i32
    %dma_wait3A_87 = tpu.memref_slice %arg19[%mul3A_85, %dma_wait3A_86] : memref<10000x8xf32, #tpu.memory_space<vmem_shared>> -> memref<624x8xf32, #tpu.memory_space<vmem_shared>>
    %dma_wait3A_88 = arith.constant 0 : i32
    %dma_wait3A_89 = arith.constant 0 : i32
    %dma_wait3A_90 = tpu.memref_slice %arg8[%dma_wait3A_88, %dma_wait3A_89] : memref<624x8xf32, #tpu.memory_space<hbm>> -> memref<624x8xf32, #tpu.memory_space<hbm>>
    tpu.wait_dma2 semaphore(%arg23 : memref<!tpu.dma_semaphore, #tpu.memory_space<semaphore_mem>>) src(%dma_wait3A_90 : memref<624x8xf32, #tpu.memory_space<hbm>>) dst(%dma_wait3A_87 : memref<624x8xf32, #tpu.memory_space<vmem_shared>>)
    %dma_wait3A_91 = arith.constant 0 : i32
    %dma_wait3A_92 = arith.constant 0 : i32
    %dma_wait3A_93 = tpu.memref_slice %arg8[%dma_wait3A_91, %dma_wait3A_92] : memref<624x8xf32, #tpu.memory_space<hbm>> -> memref<320x8xf32, #tpu.memory_space<hbm>>
    %dma_wait3A_94 = arith.constant 0 : i32
    %dma_wait3A_95 = arith.constant 0 : i32
    %dma_wait3A_96 = tpu.memref_slice %arg8[%dma_wait3A_94, %dma_wait3A_95] : memref<624x8xf32, #tpu.memory_space<hbm>> -> memref<320x8xf32, #tpu.memory_space<hbm>>
    tpu.wait_dma2 semaphore(%arg23 : memref<!tpu.dma_semaphore, #tpu.memory_space<semaphore_mem>>) src(%dma_wait3A_96 : memref<320x8xf32, #tpu.memory_space<hbm>>) dst(%arg15 : memref<320x8xf32, #tpu.memory_space<vmem>>)
    %eq3A_97 = arith.constant 15 : i32
    %eq3A_98 = arith.cmpi eq, %arg1, %eq3A_97 : i32
    %convert_element_type3A_99 = arith.extui %eq3A_98 : i1 to i32
    %cond3A_100 = arith.constant 0 : i32
    %cond3A_101 = arith.cmpi ne, %convert_element_type3A_99, %cond3A_100 : i32
    scf.if %cond3A_101 {
      %dma_wait3A_252 = arith.constant 9984 : i32
      %dma_wait3A_253 = arith.constant 0 : i32
      %dma_wait3A_254 = tpu.memref_slice %arg18[%dma_wait3A_252, %dma_wait3A_253] : memref<10000x64xf32, #tpu.memory_space<vmem_shared>> -> memref<16x64xf32, #tpu.memory_space<vmem_shared>>
      %dma_wait3A_255 = arith.constant 0 : i32
      %dma_wait3A_256 = arith.constant 0 : i32
      %dma_wait3A_257 = tpu.memref_slice %arg7[%dma_wait3A_255, %dma_wait3A_256] : memref<624x64xf32, #tpu.memory_space<hbm>> -> memref<16x64xf32, #tpu.memory_space<hbm>>
      tpu.wait_dma2 semaphore(%arg23 : memref<!tpu.dma_semaphore, #tpu.memory_space<semaphore_mem>>) src(%dma_wait3A_257 : memref<16x64xf32, #tpu.memory_space<hbm>>) dst(%dma_wait3A_254 : memref<16x64xf32, #tpu.memory_space<vmem_shared>>)
      %dma_wait3A_258 = arith.constant 9984 : i32
      %dma_wait3A_259 = arith.constant 0 : i32
      %dma_wait3A_260 = tpu.memref_slice %arg19[%dma_wait3A_258, %dma_wait3A_259] : memref<10000x8xf32, #tpu.memory_space<vmem_shared>> -> memref<16x8xf32, #tpu.memory_space<vmem_shared>>
      %dma_wait3A_261 = arith.constant 0 : i32
      %dma_wait3A_262 = arith.constant 0 : i32
      %dma_wait3A_263 = tpu.memref_slice %arg8[%dma_wait3A_261, %dma_wait3A_262] : memref<624x8xf32, #tpu.memory_space<hbm>> -> memref<16x8xf32, #tpu.memory_space<hbm>>
      tpu.wait_dma2 semaphore(%arg23 : memref<!tpu.dma_semaphore, #tpu.memory_space<semaphore_mem>>) src(%dma_wait3A_263 : memref<16x8xf32, #tpu.memory_space<hbm>>) dst(%dma_wait3A_260 : memref<16x8xf32, #tpu.memory_space<vmem_shared>>)
    } else {
    }
    %barrier3A = arith.constant 0 : index
    tpu.barrier barrier_id(%barrier3A)
    %broadcast_in_dim3A = arith.constant 0 : i32
    %broadcast_in_dim3A_102 = vector.broadcast %broadcast_in_dim3A : i32 to vector<16xi32>
    %iota3A = tpu.iota {dimensions = array<i32: 0>} : vector<16xi32>
    %scan3A = arith.constant 0 : i32
    %scan3A_103 = arith.constant 0 : i32
    %scan3A_104 = arith.constant 250 : i32
    %scan3A_105 = arith.addi %scan3A_103, %scan3A_104 : i32
    %scan3A_106 = arith.constant 1 : i32
    scf.for %scan3A_252 = %scan3A_103 to %scan3A_105 step %scan3A_106  : i32 {
      %rem3A_253 = arith.constant 3 : i32
      %rem3A_254 = arith.remsi %scan3A_252, %rem3A_253 : i32
      %rem3A_255 = arith.constant 3 : i32
      %rem3A_256 = arith.remsi %scan3A_252, %rem3A_255 : i32
      %rem3A_257 = arith.constant 4 : i32
      %rem3A_258 = arith.remsi %scan3A_252, %rem3A_257 : i32
      %ge3A = arith.constant 4 : i32
      %ge3A_259 = arith.cmpi sge, %scan3A_252, %ge3A : i32
      %convert_element_type3A_260 = arith.extui %ge3A_259 : i1 to i32
      %cond3A_261 = arith.constant 0 : i32
      %cond3A_262 = arith.cmpi ne, %convert_element_type3A_260, %cond3A_261 : i32
      scf.if %cond3A_262 {
        %mul3A_403 = arith.constant 80 : i32
        %mul3A_404 = arith.muli %rem3A_258, %mul3A_403 : i32
        %sub3A = arith.constant 4 : i32
        %sub3A_405 = arith.subi %scan3A_252, %sub3A : i32
        %dma_wait3A_406 = arith.constant 0 : i32
        %dma_wait3A_407 = tpu.memref_slice %arg15[%mul3A_404, %dma_wait3A_406] : memref<320x8xf32, #tpu.memory_space<vmem>> -> memref<80x8xf32, #tpu.memory_space<vmem>>
        %dma_wait3A_408 = arith.constant 0 : i32
        %dma_wait3A_409 = tpu.memref_slice %arg12[%sub3A_405, %dma_wait3A_408] : memref<250x80xi32, #tpu.memory_space<vmem>> -> memref<1x80xi32, #tpu.memory_space<vmem>>
        %dma_wait3A_410 = tpu.memref_squeeze %dma_wait3A_409 : memref<1x80xi32, #tpu.memory_space<vmem>> -> memref<80xi32, #tpu.memory_space<vmem>>
        %dma_wait3A_411 = arith.constant 0 : i32
        %dma_wait3A_412 = arith.constant 0 : i32
        %dma_wait3A_413 = tpu.memref_slice %arg19[%dma_wait3A_411, %dma_wait3A_412] : memref<10000x8xf32, #tpu.memory_space<vmem_shared>> -> memref<10000x8xf32, #tpu.memory_space<vmem_shared>>
        tpu.wait_indirect_dma semaphore(%arg22 : memref<!tpu.dma_semaphore, #tpu.memory_space<semaphore_mem>>) src(%dma_wait3A_407 : memref<80x8xf32, #tpu.memory_space<vmem>>) dst(%dma_wait3A_413 : memref<10000x8xf32, #tpu.memory_space<vmem_shared>>)
      } else {
      }
      %lt3A = arith.constant 248 : i32
      %lt3A_263 = arith.cmpi slt, %scan3A_252, %lt3A : i32
      %convert_element_type3A_264 = arith.extui %lt3A_263 : i1 to i32
      %cond3A_265 = arith.constant 0 : i32
      %cond3A_266 = arith.cmpi ne, %convert_element_type3A_264, %cond3A_265 : i32
      scf.if %cond3A_266 {
        %add3A_403 = arith.constant 2 : i32
        %add3A_404 = arith.addi %scan3A_252, %add3A_403 : i32
        %add3A_405 = arith.constant 2 : i32
        %add3A_406 = arith.addi %scan3A_252, %add3A_405 : i32
        %rem3A_407 = arith.constant 3 : i32
        %rem3A_408 = arith.remsi %add3A_406, %rem3A_407 : i32
        %dma_start3A_409 = arith.constant 0 : i32
        %dma_start3A_410 = arith.constant 0 : i32
        %dma_start3A_411 = tpu.memref_slice %arg16[%rem3A_408, %dma_start3A_409, %dma_start3A_410] : memref<3x80x64xbf16, #tpu.memory_space<vmem>> -> memref<1x80x64xbf16, #tpu.memory_space<vmem>>
        %dma_start3A_412 = tpu.memref_squeeze %dma_start3A_411 : memref<1x80x64xbf16, #tpu.memory_space<vmem>> -> memref<80x64xbf16, #tpu.memory_space<vmem>>
        %dma_start3A_413 = arith.constant 0 : i32
        %dma_start3A_414 = tpu.memref_slice %arg11[%add3A_404, %dma_start3A_413] : memref<250x80xi32, #tpu.memory_space<vmem>> -> memref<1x80xi32, #tpu.memory_space<vmem>>
        %dma_start3A_415 = tpu.memref_squeeze %dma_start3A_414 : memref<1x80xi32, #tpu.memory_space<vmem>> -> memref<80xi32, #tpu.memory_space<vmem>>
        %dma_start3A_416 = arith.constant 0 : i32
        %dma_start3A_417 = arith.constant 0 : i32
        %dma_start3A_418 = tpu.memref_slice %arg2[%arg0, %dma_start3A_416, %dma_start3A_417] : memref<2x10000x64xbf16, #tpu.memory_space<hbm>> -> memref<1x10000x64xbf16, #tpu.memory_space<hbm>>
        %dma_start3A_419 = tpu.memref_squeeze %dma_start3A_418 : memref<1x10000x64xbf16, #tpu.memory_space<hbm>> -> memref<10000x64xbf16, #tpu.memory_space<hbm>>
        %dma_start3A_420 = arith.constant 0 : i32
        %dma_start3A_421 = arith.constant 0 : i32
        %dma_start3A_422 = tpu.memref_slice %dma_start3A_419[%dma_start3A_420, %dma_start3A_421] : memref<10000x64xbf16, #tpu.memory_space<hbm>> -> memref<10000x64xbf16, #tpu.memory_space<hbm>>
        tpu.enqueue_indirect_dma source(%dma_start3A_422 : memref<10000x64xbf16, #tpu.memory_space<hbm>>) target(%dma_start3A_412 : memref<80x64xbf16, #tpu.memory_space<vmem>>) offsets(%dma_start3A_415 : memref<80xi32, #tpu.memory_space<vmem>>) semaphore(%arg20 : memref<!tpu.dma_semaphore, #tpu.memory_space<semaphore_mem>>)
      } else {
      }
      %get3A = arith.index_cast %scan3A_252 : i32 to index
      %get3A_267 = arith.constant 0 : index
      %get3A_268 = tpu.vector_load %arg11[%get3A, %get3A_267] {strides = array<i32>} : memref<250x80xi32, #tpu.memory_space<vmem>>, vector<16xi32>,
      %get3A_269 = arith.index_cast %scan3A_252 : i32 to index
      %get3A_270 = arith.constant 0 : index
      %get3A_271 = tpu.vector_load %arg12[%get3A_269, %get3A_270] {strides = array<i32>} : memref<250x80xi32, #tpu.memory_space<vmem>>, vector<16xi32>,
      %gather3A = tpu.vector_load_idx %arg13[%get3A_268] : memref<10000xf32, #tpu.memory_space<vmem>>[vector<16xi32>], vector<16xf32>,
      %gather3A_272 = tpu.vector_load_idx %arg14[%get3A_271] : memref<10000xf32, #tpu.memory_space<vmem>>[vector<16xi32>], vector<16xf32>,
      %add3A = arith.addf %gather3A, %gather3A_272 : vector<16xf32>
      %mul3A_273 = arith.constant 2.000000e-01 : f32
      %mul3A_274 = vector.broadcast %mul3A_273 : f32 to vector<16xf32>
      %mul3A_275 = arith.mulf %mul3A_274, %add3A : vector<16xf32>
      %max3A = arith.maximumf %add3A, %mul3A_275 : vector<16xf32>
      %exp3A = math.exp %max3A : vector<16xf32>
      %mul3A_276 = arith.constant 80 : i32
      %mul3A_277 = arith.muli %rem3A_258, %mul3A_276 : i32
      %add3A_278 = arith.constant 0 : i32
      %add3A_279 = arith.addi %mul3A_277, %add3A_278 : i32
      %add3A_280 = vector.broadcast %add3A_279 : i32 to vector<16xi32>
      %add3A_281 = arith.addi %add3A_280, %iota3A : vector<16xi32>
      tpu.vector_store_idx %arg15[%add3A_281, %broadcast_in_dim3A_102], %exp3A : memref<320x8xf32, #tpu.memory_space<vmem>>[vector<16xi32>, vector<16xi32>], vector<16xf32>,
      %get3A_282 = arith.index_cast %scan3A_252 : i32 to index
      %get3A_283 = arith.constant 16 : index
      %get3A_284 = tpu.vector_load %arg11[%get3A_282, %get3A_283] {strides = array<i32>} : memref<250x80xi32, #tpu.memory_space<vmem>>, vector<16xi32>,
      %get3A_285 = arith.index_cast %scan3A_252 : i32 to index
      %get3A_286 = arith.constant 16 : index
      %get3A_287 = tpu.vector_load %arg12[%get3A_285, %get3A_286] {strides = array<i32>} : memref<250x80xi32, #tpu.memory_space<vmem>>, vector<16xi32>,
      %gather3A_288 = tpu.vector_load_idx %arg13[%get3A_284] : memref<10000xf32, #tpu.memory_space<vmem>>[vector<16xi32>], vector<16xf32>,
      %gather3A_289 = tpu.vector_load_idx %arg14[%get3A_287] : memref<10000xf32, #tpu.memory_space<vmem>>[vector<16xi32>], vector<16xf32>,
      %add3A_290 = arith.addf %gather3A_288, %gather3A_289 : vector<16xf32>
      %mul3A_291 = arith.constant 2.000000e-01 : f32
      %mul3A_292 = vector.broadcast %mul3A_291 : f32 to vector<16xf32>
      %mul3A_293 = arith.mulf %mul3A_292, %add3A_290 : vector<16xf32>
      %max3A_294 = arith.maximumf %add3A_290, %mul3A_293 : vector<16xf32>
      %exp3A_295 = math.exp %max3A_294 : vector<16xf32>
      %mul3A_296 = arith.constant 80 : i32
      %mul3A_297 = arith.muli %rem3A_258, %mul3A_296 : i32
      %add3A_298 = arith.constant 16 : i32
      %add3A_299 = arith.addi %mul3A_297, %add3A_298 : i32
      %add3A_300 = vector.broadcast %add3A_299 : i32 to vector<16xi32>
      %add3A_301 = arith.addi %add3A_300, %iota3A : vector<16xi32>
      tpu.vector_store_idx %arg15[%add3A_301, %broadcast_in_dim3A_102], %exp3A_295 : memref<320x8xf32, #tpu.memory_space<vmem>>[vector<16xi32>, vector<16xi32>], vector<16xf32>,
      %get3A_302 = arith.index_cast %scan3A_252 : i32 to index
      %get3A_303 = arith.constant 32 : index
      %get3A_304 = tpu.vector_load %arg11[%get3A_302, %get3A_303] {strides = array<i32>} : memref<250x80xi32, #tpu.memory_space<vmem>>, vector<16xi32>,
      %get3A_305 = arith.index_cast %scan3A_252 : i32 to index
      %get3A_306 = arith.constant 32 : index
      %get3A_307 = tpu.vector_load %arg12[%get3A_305, %get3A_306] {strides = array<i32>} : memref<250x80xi32, #tpu.memory_space<vmem>>, vector<16xi32>,
      %gather3A_308 = tpu.vector_load_idx %arg13[%get3A_304] : memref<10000xf32, #tpu.memory_space<vmem>>[vector<16xi32>], vector<16xf32>,
      %gather3A_309 = tpu.vector_load_idx %arg14[%get3A_307] : memref<10000xf32, #tpu.memory_space<vmem>>[vector<16xi32>], vector<16xf32>,
      %add3A_310 = arith.addf %gather3A_308, %gather3A_309 : vector<16xf32>
      %mul3A_311 = arith.constant 2.000000e-01 : f32
      %mul3A_312 = vector.broadcast %mul3A_311 : f32 to vector<16xf32>
      %mul3A_313 = arith.mulf %mul3A_312, %add3A_310 : vector<16xf32>
      %max3A_314 = arith.maximumf %add3A_310, %mul3A_313 : vector<16xf32>
      %exp3A_315 = math.exp %max3A_314 : vector<16xf32>
      %mul3A_316 = arith.constant 80 : i32
      %mul3A_317 = arith.muli %rem3A_258, %mul3A_316 : i32
      %add3A_318 = arith.constant 32 : i32
      %add3A_319 = arith.addi %mul3A_317, %add3A_318 : i32
      %add3A_320 = vector.broadcast %add3A_319 : i32 to vector<16xi32>
      %add3A_321 = arith.addi %add3A_320, %iota3A : vector<16xi32>
      tpu.vector_store_idx %arg15[%add3A_321, %broadcast_in_dim3A_102], %exp3A_315 : memref<320x8xf32, #tpu.memory_space<vmem>>[vector<16xi32>, vector<16xi32>], vector<16xf32>,
      %get3A_322 = arith.index_cast %scan3A_252 : i32 to index
      %get3A_323 = arith.constant 48 : index
      %get3A_324 = tpu.vector_load %arg11[%get3A_322, %get3A_323] {strides = array<i32>} : memref<250x80xi32, #tpu.memory_space<vmem>>, vector<16xi32>,
      %get3A_325 = arith.index_cast %scan3A_252 : i32 to index
      %get3A_326 = arith.constant 48 : index
      %get3A_327 = tpu.vector_load %arg12[%get3A_325, %get3A_326] {strides = array<i32>} : memref<250x80xi32, #tpu.memory_space<vmem>>, vector<16xi32>,
      %gather3A_328 = tpu.vector_load_idx %arg13[%get3A_324] : memref<10000xf32, #tpu.memory_space<vmem>>[vector<16xi32>], vector<16xf32>,
      %gather3A_329 = tpu.vector_load_idx %arg14[%get3A_327] : memref<10000xf32, #tpu.memory_space<vmem>>[vector<16xi32>], vector<16xf32>,
      %add3A_330 = arith.addf %gather3A_328, %gather3A_329 : vector<16xf32>
      %mul3A_331 = arith.constant 2.000000e-01 : f32
      %mul3A_332 = vector.broadcast %mul3A_331 : f32 to vector<16xf32>
      %mul3A_333 = arith.mulf %mul3A_332, %add3A_330 : vector<16xf32>
      %max3A_334 = arith.maximumf %add3A_330, %mul3A_333 : vector<16xf32>
      %exp3A_335 = math.exp %max3A_334 : vector<16xf32>
      %mul3A_336 = arith.constant 80 : i32
      %mul3A_337 = arith.muli %rem3A_258, %mul3A_336 : i32
      %add3A_338 = arith.constant 48 : i32
      %add3A_339 = arith.addi %mul3A_337, %add3A_338 : i32
      %add3A_340 = vector.broadcast %add3A_339 : i32 to vector<16xi32>
      %add3A_341 = arith.addi %add3A_340, %iota3A : vector<16xi32>
      tpu.vector_store_idx %arg15[%add3A_341, %broadcast_in_dim3A_102], %exp3A_335 : memref<320x8xf32, #tpu.memory_space<vmem>>[vector<16xi32>, vector<16xi32>], vector<16xf32>,
      %get3A_342 = arith.index_cast %scan3A_252 : i32 to index
      %get3A_343 = arith.constant 64 : index
      %get3A_344 = tpu.vector_load %arg11[%get3A_342, %get3A_343] {strides = array<i32>} : memref<250x80xi32, #tpu.memory_space<vmem>>, vector<16xi32>,
      %get3A_345 = arith.index_cast %scan3A_252 : i32 to index
      %get3A_346 = arith.constant 64 : index
      %get3A_347 = tpu.vector_load %arg12[%get3A_345, %get3A_346] {strides = array<i32>} : memref<250x80xi32, #tpu.memory_space<vmem>>, vector<16xi32>,
      %gather3A_348 = tpu.vector_load_idx %arg13[%get3A_344] : memref<10000xf32, #tpu.memory_space<vmem>>[vector<16xi32>], vector<16xf32>,
      %gather3A_349 = tpu.vector_load_idx %arg14[%get3A_347] : memref<10000xf32, #tpu.memory_space<vmem>>[vector<16xi32>], vector<16xf32>,
      %add3A_350 = arith.addf %gather3A_348, %gather3A_349 : vector<16xf32>
      %mul3A_351 = arith.constant 2.000000e-01 : f32
      %mul3A_352 = vector.broadcast %mul3A_351 : f32 to vector<16xf32>
      %mul3A_353 = arith.mulf %mul3A_352, %add3A_350 : vector<16xf32>
      %max3A_354 = arith.maximumf %add3A_350, %mul3A_353 : vector<16xf32>
      %exp3A_355 = math.exp %max3A_354 : vector<16xf32>
      %mul3A_356 = arith.constant 80 : i32
      %mul3A_357 = arith.muli %rem3A_258, %mul3A_356 : i32
      %add3A_358 = arith.constant 64 : i32
      %add3A_359 = arith.addi %mul3A_357, %add3A_358 : i32
      %add3A_360 = vector.broadcast %add3A_359 : i32 to vector<16xi32>
      %add3A_361 = arith.addi %add3A_360, %iota3A : vector<16xi32>
      tpu.vector_store_idx %arg15[%add3A_361, %broadcast_in_dim3A_102], %exp3A_355 : memref<320x8xf32, #tpu.memory_space<vmem>>[vector<16xi32>, vector<16xi32>], vector<16xf32>,
      %mul3A_362 = arith.constant 80 : i32
      %mul3A_363 = arith.muli %rem3A_258, %mul3A_362 : i32
      %dma_start3A_364 = arith.constant 0 : i32
      %dma_start3A_365 = tpu.memref_slice %arg15[%mul3A_363, %dma_start3A_364] : memref<320x8xf32, #tpu.memory_space<vmem>> -> memref<80x8xf32, #tpu.memory_space<vmem>>
      %dma_start3A_366 = arith.constant 0 : i32
      %dma_start3A_367 = tpu.memref_slice %arg12[%scan3A_252, %dma_start3A_366] : memref<250x80xi32, #tpu.memory_space<vmem>> -> memref<1x80xi32, #tpu.memory_space<vmem>>
      %dma_start3A_368 = tpu.memref_squeeze %dma_start3A_367 : memref<1x80xi32, #tpu.memory_space<vmem>> -> memref<80xi32, #tpu.memory_space<vmem>>
      %dma_start3A_369 = arith.constant 0 : i32
      %dma_start3A_370 = arith.constant 0 : i32
      %dma_start3A_371 = tpu.memref_slice %arg19[%dma_start3A_369, %dma_start3A_370] : memref<10000x8xf32, #tpu.memory_space<vmem_shared>> -> memref<10000x8xf32, #tpu.memory_space<vmem_shared>>
      tpu.enqueue_indirect_dma source(%dma_start3A_365 : memref<80x8xf32, #tpu.memory_space<vmem>>) target(%dma_start3A_371 : memref<10000x8xf32, #tpu.memory_space<vmem_shared>>) offsets(%dma_start3A_368 : memref<80xi32, #tpu.memory_space<vmem>>) semaphore(%arg22 : memref<!tpu.dma_semaphore, #tpu.memory_space<semaphore_mem>>) {add = true}
      %ge3A_372 = arith.constant 3 : i32
      %ge3A_373 = arith.cmpi sge, %scan3A_252, %ge3A_372 : i32
      %convert_element_type3A_374 = arith.extui %ge3A_373 : i1 to i32
      %cond3A_375 = arith.constant 0 : i32
      %cond3A_376 = arith.cmpi ne, %convert_element_type3A_374, %cond3A_375 : i32
      scf.if %cond3A_376 {
        %sub3A = arith.constant 3 : i32
        %sub3A_403 = arith.subi %scan3A_252, %sub3A : i32
        %dma_wait3A_404 = arith.constant 0 : i32
        %dma_wait3A_405 = arith.constant 0 : i32
        %dma_wait3A_406 = tpu.memref_slice %arg17[%rem3A_256, %dma_wait3A_404, %dma_wait3A_405] : memref<3x80x64xf32, #tpu.memory_space<vmem>> -> memref<1x80x64xf32, #tpu.memory_space<vmem>>
        %dma_wait3A_407 = tpu.memref_squeeze %dma_wait3A_406 : memref<1x80x64xf32, #tpu.memory_space<vmem>> -> memref<80x64xf32, #tpu.memory_space<vmem>>
        %dma_wait3A_408 = arith.constant 0 : i32
        %dma_wait3A_409 = tpu.memref_slice %arg12[%sub3A_403, %dma_wait3A_408] : memref<250x80xi32, #tpu.memory_space<vmem>> -> memref<1x80xi32, #tpu.memory_space<vmem>>
        %dma_wait3A_410 = tpu.memref_squeeze %dma_wait3A_409 : memref<1x80xi32, #tpu.memory_space<vmem>> -> memref<80xi32, #tpu.memory_space<vmem>>
        %dma_wait3A_411 = arith.constant 0 : i32
        %dma_wait3A_412 = arith.constant 0 : i32
        %dma_wait3A_413 = tpu.memref_slice %arg18[%dma_wait3A_411, %dma_wait3A_412] : memref<10000x64xf32, #tpu.memory_space<vmem_shared>> -> memref<10000x64xf32, #tpu.memory_space<vmem_shared>>
        tpu.wait_indirect_dma semaphore(%arg21 : memref<!tpu.dma_semaphore, #tpu.memory_space<semaphore_mem>>) src(%dma_wait3A_407 : memref<80x64xf32, #tpu.memory_space<vmem>>) dst(%dma_wait3A_413 : memref<10000x64xf32, #tpu.memory_space<vmem_shared>>)
      } else {
      }
      %dma_wait3A_377 = arith.constant 0 : i32
      %dma_wait3A_378 = arith.constant 0 : i32
      %dma_wait3A_379 = tpu.memref_slice %arg16[%rem3A_254, %dma_wait3A_377, %dma_wait3A_378] : memref<3x80x64xbf16, #tpu.memory_space<vmem>> -> memref<1x80x64xbf16, #tpu.memory_space<vmem>>
      %dma_wait3A_380 = tpu.memref_squeeze %dma_wait3A_379 : memref<1x80x64xbf16, #tpu.memory_space<vmem>> -> memref<80x64xbf16, #tpu.memory_space<vmem>>
      %dma_wait3A_381 = arith.constant 0 : i32
      %dma_wait3A_382 = tpu.memref_slice %arg11[%scan3A_252, %dma_wait3A_381] : memref<250x80xi32, #tpu.memory_space<vmem>> -> memref<1x80xi32, #tpu.memory_space<vmem>>
      %dma_wait3A_383 = tpu.memref_squeeze %dma_wait3A_382 : memref<1x80xi32, #tpu.memory_space<vmem>> -> memref<80xi32, #tpu.memory_space<vmem>>
      %dma_wait3A_384 = arith.constant 0 : i32
      %dma_wait3A_385 = arith.constant 0 : i32
      %dma_wait3A_386 = tpu.memref_slice %arg2[%arg0, %dma_wait3A_384, %dma_wait3A_385] : memref<2x10000x64xbf16, #tpu.memory_space<hbm>> -> memref<1x10000x64xbf16, #tpu.memory_space<hbm>>
      %dma_wait3A_387 = tpu.memref_squeeze %dma_wait3A_386 : memref<1x10000x64xbf16, #tpu.memory_space<hbm>> -> memref<10000x64xbf16, #tpu.memory_space<hbm>>
      %dma_wait3A_388 = arith.constant 0 : i32
      %dma_wait3A_389 = arith.constant 0 : i32
      %dma_wait3A_390 = tpu.memref_slice %dma_wait3A_387[%dma_wait3A_388, %dma_wait3A_389] : memref<10000x64xbf16, #tpu.memory_space<hbm>> -> memref<10000x64xbf16, #tpu.memory_space<hbm>>
      tpu.wait_indirect_dma semaphore(%arg20 : memref<!tpu.dma_semaphore, #tpu.memory_space<semaphore_mem>>) src(%dma_wait3A_390 : memref<10000x64xbf16, #tpu.memory_space<hbm>>) dst(%dma_wait3A_380 : memref<80x64xbf16, #tpu.memory_space<vmem>>)
      %parallel_loop3A = arith.constant 0 : i32
      %parallel_loop3A_391 = arith.constant 80 : i32
      %parallel_loop3A_392 = arith.constant 1 : i32
      scf.for %parallel_loop3A_403 = %parallel_loop3A to %parallel_loop3A_391 step %parallel_loop3A_392  : i32 {
        %parallel_loop3A_404 = arith.constant 80 : i32
        %parallel_loop3A_405 = arith.muli %rem3A_258, %parallel_loop3A_404 : i32
        %parallel_loop3A_406 = arith.addi %parallel_loop3A_405, %parallel_loop3A_403 : i32
        %parallel_loop3A_407 = vector.broadcast %parallel_loop3A_406 : i32 to vector<16xi32>
        %parallel_loop3A_408 = tpu.vector_load_idx %arg15[%parallel_loop3A_407, %broadcast_in_dim3A_102] : memref<320x8xf32, #tpu.memory_space<vmem>>[vector<16xi32>, vector<16xi32>], vector<16xf32>,
        %parallel_loop3A_409 = arith.index_cast %rem3A_254 : i32 to index
        %parallel_loop3A_410 = arith.index_cast %parallel_loop3A_403 : i32 to index
        %parallel_loop3A_411 = arith.constant 0 : index
        %parallel_loop3A_412 = tpu.vector_load %arg16[%parallel_loop3A_409, %parallel_loop3A_410, %parallel_loop3A_411] {strides = array<i32>} : memref<3x80x64xbf16, #tpu.memory_space<vmem>>, vector<32xbf16>,
        %parallel_loop3A_413 = tpu.unpack_subelements %parallel_loop3A_412, 0 {pack_format = #tpu.pack_format<interleaved>} : vector<32xbf16> -> vector<16xf32>
        %parallel_loop3A_414 = tpu.unpack_subelements %parallel_loop3A_412, 1 {pack_format = #tpu.pack_format<interleaved>} : vector<32xbf16> -> vector<16xf32>
        %parallel_loop3A_415 = arith.mulf %parallel_loop3A_413, %parallel_loop3A_408 : vector<16xf32>
        %parallel_loop3A_416 = arith.index_cast %rem3A_256 : i32 to index
        %parallel_loop3A_417 = arith.index_cast %parallel_loop3A_403 : i32 to index
        %parallel_loop3A_418 = arith.constant 0 : index
        %parallel_loop3A_419 = tpu.vector_load %arg17[%parallel_loop3A_416, %parallel_loop3A_417, %parallel_loop3A_418] {strides = array<i32>} : memref<3x80x64xf32, #tpu.memory_space<vmem>>, vector<16xf32>,
        tpu.vector_store %arg17[%parallel_loop3A_416, %parallel_loop3A_417, %parallel_loop3A_418], %parallel_loop3A_415 {strides = array<i32>} : memref<3x80x64xf32, #tpu.memory_space<vmem>>, vector<16xf32>,
        %parallel_loop3A_420 = arith.mulf %parallel_loop3A_414, %parallel_loop3A_408 : vector<16xf32>
        %parallel_loop3A_421 = arith.index_cast %rem3A_256 : i32 to index
        %parallel_loop3A_422 = arith.index_cast %parallel_loop3A_403 : i32 to index
        %parallel_loop3A_423 = arith.constant 16 : index
        %parallel_loop3A_424 = tpu.vector_load %arg17[%parallel_loop3A_421, %parallel_loop3A_422, %parallel_loop3A_423] {strides = array<i32>} : memref<3x80x64xf32, #tpu.memory_space<vmem>>, vector<16xf32>,
        tpu.vector_store %arg17[%parallel_loop3A_421, %parallel_loop3A_422, %parallel_loop3A_423], %parallel_loop3A_420 {strides = array<i32>} : memref<3x80x64xf32, #tpu.memory_space<vmem>>, vector<16xf32>,
        %parallel_loop3A_425 = arith.index_cast %rem3A_254 : i32 to index
        %parallel_loop3A_426 = arith.index_cast %parallel_loop3A_403 : i32 to index
        %parallel_loop3A_427 = arith.constant 32 : index
        %parallel_loop3A_428 = tpu.vector_load %arg16[%parallel_loop3A_425, %parallel_loop3A_426, %parallel_loop3A_427] {strides = array<i32>} : memref<3x80x64xbf16, #tpu.memory_space<vmem>>, vector<32xbf16>,
        %parallel_loop3A_429 = tpu.unpack_subelements %parallel_loop3A_428, 0 {pack_format = #tpu.pack_format<interleaved>} : vector<32xbf16> -> vector<16xf32>
        %parallel_loop3A_430 = tpu.unpack_subelements %parallel_loop3A_428, 1 {pack_format = #tpu.pack_format<interleaved>} : vector<32xbf16> -> vector<16xf32>
        %parallel_loop3A_431 = arith.mulf %parallel_loop3A_429, %parallel_loop3A_408 : vector<16xf32>
        %parallel_loop3A_432 = arith.index_cast %rem3A_256 : i32 to index
        %parallel_loop3A_433 = arith.index_cast %parallel_loop3A_403 : i32 to index
        %parallel_loop3A_434 = arith.constant 32 : index
        %parallel_loop3A_435 = tpu.vector_load %arg17[%parallel_loop3A_432, %parallel_loop3A_433, %parallel_loop3A_434] {strides = array<i32>} : memref<3x80x64xf32, #tpu.memory_space<vmem>>, vector<16xf32>,
        tpu.vector_store %arg17[%parallel_loop3A_432, %parallel_loop3A_433, %parallel_loop3A_434], %parallel_loop3A_431 {strides = array<i32>} : memref<3x80x64xf32, #tpu.memory_space<vmem>>, vector<16xf32>,
        %parallel_loop3A_436 = arith.mulf %parallel_loop3A_430, %parallel_loop3A_408 : vector<16xf32>
        %parallel_loop3A_437 = arith.index_cast %rem3A_256 : i32 to index
        %parallel_loop3A_438 = arith.index_cast %parallel_loop3A_403 : i32 to index
        %parallel_loop3A_439 = arith.constant 48 : index
        %parallel_loop3A_440 = tpu.vector_load %arg17[%parallel_loop3A_437, %parallel_loop3A_438, %parallel_loop3A_439] {strides = array<i32>} : memref<3x80x64xf32, #tpu.memory_space<vmem>>, vector<16xf32>,
        tpu.vector_store %arg17[%parallel_loop3A_437, %parallel_loop3A_438, %parallel_loop3A_439], %parallel_loop3A_436 {strides = array<i32>} : memref<3x80x64xf32, #tpu.memory_space<vmem>>, vector<16xf32>,
      } {sc.loop_unroll_factor = 8 : i64, sc.parallel_access}
      %dma_start3A_393 = arith.constant 0 : i32
      %dma_start3A_394 = arith.constant 0 : i32
      %dma_start3A_395 = tpu.memref_slice %arg17[%rem3A_256, %dma_start3A_393, %dma_start3A_394] : memref<3x80x64xf32, #tpu.memory_space<vmem>> -> memref<1x80x64xf32, #tpu.memory_space<vmem>>
      %dma_start3A_396 = tpu.memref_squeeze %dma_start3A_395 : memref<1x80x64xf32, #tpu.memory_space<vmem>> -> memref<80x64xf32, #tpu.memory_space<vmem>>
      %dma_start3A_397 = arith.constant 0 : i32
      %dma_start3A_398 = tpu.memref_slice %arg12[%scan3A_252, %dma_start3A_397] : memref<250x80xi32, #tpu.memory_space<vmem>> -> memref<1x80xi32, #tpu.memory_space<vmem>>
      %dma_start3A_399 = tpu.memref_squeeze %dma_start3A_398 : memref<1x80xi32, #tpu.memory_space<vmem>> -> memref<80xi32, #tpu.memory_space<vmem>>
      %dma_start3A_400 = arith.constant 0 : i32
      %dma_start3A_401 = arith.constant 0 : i32
      %dma_start3A_402 = tpu.memref_slice %arg18[%dma_start3A_400, %dma_start3A_401] : memref<10000x64xf32, #tpu.memory_space<vmem_shared>> -> memref<10000x64xf32, #tpu.memory_space<vmem_shared>>
      tpu.enqueue_indirect_dma source(%dma_start3A_396 : memref<80x64xf32, #tpu.memory_space<vmem>>) target(%dma_start3A_402 : memref<10000x64xf32, #tpu.memory_space<vmem_shared>>) offsets(%dma_start3A_399 : memref<80xi32, #tpu.memory_space<vmem>>) semaphore(%arg21 : memref<!tpu.dma_semaphore, #tpu.memory_space<semaphore_mem>>) {add = true}
    }
    %scan3A_107 = arith.constant 250 : i32
    %rem3A = arith.constant 247 : i32
    %rem3A_108 = arith.constant 3 : i32
    %rem3A_109 = arith.remsi %rem3A, %rem3A_108 : i32
    %dma_wait3A_110 = arith.constant 247 : i32
    %dma_wait3A_111 = arith.constant 0 : i32
    %dma_wait3A_112 = arith.constant 0 : i32
    %dma_wait3A_113 = tpu.memref_slice %arg17[%rem3A_109, %dma_wait3A_111, %dma_wait3A_112] : memref<3x80x64xf32, #tpu.memory_space<vmem>> -> memref<1x80x64xf32, #tpu.memory_space<vmem>>
    %dma_wait3A_114 = tpu.memref_squeeze %dma_wait3A_113 : memref<1x80x64xf32, #tpu.memory_space<vmem>> -> memref<80x64xf32, #tpu.memory_space<vmem>>
    %dma_wait3A_115 = arith.constant 0 : i32
    %dma_wait3A_116 = tpu.memref_slice %arg12[%dma_wait3A_110, %dma_wait3A_115] : memref<250x80xi32, #tpu.memory_space<vmem>> -> memref<1x80xi32, #tpu.memory_space<vmem>>
    %dma_wait3A_117 = tpu.memref_squeeze %dma_wait3A_116 : memref<1x80xi32, #tpu.memory_space<vmem>> -> memref<80xi32, #tpu.memory_space<vmem>>
    %dma_wait3A_118 = arith.constant 0 : i32
    %dma_wait3A_119 = arith.constant 0 : i32
    %dma_wait3A_120 = tpu.memref_slice %arg18[%dma_wait3A_118, %dma_wait3A_119] : memref<10000x64xf32, #tpu.memory_space<vmem_shared>> -> memref<10000x64xf32, #tpu.memory_space<vmem_shared>>
    tpu.wait_indirect_dma semaphore(%arg21 : memref<!tpu.dma_semaphore, #tpu.memory_space<semaphore_mem>>) src(%dma_wait3A_114 : memref<80x64xf32, #tpu.memory_space<vmem>>) dst(%dma_wait3A_120 : memref<10000x64xf32, #tpu.memory_space<vmem_shared>>)
    %rem3A_121 = arith.constant 248 : i32
    %rem3A_122 = arith.constant 3 : i32
    %rem3A_123 = arith.remsi %rem3A_121, %rem3A_122 : i32
    %dma_wait3A_124 = arith.constant 248 : i32
    %dma_wait3A_125 = arith.constant 0 : i32
    %dma_wait3A_126 = arith.constant 0 : i32
    %dma_wait3A_127 = tpu.memref_slice %arg17[%rem3A_123, %dma_wait3A_125, %dma_wait3A_126] : memref<3x80x64xf32, #tpu.memory_space<vmem>> -> memref<1x80x64xf32, #tpu.memory_space<vmem>>
    %dma_wait3A_128 = tpu.memref_squeeze %dma_wait3A_127 : memref<1x80x64xf32, #tpu.memory_space<vmem>> -> memref<80x64xf32, #tpu.memory_space<vmem>>
    %dma_wait3A_129 = arith.constant 0 : i32
    %dma_wait3A_130 = tpu.memref_slice %arg12[%dma_wait3A_124, %dma_wait3A_129] : memref<250x80xi32, #tpu.memory_space<vmem>> -> memref<1x80xi32, #tpu.memory_space<vmem>>
    %dma_wait3A_131 = tpu.memref_squeeze %dma_wait3A_130 : memref<1x80xi32, #tpu.memory_space<vmem>> -> memref<80xi32, #tpu.memory_space<vmem>>
    %dma_wait3A_132 = arith.constant 0 : i32
    %dma_wait3A_133 = arith.constant 0 : i32
    %dma_wait3A_134 = tpu.memref_slice %arg18[%dma_wait3A_132, %dma_wait3A_133] : memref<10000x64xf32, #tpu.memory_space<vmem_shared>> -> memref<10000x64xf32, #tpu.memory_space<vmem_shared>>
    tpu.wait_indirect_dma semaphore(%arg21 : memref<!tpu.dma_semaphore, #tpu.memory_space<semaphore_mem>>) src(%dma_wait3A_128 : memref<80x64xf32, #tpu.memory_space<vmem>>) dst(%dma_wait3A_134 : memref<10000x64xf32, #tpu.memory_space<vmem_shared>>)
    %rem3A_135 = arith.constant 249 : i32
    %rem3A_136 = arith.constant 3 : i32
    %rem3A_137 = arith.remsi %rem3A_135, %rem3A_136 : i32
    %dma_wait3A_138 = arith.constant 249 : i32
    %dma_wait3A_139 = arith.constant 0 : i32
    %dma_wait3A_140 = arith.constant 0 : i32
    %dma_wait3A_141 = tpu.memref_slice %arg17[%rem3A_137, %dma_wait3A_139, %dma_wait3A_140] : memref<3x80x64xf32, #tpu.memory_space<vmem>> -> memref<1x80x64xf32, #tpu.memory_space<vmem>>
    %dma_wait3A_142 = tpu.memref_squeeze %dma_wait3A_141 : memref<1x80x64xf32, #tpu.memory_space<vmem>> -> memref<80x64xf32, #tpu.memory_space<vmem>>
    %dma_wait3A_143 = arith.constant 0 : i32
    %dma_wait3A_144 = tpu.memref_slice %arg12[%dma_wait3A_138, %dma_wait3A_143] : memref<250x80xi32, #tpu.memory_space<vmem>> -> memref<1x80xi32, #tpu.memory_space<vmem>>
    %dma_wait3A_145 = tpu.memref_squeeze %dma_wait3A_144 : memref<1x80xi32, #tpu.memory_space<vmem>> -> memref<80xi32, #tpu.memory_space<vmem>>
    %dma_wait3A_146 = arith.constant 0 : i32
    %dma_wait3A_147 = arith.constant 0 : i32
    %dma_wait3A_148 = tpu.memref_slice %arg18[%dma_wait3A_146, %dma_wait3A_147] : memref<10000x64xf32, #tpu.memory_space<vmem_shared>> -> memref<10000x64xf32, #tpu.memory_space<vmem_shared>>
    tpu.wait_indirect_dma semaphore(%arg21 : memref<!tpu.dma_semaphore, #tpu.memory_space<semaphore_mem>>) src(%dma_wait3A_142 : memref<80x64xf32, #tpu.memory_space<vmem>>) dst(%dma_wait3A_148 : memref<10000x64xf32, #tpu.memory_space<vmem_shared>>)
    %rem3A_149 = arith.constant 246 : i32
    %rem3A_150 = arith.constant 4 : i32
    %rem3A_151 = arith.remsi %rem3A_149, %rem3A_150 : i32
    %mul3A_152 = arith.constant 80 : i32
    %mul3A_153 = arith.muli %rem3A_151, %mul3A_152 : i32
    %dma_wait3A_154 = arith.constant 246 : i32
    %dma_wait3A_155 = arith.constant 0 : i32
    %dma_wait3A_156 = tpu.memref_slice %arg15[%mul3A_153, %dma_wait3A_155] : memref<320x8xf32, #tpu.memory_space<vmem>> -> memref<80x8xf32, #tpu.memory_space<vmem>>
    %dma_wait3A_157 = arith.constant 0 : i32
    %dma_wait3A_158 = tpu.memref_slice %arg12[%dma_wait3A_154, %dma_wait3A_157] : memref<250x80xi32, #tpu.memory_space<vmem>> -> memref<1x80xi32, #tpu.memory_space<vmem>>
    %dma_wait3A_159 = tpu.memref_squeeze %dma_wait3A_158 : memref<1x80xi32, #tpu.memory_space<vmem>> -> memref<80xi32, #tpu.memory_space<vmem>>
    %dma_wait3A_160 = arith.constant 0 : i32
    %dma_wait3A_161 = arith.constant 0 : i32
    %dma_wait3A_162 = tpu.memref_slice %arg19[%dma_wait3A_160, %dma_wait3A_161] : memref<10000x8xf32, #tpu.memory_space<vmem_shared>> -> memref<10000x8xf32, #tpu.memory_space<vmem_shared>>
    tpu.wait_indirect_dma semaphore(%arg22 : memref<!tpu.dma_semaphore, #tpu.memory_space<semaphore_mem>>) src(%dma_wait3A_156 : memref<80x8xf32, #tpu.memory_space<vmem>>) dst(%dma_wait3A_162 : memref<10000x8xf32, #tpu.memory_space<vmem_shared>>)
    %rem3A_163 = arith.constant 247 : i32
    %rem3A_164 = arith.constant 4 : i32
    %rem3A_165 = arith.remsi %rem3A_163, %rem3A_164 : i32
    %mul3A_166 = arith.constant 80 : i32
    %mul3A_167 = arith.muli %rem3A_165, %mul3A_166 : i32
    %dma_wait3A_168 = arith.constant 247 : i32
    %dma_wait3A_169 = arith.constant 0 : i32
    %dma_wait3A_170 = tpu.memref_slice %arg15[%mul3A_167, %dma_wait3A_169] : memref<320x8xf32, #tpu.memory_space<vmem>> -> memref<80x8xf32, #tpu.memory_space<vmem>>
    %dma_wait3A_171 = arith.constant 0 : i32
    %dma_wait3A_172 = tpu.memref_slice %arg12[%dma_wait3A_168, %dma_wait3A_171] : memref<250x80xi32, #tpu.memory_space<vmem>> -> memref<1x80xi32, #tpu.memory_space<vmem>>
    %dma_wait3A_173 = tpu.memref_squeeze %dma_wait3A_172 : memref<1x80xi32, #tpu.memory_space<vmem>> -> memref<80xi32, #tpu.memory_space<vmem>>
    %dma_wait3A_174 = arith.constant 0 : i32
    %dma_wait3A_175 = arith.constant 0 : i32
    %dma_wait3A_176 = tpu.memref_slice %arg19[%dma_wait3A_174, %dma_wait3A_175] : memref<10000x8xf32, #tpu.memory_space<vmem_shared>> -> memref<10000x8xf32, #tpu.memory_space<vmem_shared>>
    tpu.wait_indirect_dma semaphore(%arg22 : memref<!tpu.dma_semaphore, #tpu.memory_space<semaphore_mem>>) src(%dma_wait3A_170 : memref<80x8xf32, #tpu.memory_space<vmem>>) dst(%dma_wait3A_176 : memref<10000x8xf32, #tpu.memory_space<vmem_shared>>)
    %rem3A_177 = arith.constant 248 : i32
    %rem3A_178 = arith.constant 4 : i32
    %rem3A_179 = arith.remsi %rem3A_177, %rem3A_178 : i32
    %mul3A_180 = arith.constant 80 : i32
    %mul3A_181 = arith.muli %rem3A_179, %mul3A_180 : i32
    %dma_wait3A_182 = arith.constant 248 : i32
    %dma_wait3A_183 = arith.constant 0 : i32
    %dma_wait3A_184 = tpu.memref_slice %arg15[%mul3A_181, %dma_wait3A_183] : memref<320x8xf32, #tpu.memory_space<vmem>> -> memref<80x8xf32, #tpu.memory_space<vmem>>
    %dma_wait3A_185 = arith.constant 0 : i32
    %dma_wait3A_186 = tpu.memref_slice %arg12[%dma_wait3A_182, %dma_wait3A_185] : memref<250x80xi32, #tpu.memory_space<vmem>> -> memref<1x80xi32, #tpu.memory_space<vmem>>
    %dma_wait3A_187 = tpu.memref_squeeze %dma_wait3A_186 : memref<1x80xi32, #tpu.memory_space<vmem>> -> memref<80xi32, #tpu.memory_space<vmem>>
    %dma_wait3A_188 = arith.constant 0 : i32
    %dma_wait3A_189 = arith.constant 0 : i32
    %dma_wait3A_190 = tpu.memref_slice %arg19[%dma_wait3A_188, %dma_wait3A_189] : memref<10000x8xf32, #tpu.memory_space<vmem_shared>> -> memref<10000x8xf32, #tpu.memory_space<vmem_shared>>
    tpu.wait_indirect_dma semaphore(%arg22 : memref<!tpu.dma_semaphore, #tpu.memory_space<semaphore_mem>>) src(%dma_wait3A_184 : memref<80x8xf32, #tpu.memory_space<vmem>>) dst(%dma_wait3A_190 : memref<10000x8xf32, #tpu.memory_space<vmem_shared>>)
    %rem3A_191 = arith.constant 249 : i32
    %rem3A_192 = arith.constant 4 : i32
    %rem3A_193 = arith.remsi %rem3A_191, %rem3A_192 : i32
    %mul3A_194 = arith.constant 80 : i32
    %mul3A_195 = arith.muli %rem3A_193, %mul3A_194 : i32
    %dma_wait3A_196 = arith.constant 249 : i32
    %dma_wait3A_197 = arith.constant 0 : i32
    %dma_wait3A_198 = tpu.memref_slice %arg15[%mul3A_195, %dma_wait3A_197] : memref<320x8xf32, #tpu.memory_space<vmem>> -> memref<80x8xf32, #tpu.memory_space<vmem>>
    %dma_wait3A_199 = arith.constant 0 : i32
    %dma_wait3A_200 = tpu.memref_slice %arg12[%dma_wait3A_196, %dma_wait3A_199] : memref<250x80xi32, #tpu.memory_space<vmem>> -> memref<1x80xi32, #tpu.memory_space<vmem>>
    %dma_wait3A_201 = tpu.memref_squeeze %dma_wait3A_200 : memref<1x80xi32, #tpu.memory_space<vmem>> -> memref<80xi32, #tpu.memory_space<vmem>>
    %dma_wait3A_202 = arith.constant 0 : i32
    %dma_wait3A_203 = arith.constant 0 : i32
    %dma_wait3A_204 = tpu.memref_slice %arg19[%dma_wait3A_202, %dma_wait3A_203] : memref<10000x8xf32, #tpu.memory_space<vmem_shared>> -> memref<10000x8xf32, #tpu.memory_space<vmem_shared>>
    tpu.wait_indirect_dma semaphore(%arg22 : memref<!tpu.dma_semaphore, #tpu.memory_space<semaphore_mem>>) src(%dma_wait3A_198 : memref<80x8xf32, #tpu.memory_space<vmem>>) dst(%dma_wait3A_204 : memref<10000x8xf32, #tpu.memory_space<vmem_shared>>)
    %barrier3A_205 = arith.constant 0 : index
    tpu.barrier barrier_id(%barrier3A_205)
    %mul3A_206 = arith.constant 624 : i32
    %mul3A_207 = arith.muli %arg1, %mul3A_206 : i32
    %mul3A_208 = arith.constant 624 : i32
    %mul3A_209 = arith.muli %arg1, %mul3A_208 : i32
    %dma_start3A_210 = arith.constant 0 : i32
    %dma_start3A_211 = tpu.memref_slice %arg9[%arg0, %mul3A_209, %dma_start3A_210] : memref<2x10000x64xf32, #tpu.memory_space<hbm>> -> memref<1x624x64xf32, #tpu.memory_space<hbm>>
    %dma_start3A_212 = tpu.memref_squeeze %dma_start3A_211 : memref<1x624x64xf32, #tpu.memory_space<hbm>> -> memref<624x64xf32, #tpu.memory_space<hbm>>
    %dma_start3A_213 = arith.constant 0 : i32
    %dma_start3A_214 = tpu.memref_slice %arg18[%mul3A_207, %dma_start3A_213] : memref<10000x64xf32, #tpu.memory_space<vmem_shared>> -> memref<624x64xf32, #tpu.memory_space<vmem_shared>>
    tpu.enqueue_dma source(%dma_start3A_214 : memref<624x64xf32, #tpu.memory_space<vmem_shared>>) target(%dma_start3A_212 : memref<624x64xf32, #tpu.memory_space<hbm>>) target_semaphore(%arg23 : memref<!tpu.dma_semaphore, #tpu.memory_space<semaphore_mem>>)
    %mul3A_215 = arith.constant 624 : i32
    %mul3A_216 = arith.muli %arg1, %mul3A_215 : i32
    %mul3A_217 = arith.constant 624 : i32
    %mul3A_218 = arith.muli %arg1, %mul3A_217 : i32
    %dma_start3A_219 = arith.constant 0 : i32
    %dma_start3A_220 = tpu.memref_slice %arg10[%arg0, %mul3A_218, %dma_start3A_219] : memref<2x10000x8xf32, #tpu.memory_space<hbm>> -> memref<1x624x8xf32, #tpu.memory_space<hbm>>
    %dma_start3A_221 = tpu.memref_squeeze %dma_start3A_220 : memref<1x624x8xf32, #tpu.memory_space<hbm>> -> memref<624x8xf32, #tpu.memory_space<hbm>>
    %dma_start3A_222 = arith.constant 0 : i32
    %dma_start3A_223 = tpu.memref_slice %arg19[%mul3A_216, %dma_start3A_222] : memref<10000x8xf32, #tpu.memory_space<vmem_shared>> -> memref<624x8xf32, #tpu.memory_space<vmem_shared>>
    tpu.enqueue_dma source(%dma_start3A_223 : memref<624x8xf32, #tpu.memory_space<vmem_shared>>) target(%dma_start3A_221 : memref<624x8xf32, #tpu.memory_space<hbm>>) target_semaphore(%arg23 : memref<!tpu.dma_semaphore, #tpu.memory_space<semaphore_mem>>)
    %eq3A_224 = arith.constant 15 : i32
    %eq3A_225 = arith.cmpi eq, %arg1, %eq3A_224 : i32
    %convert_element_type3A_226 = arith.extui %eq3A_225 : i1 to i32
    %cond3A_227 = arith.constant 0 : i32
    %cond3A_228 = arith.cmpi ne, %convert_element_type3A_226, %cond3A_227 : i32
    scf.if %cond3A_228 {
      %dma_start3A_252 = arith.constant 9984 : i32
      %dma_start3A_253 = arith.constant 0 : i32
      %dma_start3A_254 = tpu.memref_slice %arg9[%arg0, %dma_start3A_252, %dma_start3A_253] : memref<2x10000x64xf32, #tpu.memory_space<hbm>> -> memref<1x16x64xf32, #tpu.memory_space<hbm>>
      %dma_start3A_255 = tpu.memref_squeeze %dma_start3A_254 : memref<1x16x64xf32, #tpu.memory_space<hbm>> -> memref<16x64xf32, #tpu.memory_space<hbm>>
      %dma_start3A_256 = arith.constant 9984 : i32
      %dma_start3A_257 = arith.constant 0 : i32
      %dma_start3A_258 = tpu.memref_slice %arg18[%dma_start3A_256, %dma_start3A_257] : memref<10000x64xf32, #tpu.memory_space<vmem_shared>> -> memref<16x64xf32, #tpu.memory_space<vmem_shared>>
      tpu.enqueue_dma source(%dma_start3A_258 : memref<16x64xf32, #tpu.memory_space<vmem_shared>>) target(%dma_start3A_255 : memref<16x64xf32, #tpu.memory_space<hbm>>) target_semaphore(%arg23 : memref<!tpu.dma_semaphore, #tpu.memory_space<semaphore_mem>>)
      %dma_start3A_259 = arith.constant 9984 : i32
      %dma_start3A_260 = arith.constant 0 : i32
      %dma_start3A_261 = tpu.memref_slice %arg10[%arg0, %dma_start3A_259, %dma_start3A_260] : memref<2x10000x8xf32, #tpu.memory_space<hbm>> -> memref<1x16x8xf32, #tpu.memory_space<hbm>>
      %dma_start3A_262 = tpu.memref_squeeze %dma_start3A_261 : memref<1x16x8xf32, #tpu.memory_space<hbm>> -> memref<16x8xf32, #tpu.memory_space<hbm>>
      %dma_start3A_263 = arith.constant 9984 : i32
      %dma_start3A_264 = arith.constant 0 : i32
      %dma_start3A_265 = tpu.memref_slice %arg19[%dma_start3A_263, %dma_start3A_264] : memref<10000x8xf32, #tpu.memory_space<vmem_shared>> -> memref<16x8xf32, #tpu.memory_space<vmem_shared>>
      tpu.enqueue_dma source(%dma_start3A_265 : memref<16x8xf32, #tpu.memory_space<vmem_shared>>) target(%dma_start3A_262 : memref<16x8xf32, #tpu.memory_space<hbm>>) target_semaphore(%arg23 : memref<!tpu.dma_semaphore, #tpu.memory_space<semaphore_mem>>)
    } else {
    }
    %mul3A_229 = arith.constant 624 : i32
    %mul3A_230 = arith.muli %arg1, %mul3A_229 : i32
    %mul3A_231 = arith.constant 624 : i32
    %mul3A_232 = arith.muli %arg1, %mul3A_231 : i32
    %dma_wait3A_233 = arith.constant 0 : i32
    %dma_wait3A_234 = tpu.memref_slice %arg9[%arg0, %mul3A_232, %dma_wait3A_233] : memref<2x10000x64xf32, #tpu.memory_space<hbm>> -> memref<1x624x64xf32, #tpu.memory_space<hbm>>
    %dma_wait3A_235 = tpu.memref_squeeze %dma_wait3A_234 : memref<1x624x64xf32, #tpu.memory_space<hbm>> -> memref<624x64xf32, #tpu.memory_space<hbm>>
    %dma_wait3A_236 = arith.constant 0 : i32
    %dma_wait3A_237 = tpu.memref_slice %arg18[%mul3A_230, %dma_wait3A_236] : memref<10000x64xf32, #tpu.memory_space<vmem_shared>> -> memref<624x64xf32, #tpu.memory_space<vmem_shared>>
    tpu.wait_dma2 semaphore(%arg23 : memref<!tpu.dma_semaphore, #tpu.memory_space<semaphore_mem>>) src(%dma_wait3A_237 : memref<624x64xf32, #tpu.memory_space<vmem_shared>>) dst(%dma_wait3A_235 : memref<624x64xf32, #tpu.memory_space<hbm>>)
    %mul3A_238 = arith.constant 624 : i32
    %mul3A_239 = arith.muli %arg1, %mul3A_238 : i32
    %mul3A_240 = arith.constant 624 : i32
    %mul3A_241 = arith.muli %arg1, %mul3A_240 : i32
    %dma_wait3A_242 = arith.constant 0 : i32
    %dma_wait3A_243 = tpu.memref_slice %arg10[%arg0, %mul3A_241, %dma_wait3A_242] : memref<2x10000x8xf32, #tpu.memory_space<hbm>> -> memref<1x624x8xf32, #tpu.memory_space<hbm>>
    %dma_wait3A_244 = tpu.memref_squeeze %dma_wait3A_243 : memref<1x624x8xf32, #tpu.memory_space<hbm>> -> memref<624x8xf32, #tpu.memory_space<hbm>>
    %dma_wait3A_245 = arith.constant 0 : i32
    %dma_wait3A_246 = tpu.memref_slice %arg19[%mul3A_239, %dma_wait3A_245] : memref<10000x8xf32, #tpu.memory_space<vmem_shared>> -> memref<624x8xf32, #tpu.memory_space<vmem_shared>>
    tpu.wait_dma2 semaphore(%arg23 : memref<!tpu.dma_semaphore, #tpu.memory_space<semaphore_mem>>) src(%dma_wait3A_246 : memref<624x8xf32, #tpu.memory_space<vmem_shared>>) dst(%dma_wait3A_244 : memref<624x8xf32, #tpu.memory_space<hbm>>)
    %eq3A_247 = arith.constant 15 : i32
    %eq3A_248 = arith.cmpi eq, %arg1, %eq3A_247 : i32
    %convert_element_type3A_249 = arith.extui %eq3A_248 : i1 to i32
    %cond3A_250 = arith.constant 0 : i32
    %cond3A_251 = arith.cmpi ne, %convert_element_type3A_249, %cond3A_250 : i32
    scf.if %cond3A_251 {
      %dma_wait3A_252 = arith.constant 9984 : i32
      %dma_wait3A_253 = arith.constant 0 : i32
      %dma_wait3A_254 = tpu.memref_slice %arg9[%arg0, %dma_wait3A_252, %dma_wait3A_253] : memref<2x10000x64xf32, #tpu.memory_space<hbm>> -> memref<1x16x64xf32, #tpu.memory_space<hbm>>
      %dma_wait3A_255 = tpu.memref_squeeze %dma_wait3A_254 : memref<1x16x64xf32, #tpu.memory_space<hbm>> -> memref<16x64xf32, #tpu.memory_space<hbm>>
      %dma_wait3A_256 = arith.constant 9984 : i32
      %dma_wait3A_257 = arith.constant 0 : i32
      %dma_wait3A_258 = tpu.memref_slice %arg18[%dma_wait3A_256, %dma_wait3A_257] : memref<10000x64xf32, #tpu.memory_space<vmem_shared>> -> memref<16x64xf32, #tpu.memory_space<vmem_shared>>
      tpu.wait_dma2 semaphore(%arg23 : memref<!tpu.dma_semaphore, #tpu.memory_space<semaphore_mem>>) src(%dma_wait3A_258 : memref<16x64xf32, #tpu.memory_space<vmem_shared>>) dst(%dma_wait3A_255 : memref<16x64xf32, #tpu.memory_space<hbm>>)
      %dma_wait3A_259 = arith.constant 9984 : i32
      %dma_wait3A_260 = arith.constant 0 : i32
      %dma_wait3A_261 = tpu.memref_slice %arg10[%arg0, %dma_wait3A_259, %dma_wait3A_260] : memref<2x10000x8xf32, #tpu.memory_space<hbm>> -> memref<1x16x8xf32, #tpu.memory_space<hbm>>
      %dma_wait3A_262 = tpu.memref_squeeze %dma_wait3A_261 : memref<1x16x8xf32, #tpu.memory_space<hbm>> -> memref<16x8xf32, #tpu.memory_space<hbm>>
      %dma_wait3A_263 = arith.constant 9984 : i32
      %dma_wait3A_264 = arith.constant 0 : i32
      %dma_wait3A_265 = tpu.memref_slice %arg19[%dma_wait3A_263, %dma_wait3A_264] : memref<10000x8xf32, #tpu.memory_space<vmem_shared>> -> memref<16x8xf32, #tpu.memory_space<vmem_shared>>
      tpu.wait_dma2 semaphore(%arg23 : memref<!tpu.dma_semaphore, #tpu.memory_space<semaphore_mem>>) src(%dma_wait3A_265 : memref<16x8xf32, #tpu.memory_space<vmem_shared>>) dst(%dma_wait3A_262 : memref<16x8xf32, #tpu.memory_space<hbm>>)
    } else {
    }
    return
  }
}

module attributes {stable_mosaic.version = 14 : i64} {
  func.func @_prep_body(%arg0: i32, %arg1: memref<1000x128xf32, #tpu.memory_space<vmem>>, %arg2: memref<128x128xf32, #tpu.memory_space<vmem>>, %arg3: memref<128x1xf32, #tpu.memory_space<vmem>>, %arg4: memref<128x1xf32, #tpu.memory_space<vmem>>, %arg5: memref<2x1000x64xbf16, #tpu.memory_space<vmem>>, %arg6: memref<1000x1xf32, #tpu.memory_space<vmem>>, %arg7: memref<1000x1xf32, #tpu.memory_space<vmem>>, %arg8: memref<1000x1xf32, #tpu.memory_space<vmem>>) attributes {dimension_semantics = [#tpu.dimension_semantics<arbitrary>], iteration_bounds = array<i64: 10>, scalar_prefetch = 0 : i64, scratch_operands = 0 : i64, tpu.core_type = #tpu.core_type<tc>, window_params = [{transform_indices = @transform_0, window_bounds = array<i64: 1000, 128>}, {pipeline_mode = #tpu.pipeline_mode<synchronous>, transform_indices = @transform_1, window_bounds = array<i64: 128, 128>}, {pipeline_mode = #tpu.pipeline_mode<synchronous>, transform_indices = @transform_2, window_bounds = array<i64: 128, 1>}, {pipeline_mode = #tpu.pipeline_mode<synchronous>, transform_indices = @transform_3, window_bounds = array<i64: 128, 1>}, {transform_indices = @transform_4, window_bounds = array<i64: 2, 1000, 64>}, {transform_indices = @transform_5, window_bounds = array<i64: 1000, 1>}, {transform_indices = @transform_6, window_bounds = array<i64: 1000, 1>}, {transform_indices = @transform_7, window_bounds = array<i64: 1000, 1>}]} {
    %get3A = arith.constant 0 : index
    %get3A_0 = arith.constant 0 : index
    %get3A_1 = vector.load %arg1[%get3A, %get3A_0] : memref<1000x128xf32, #tpu.memory_space<vmem>>, vector<1000x128xf32>
    %get3A_2 = arith.constant 0 : index
    %get3A_3 = arith.constant 0 : index
    %get3A_4 = vector.load %arg2[%get3A_2, %get3A_3] : memref<128x128xf32, #tpu.memory_space<vmem>>, vector<128x128xf32>
    %dot_general3A = arith.constant dense<0.000000e+00> : vector<1000x128xf32>
    %dot_general3A_5 = tpu.matmul %get3A_1, %get3A_4, %dot_general3A {dimension_numbers = #tpu.dot_dimension_numbers<[1], [0], [0], [1], [0, 0, 1, 1], [], []>, transpose_lhs_hint = false} : vector<1000x128xf32>, vector<128x128xf32>, vector<1000x128xf32> -> vector<1000x128xf32>
    %get3A_6 = arith.constant 0 : index
    %get3A_7 = arith.constant 0 : index
    %get3A_8 = vector.load %arg3[%get3A_6, %get3A_7] : memref<128x1xf32, #tpu.memory_space<vmem>>, vector<128x1xf32>
    %dot_general3A_9 = arith.constant dense<0.000000e+00> : vector<1000x1xf32>
    %dot_general3A_10 = tpu.matmul %dot_general3A_5, %get3A_8, %dot_general3A_9 {dimension_numbers = #tpu.dot_dimension_numbers<[1], [0], [0], [1], [0, 0, 1, 1], [], []>, transpose_lhs_hint = false} : vector<1000x128xf32>, vector<128x1xf32>, vector<1000x1xf32> -> vector<1000x1xf32>
    %get3A_11 = arith.constant 0 : index
    %get3A_12 = arith.constant 0 : index
    %get3A_13 = vector.load %arg4[%get3A_11, %get3A_12] : memref<128x1xf32, #tpu.memory_space<vmem>>, vector<128x1xf32>
    %dot_general3A_14 = arith.constant dense<0.000000e+00> : vector<1000x1xf32>
    %dot_general3A_15 = tpu.matmul %dot_general3A_5, %get3A_13, %dot_general3A_14 {dimension_numbers = #tpu.dot_dimension_numbers<[1], [0], [0], [1], [0, 0, 1, 1], [], []>, transpose_lhs_hint = false} : vector<1000x128xf32>, vector<128x1xf32>, vector<1000x1xf32> -> vector<1000x1xf32>
    %slice3A = vector.extract_strided_slice %dot_general3A_5 {offsets = [0, 0], sizes = [1000, 64], strides = [1, 1]} : vector<1000x128xf32> to vector<1000x64xf32>
    %convert_element_type3A = arith.truncf %slice3A : vector<1000x64xf32> to vector<1000x64xbf16>
    %swap3A = arith.constant 0 : index
    %swap3A_16 = arith.constant 0 : index
    %swap3A_17 = arith.constant 0 : index
    %swap3A_18 = vector.load %arg5[%swap3A, %swap3A_16, %swap3A_17] : memref<2x1000x64xbf16, #tpu.memory_space<vmem>>, vector<1x1000x64xbf16>
    %swap3A_19 = vector.shape_cast %swap3A_18 : vector<1x1000x64xbf16> to vector<1000x64xbf16>
    %swap3A_20 = vector.shape_cast %convert_element_type3A : vector<1000x64xbf16> to vector<1x1000x64xbf16>
    tpu.vector_store %arg5[%swap3A, %swap3A_16, %swap3A_17], %swap3A_20 {strides = array<i32>} : memref<2x1000x64xbf16, #tpu.memory_space<vmem>>, vector<1x1000x64xbf16>,
    %slice3A_21 = vector.extract_strided_slice %dot_general3A_5 {offsets = [0, 64], sizes = [1000, 64], strides = [1, 1]} : vector<1000x128xf32> to vector<1000x64xf32>
    %convert_element_type3A_22 = arith.truncf %slice3A_21 : vector<1000x64xf32> to vector<1000x64xbf16>
    %swap3A_23 = arith.constant 1 : index
    %swap3A_24 = arith.constant 0 : index
    %swap3A_25 = arith.constant 0 : index
    %swap3A_26 = vector.load %arg5[%swap3A_23, %swap3A_24, %swap3A_25] : memref<2x1000x64xbf16, #tpu.memory_space<vmem>>, vector<1x1000x64xbf16>
    %swap3A_27 = vector.shape_cast %swap3A_26 : vector<1x1000x64xbf16> to vector<1000x64xbf16>
    %swap3A_28 = vector.shape_cast %convert_element_type3A_22 : vector<1000x64xbf16> to vector<1x1000x64xbf16>
    tpu.vector_store %arg5[%swap3A_23, %swap3A_24, %swap3A_25], %swap3A_28 {strides = array<i32>} : memref<2x1000x64xbf16, #tpu.memory_space<vmem>>, vector<1x1000x64xbf16>,
    %swap3A_29 = arith.constant 0 : index
    %swap3A_30 = arith.constant 0 : index
    %swap3A_31 = vector.load %arg6[%swap3A_29, %swap3A_30] : memref<1000x1xf32, #tpu.memory_space<vmem>>, vector<1000x1xf32>
    tpu.vector_store %arg6[%swap3A_29, %swap3A_30], %dot_general3A_10 {strides = array<i32>} : memref<1000x1xf32, #tpu.memory_space<vmem>>, vector<1000x1xf32>,
    %swap3A_32 = arith.constant 0 : index
    %swap3A_33 = arith.constant 0 : index
    %swap3A_34 = vector.load %arg7[%swap3A_32, %swap3A_33] : memref<1000x1xf32, #tpu.memory_space<vmem>>, vector<1000x1xf32>
    tpu.vector_store %arg7[%swap3A_32, %swap3A_33], %dot_general3A_15 {strides = array<i32>} : memref<1000x1xf32, #tpu.memory_space<vmem>>, vector<1000x1xf32>,
    %add3A = arith.addf %dot_general3A_10, %dot_general3A_15 : vector<1000x1xf32>
    %mul3A = arith.constant 2.000000e-01 : f32
    %mul3A_35 = vector.broadcast %mul3A : f32 to vector<1000x1xf32>
    %mul3A_36 = arith.mulf %mul3A_35, %add3A : vector<1000x1xf32>
    %max3A = arith.maximumf %add3A, %mul3A_36 : vector<1000x1xf32>
    %exp3A = math.exp %max3A : vector<1000x1xf32>
    %swap3A_37 = arith.constant 0 : index
    %swap3A_38 = arith.constant 0 : index
    %swap3A_39 = vector.load %arg8[%swap3A_37, %swap3A_38] : memref<1000x1xf32, #tpu.memory_space<vmem>>, vector<1000x1xf32>
    tpu.vector_store %arg8[%swap3A_37, %swap3A_38], %exp3A {strides = array<i32>} : memref<1000x1xf32, #tpu.memory_space<vmem>>, vector<1000x1xf32>,
    return
  }
  func.func @transform_0(%arg0: i32) -> (i32, i32) {
    %c0_i32 = arith.constant 0 : i32
    %c0_i32_0 = arith.constant 0 : i32
    return %arg0, %c0_i32 : i32, i32
  }
  func.func @transform_1(%arg0: i32) -> (i32, i32) {
    %c0_i32 = arith.constant 0 : i32
    %c0_i32_0 = arith.constant 0 : i32
    %c0_i32_1 = arith.constant 0 : i32
    return %c0_i32, %c0_i32_0 : i32, i32
  }
  func.func @transform_2(%arg0: i32) -> (i32, i32) {
    %c0_i32 = arith.constant 0 : i32
    %c0_i32_0 = arith.constant 0 : i32
    %c0_i32_1 = arith.constant 0 : i32
    return %c0_i32, %c0_i32_0 : i32, i32
  }
  func.func @transform_3(%arg0: i32) -> (i32, i32) {
    %c0_i32 = arith.constant 0 : i32
    %c0_i32_0 = arith.constant 0 : i32
    %c0_i32_1 = arith.constant 0 : i32
    return %c0_i32, %c0_i32_0 : i32, i32
  }
  func.func @transform_4(%arg0: i32) -> (i32, i32, i32) {
    %c0_i32 = arith.constant 0 : i32
    %c0_i32_0 = arith.constant 0 : i32
    %c0_i32_1 = arith.constant 0 : i32
    return %c0_i32, %arg0, %c0_i32_0 : i32, i32, i32
  }
  func.func @transform_5(%arg0: i32) -> (i32, i32) {
    %c0_i32 = arith.constant 0 : i32
    %c0_i32_0 = arith.constant 0 : i32
    return %arg0, %c0_i32 : i32, i32
  }
  func.func @transform_6(%arg0: i32) -> (i32, i32) {
    %c0_i32 = arith.constant 0 : i32
    %c0_i32_0 = arith.constant 0 : i32
    return %arg0, %c0_i32 : i32, i32
  }
  func.func @transform_7(%arg0: i32) -> (i32, i32) {
    %c0_i32 = arith.constant 0 : i32
    %c0_i32_0 = arith.constant 0 : i32
    return %arg0, %c0_i32 : i32, i32
  }
}

module attributes {stable_mosaic.version = 14 : i64} {
  func.func @_mid_body(%arg0: i32, %arg1: memref<2x1000x64xf32, #tpu.memory_space<vmem>>, %arg2: memref<2x1000x8xf32, #tpu.memory_space<vmem>>, %arg3: memref<1000x1xf32, #tpu.memory_space<vmem>>, %arg4: memref<2x1000x64xbf16, #tpu.memory_space<vmem>>, %arg5: memref<128x128xf32, #tpu.memory_space<vmem>>, %arg6: memref<1x128xf32, #tpu.memory_space<vmem>>, %arg7: memref<128x128xf32, #tpu.memory_space<vmem>>, %arg8: memref<128x1xf32, #tpu.memory_space<vmem>>, %arg9: memref<128x1xf32, #tpu.memory_space<vmem>>, %arg10: memref<2x1000x64xbf16, #tpu.memory_space<vmem>>, %arg11: memref<1000x1xf32, #tpu.memory_space<vmem>>, %arg12: memref<1000x1xf32, #tpu.memory_space<vmem>>, %arg13: memref<1000x1xf32, #tpu.memory_space<vmem>>) attributes {dimension_semantics = [#tpu.dimension_semantics<arbitrary>], iteration_bounds = array<i64: 10>, scalar_prefetch = 0 : i64, scratch_operands = 0 : i64, tpu.core_type = #tpu.core_type<tc>, window_params = [{transform_indices = @transform_0, window_bounds = array<i64: 2, 1000, 64>}, {transform_indices = @transform_1, window_bounds = array<i64: 2, 1000, 8>}, {transform_indices = @transform_2, window_bounds = array<i64: 1000, 1>}, {transform_indices = @transform_3, window_bounds = array<i64: 2, 1000, 64>}, {pipeline_mode = #tpu.pipeline_mode<synchronous>, transform_indices = @transform_4, window_bounds = array<i64: 128, 128>}, {pipeline_mode = #tpu.pipeline_mode<synchronous>, transform_indices = @transform_5, window_bounds = array<i64: 1, 128>}, {pipeline_mode = #tpu.pipeline_mode<synchronous>, transform_indices = @transform_6, window_bounds = array<i64: 128, 128>}, {pipeline_mode = #tpu.pipeline_mode<synchronous>, transform_indices = @transform_7, window_bounds = array<i64: 128, 1>}, {pipeline_mode = #tpu.pipeline_mode<synchronous>, transform_indices = @transform_8, window_bounds = array<i64: 128, 1>}, {transform_indices = @transform_9, window_bounds = array<i64: 2, 1000, 64>}, {transform_indices = @transform_10, window_bounds = array<i64: 1000, 1>}, {transform_indices = @transform_11, window_bounds = array<i64: 1000, 1>}, {transform_indices = @transform_12, window_bounds = array<i64: 1000, 1>}]} {
    %get3A = arith.constant 0 : index
    %get3A_0 = arith.constant 0 : index
    %get3A_1 = arith.constant 0 : index
    %get3A_2 = vector.load %arg4[%get3A, %get3A_0, %get3A_1] : memref<2x1000x64xbf16, #tpu.memory_space<vmem>>, vector<1x1000x64xbf16>
    %get3A_3 = vector.shape_cast %get3A_2 : vector<1x1000x64xbf16> to vector<1000x64xbf16>
    %get3A_4 = arith.constant 1 : index
    %get3A_5 = arith.constant 0 : index
    %get3A_6 = arith.constant 0 : index
    %get3A_7 = vector.load %arg4[%get3A_4, %get3A_5, %get3A_6] : memref<2x1000x64xbf16, #tpu.memory_space<vmem>>, vector<1x1000x64xbf16>
    %get3A_8 = vector.shape_cast %get3A_7 : vector<1x1000x64xbf16> to vector<1000x64xbf16>
    %concatenate3A = tpu.concatenate %get3A_3, %get3A_8 in 1 : vector<1000x64xbf16>, vector<1000x64xbf16> -> vector<1000x128xbf16>
    %convert_element_type3A = arith.extf %concatenate3A : vector<1000x128xbf16> to vector<1000x128xf32>
    %get3A_9 = arith.constant 0 : index
    %get3A_10 = arith.constant 0 : index
    %get3A_11 = vector.load %arg5[%get3A_9, %get3A_10] : memref<128x128xf32, #tpu.memory_space<vmem>>, vector<128x128xf32>
    %dot_general3A = arith.constant dense<0.000000e+00> : vector<1000x128xf32>
    %dot_general3A_12 = tpu.matmul %convert_element_type3A, %get3A_11, %dot_general3A {dimension_numbers = #tpu.dot_dimension_numbers<[1], [0], [0], [1], [0, 0, 1, 1], [], []>, transpose_lhs_hint = false} : vector<1000x128xf32>, vector<128x128xf32>, vector<1000x128xf32> -> vector<1000x128xf32>
    %get3A_13 = arith.constant 0 : index
    %get3A_14 = arith.constant 0 : index
    %get3A_15 = vector.load %arg3[%get3A_13, %get3A_14] : memref<1000x1xf32, #tpu.memory_space<vmem>>, vector<1000x1xf32>
    %get3A_16 = arith.constant 0 : index
    %get3A_17 = arith.constant 0 : index
    %get3A_18 = arith.constant 0 : index
    %get3A_19 = vector.load %arg1[%get3A_16, %get3A_17, %get3A_18] : memref<2x1000x64xf32, #tpu.memory_space<vmem>>, vector<1x1000x64xf32>
    %get3A_20 = vector.shape_cast %get3A_19 : vector<1x1000x64xf32> to vector<1000x64xf32>
    %get3A_21 = arith.constant 1 : index
    %get3A_22 = arith.constant 0 : index
    %get3A_23 = arith.constant 0 : index
    %get3A_24 = vector.load %arg1[%get3A_21, %get3A_22, %get3A_23] : memref<2x1000x64xf32, #tpu.memory_space<vmem>>, vector<1x1000x64xf32>
    %get3A_25 = vector.shape_cast %get3A_24 : vector<1x1000x64xf32> to vector<1000x64xf32>
    %concatenate3A_26 = tpu.concatenate %get3A_20, %get3A_25 in 1 : vector<1000x64xf32>, vector<1000x64xf32> -> vector<1000x128xf32>
    %mul3A = vector.broadcast %get3A_15 : vector<1000x1xf32> to vector<1000x128xf32>
    %mul3A_27 = arith.mulf %mul3A, %dot_general3A_12 : vector<1000x128xf32>
    %add3A = arith.addf %concatenate3A_26, %mul3A_27 : vector<1000x128xf32>
    %get3A_28 = arith.constant 0 : index
    %get3A_29 = arith.constant 0 : index
    %get3A_30 = arith.constant 0 : index
    %get3A_31 = vector.load %arg2[%get3A_28, %get3A_29, %get3A_30] : memref<2x1000x8xf32, #tpu.memory_space<vmem>>, vector<1x1000x1xf32>
    %get3A_32 = vector.shape_cast %get3A_31 : vector<1x1000x1xf32> to vector<1000x1xf32>
    %add3A_33 = arith.addf %get3A_32, %get3A_15 : vector<1000x1xf32>
    %div3A = vector.broadcast %add3A_33 : vector<1000x1xf32> to vector<1000x128xf32>
    %div3A_34 = arith.divf %add3A, %div3A : vector<1000x128xf32>
    %get3A_35 = arith.constant 0 : index
    %get3A_36 = arith.constant 0 : index
    %get3A_37 = vector.load %arg6[%get3A_35, %get3A_36] : memref<1x128xf32, #tpu.memory_space<vmem>>, vector<1x128xf32>
    %add3A_38 = vector.broadcast %get3A_37 : vector<1x128xf32> to vector<1000x128xf32>
    %add3A_39 = arith.addf %div3A_34, %add3A_38 : vector<1000x128xf32>
    %max3A = arith.constant 0.000000e+00 : f32
    %max3A_40 = vector.broadcast %max3A : f32 to vector<1000x128xf32>
    %max3A_41 = arith.maximumf %add3A_39, %max3A_40 : vector<1000x128xf32>
    %get3A_42 = arith.constant 0 : index
    %get3A_43 = arith.constant 0 : index
    %get3A_44 = vector.load %arg7[%get3A_42, %get3A_43] : memref<128x128xf32, #tpu.memory_space<vmem>>, vector<128x128xf32>
    %dot_general3A_45 = arith.constant dense<0.000000e+00> : vector<1000x128xf32>
    %dot_general3A_46 = tpu.matmul %max3A_41, %get3A_44, %dot_general3A_45 {dimension_numbers = #tpu.dot_dimension_numbers<[1], [0], [0], [1], [0, 0, 1, 1], [], []>, transpose_lhs_hint = false} : vector<1000x128xf32>, vector<128x128xf32>, vector<1000x128xf32> -> vector<1000x128xf32>
    %get3A_47 = arith.constant 0 : index
    %get3A_48 = arith.constant 0 : index
    %get3A_49 = vector.load %arg8[%get3A_47, %get3A_48] : memref<128x1xf32, #tpu.memory_space<vmem>>, vector<128x1xf32>
    %dot_general3A_50 = arith.constant dense<0.000000e+00> : vector<1000x1xf32>
    %dot_general3A_51 = tpu.matmul %dot_general3A_46, %get3A_49, %dot_general3A_50 {dimension_numbers = #tpu.dot_dimension_numbers<[1], [0], [0], [1], [0, 0, 1, 1], [], []>, transpose_lhs_hint = false} : vector<1000x128xf32>, vector<128x1xf32>, vector<1000x1xf32> -> vector<1000x1xf32>
    %get3A_52 = arith.constant 0 : index
    %get3A_53 = arith.constant 0 : index
    %get3A_54 = vector.load %arg9[%get3A_52, %get3A_53] : memref<128x1xf32, #tpu.memory_space<vmem>>, vector<128x1xf32>
    %dot_general3A_55 = arith.constant dense<0.000000e+00> : vector<1000x1xf32>
    %dot_general3A_56 = tpu.matmul %dot_general3A_46, %get3A_54, %dot_general3A_55 {dimension_numbers = #tpu.dot_dimension_numbers<[1], [0], [0], [1], [0, 0, 1, 1], [], []>, transpose_lhs_hint = false} : vector<1000x128xf32>, vector<128x1xf32>, vector<1000x1xf32> -> vector<1000x1xf32>
    %slice3A = vector.extract_strided_slice %dot_general3A_46 {offsets = [0, 0], sizes = [1000, 64], strides = [1, 1]} : vector<1000x128xf32> to vector<1000x64xf32>
    %convert_element_type3A_57 = arith.truncf %slice3A : vector<1000x64xf32> to vector<1000x64xbf16>
    %swap3A = arith.constant 0 : index
    %swap3A_58 = arith.constant 0 : index
    %swap3A_59 = arith.constant 0 : index
    %swap3A_60 = vector.load %arg10[%swap3A, %swap3A_58, %swap3A_59] : memref<2x1000x64xbf16, #tpu.memory_space<vmem>>, vector<1x1000x64xbf16>
    %swap3A_61 = vector.shape_cast %swap3A_60 : vector<1x1000x64xbf16> to vector<1000x64xbf16>
    %swap3A_62 = vector.shape_cast %convert_element_type3A_57 : vector<1000x64xbf16> to vector<1x1000x64xbf16>
    tpu.vector_store %arg10[%swap3A, %swap3A_58, %swap3A_59], %swap3A_62 {strides = array<i32>} : memref<2x1000x64xbf16, #tpu.memory_space<vmem>>, vector<1x1000x64xbf16>,
    %slice3A_63 = vector.extract_strided_slice %dot_general3A_46 {offsets = [0, 64], sizes = [1000, 64], strides = [1, 1]} : vector<1000x128xf32> to vector<1000x64xf32>
    %convert_element_type3A_64 = arith.truncf %slice3A_63 : vector<1000x64xf32> to vector<1000x64xbf16>
    %swap3A_65 = arith.constant 1 : index
    %swap3A_66 = arith.constant 0 : index
    %swap3A_67 = arith.constant 0 : index
    %swap3A_68 = vector.load %arg10[%swap3A_65, %swap3A_66, %swap3A_67] : memref<2x1000x64xbf16, #tpu.memory_space<vmem>>, vector<1x1000x64xbf16>
    %swap3A_69 = vector.shape_cast %swap3A_68 : vector<1x1000x64xbf16> to vector<1000x64xbf16>
    %swap3A_70 = vector.shape_cast %convert_element_type3A_64 : vector<1000x64xbf16> to vector<1x1000x64xbf16>
    tpu.vector_store %arg10[%swap3A_65, %swap3A_66, %swap3A_67], %swap3A_70 {strides = array<i32>} : memref<2x1000x64xbf16, #tpu.memory_space<vmem>>, vector<1x1000x64xbf16>,
    %swap3A_71 = arith.constant 0 : index
    %swap3A_72 = arith.constant 0 : index
    %swap3A_73 = vector.load %arg11[%swap3A_71, %swap3A_72] : memref<1000x1xf32, #tpu.memory_space<vmem>>, vector<1000x1xf32>
    tpu.vector_store %arg11[%swap3A_71, %swap3A_72], %dot_general3A_51 {strides = array<i32>} : memref<1000x1xf32, #tpu.memory_space<vmem>>, vector<1000x1xf32>,
    %swap3A_74 = arith.constant 0 : index
    %swap3A_75 = arith.constant 0 : index
    %swap3A_76 = vector.load %arg12[%swap3A_74, %swap3A_75] : memref<1000x1xf32, #tpu.memory_space<vmem>>, vector<1000x1xf32>
    tpu.vector_store %arg12[%swap3A_74, %swap3A_75], %dot_general3A_56 {strides = array<i32>} : memref<1000x1xf32, #tpu.memory_space<vmem>>, vector<1000x1xf32>,
    %add3A_77 = arith.addf %dot_general3A_51, %dot_general3A_56 : vector<1000x1xf32>
    %mul3A_78 = arith.constant 2.000000e-01 : f32
    %mul3A_79 = vector.broadcast %mul3A_78 : f32 to vector<1000x1xf32>
    %mul3A_80 = arith.mulf %mul3A_79, %add3A_77 : vector<1000x1xf32>
    %max3A_81 = arith.maximumf %add3A_77, %mul3A_80 : vector<1000x1xf32>
    %exp3A = math.exp %max3A_81 : vector<1000x1xf32>
    %swap3A_82 = arith.constant 0 : index
    %swap3A_83 = arith.constant 0 : index
    %swap3A_84 = vector.load %arg13[%swap3A_82, %swap3A_83] : memref<1000x1xf32, #tpu.memory_space<vmem>>, vector<1000x1xf32>
    tpu.vector_store %arg13[%swap3A_82, %swap3A_83], %exp3A {strides = array<i32>} : memref<1000x1xf32, #tpu.memory_space<vmem>>, vector<1000x1xf32>,
    return
  }
  func.func @transform_0(%arg0: i32) -> (i32, i32, i32) {
    %c0_i32 = arith.constant 0 : i32
    %c0_i32_0 = arith.constant 0 : i32
    %c0_i32_1 = arith.constant 0 : i32
    return %c0_i32, %arg0, %c0_i32_0 : i32, i32, i32
  }
  func.func @transform_1(%arg0: i32) -> (i32, i32, i32) {
    %c0_i32 = arith.constant 0 : i32
    %c0_i32_0 = arith.constant 0 : i32
    %c0_i32_1 = arith.constant 0 : i32
    return %c0_i32, %arg0, %c0_i32_0 : i32, i32, i32
  }
  func.func @transform_2(%arg0: i32) -> (i32, i32) {
    %c0_i32 = arith.constant 0 : i32
    %c0_i32_0 = arith.constant 0 : i32
    return %arg0, %c0_i32 : i32, i32
  }
  func.func @transform_3(%arg0: i32) -> (i32, i32, i32) {
    %c0_i32 = arith.constant 0 : i32
    %c0_i32_0 = arith.constant 0 : i32
    %c0_i32_1 = arith.constant 0 : i32
    return %c0_i32, %arg0, %c0_i32_0 : i32, i32, i32
  }
  func.func @transform_4(%arg0: i32) -> (i32, i32) {
    %c0_i32 = arith.constant 0 : i32
    %c0_i32_0 = arith.constant 0 : i32
    %c0_i32_1 = arith.constant 0 : i32
    return %c0_i32, %c0_i32_0 : i32, i32
  }
  func.func @transform_5(%arg0: i32) -> (i32, i32) {
    %c0_i32 = arith.constant 0 : i32
    %c0_i32_0 = arith.constant 0 : i32
    %c0_i32_1 = arith.constant 0 : i32
    return %c0_i32, %c0_i32_0 : i32, i32
  }
  func.func @transform_6(%arg0: i32) -> (i32, i32) {
    %c0_i32 = arith.constant 0 : i32
    %c0_i32_0 = arith.constant 0 : i32
    %c0_i32_1 = arith.constant 0 : i32
    return %c0_i32, %c0_i32_0 : i32, i32
  }
  func.func @transform_7(%arg0: i32) -> (i32, i32) {
    %c0_i32 = arith.constant 0 : i32
    %c0_i32_0 = arith.constant 0 : i32
    %c0_i32_1 = arith.constant 0 : i32
    return %c0_i32, %c0_i32_0 : i32, i32
  }
  func.func @transform_8(%arg0: i32) -> (i32, i32) {
    %c0_i32 = arith.constant 0 : i32
    %c0_i32_0 = arith.constant 0 : i32
    %c0_i32_1 = arith.constant 0 : i32
    return %c0_i32, %c0_i32_0 : i32, i32
  }
  func.func @transform_9(%arg0: i32) -> (i32, i32, i32) {
    %c0_i32 = arith.constant 0 : i32
    %c0_i32_0 = arith.constant 0 : i32
    %c0_i32_1 = arith.constant 0 : i32
    return %c0_i32, %arg0, %c0_i32_0 : i32, i32, i32
  }
  func.func @transform_10(%arg0: i32) -> (i32, i32) {
    %c0_i32 = arith.constant 0 : i32
    %c0_i32_0 = arith.constant 0 : i32
    return %arg0, %c0_i32 : i32, i32
  }
  func.func @transform_11(%arg0: i32) -> (i32, i32) {
    %c0_i32 = arith.constant 0 : i32
    %c0_i32_0 = arith.constant 0 : i32
    return %arg0, %c0_i32 : i32, i32
  }
  func.func @transform_12(%arg0: i32) -> (i32, i32) {
    %c0_i32 = arith.constant 0 : i32
    %c0_i32_0 = arith.constant 0 : i32
    return %arg0, %c0_i32 : i32, i32
  }
}

module attributes {stable_mosaic.version = 14 : i64} {
  func.func @_fin_body(%arg0: i32, %arg1: memref<2x1000x64xf32, #tpu.memory_space<vmem>>, %arg2: memref<2x1000x8xf32, #tpu.memory_space<vmem>>, %arg3: memref<1000x1xf32, #tpu.memory_space<vmem>>, %arg4: memref<2x1000x64xbf16, #tpu.memory_space<vmem>>, %arg5: memref<128x128xf32, #tpu.memory_space<vmem>>, %arg6: memref<1x128xf32, #tpu.memory_space<vmem>>, %arg7: memref<1000x128xf32, #tpu.memory_space<vmem>>) attributes {dimension_semantics = [#tpu.dimension_semantics<arbitrary>], iteration_bounds = array<i64: 10>, scalar_prefetch = 0 : i64, scratch_operands = 0 : i64, tpu.core_type = #tpu.core_type<tc>, window_params = [{transform_indices = @transform_0, window_bounds = array<i64: 2, 1000, 64>}, {transform_indices = @transform_1, window_bounds = array<i64: 2, 1000, 8>}, {transform_indices = @transform_2, window_bounds = array<i64: 1000, 1>}, {transform_indices = @transform_3, window_bounds = array<i64: 2, 1000, 64>}, {pipeline_mode = #tpu.pipeline_mode<synchronous>, transform_indices = @transform_4, window_bounds = array<i64: 128, 128>}, {pipeline_mode = #tpu.pipeline_mode<synchronous>, transform_indices = @transform_5, window_bounds = array<i64: 1, 128>}, {transform_indices = @transform_6, window_bounds = array<i64: 1000, 128>}]} {
    %get3A = arith.constant 0 : index
    %get3A_0 = arith.constant 0 : index
    %get3A_1 = arith.constant 0 : index
    %get3A_2 = vector.load %arg4[%get3A, %get3A_0, %get3A_1] : memref<2x1000x64xbf16, #tpu.memory_space<vmem>>, vector<1x1000x64xbf16>
    %get3A_3 = vector.shape_cast %get3A_2 : vector<1x1000x64xbf16> to vector<1000x64xbf16>
    %get3A_4 = arith.constant 1 : index
    %get3A_5 = arith.constant 0 : index
    %get3A_6 = arith.constant 0 : index
    %get3A_7 = vector.load %arg4[%get3A_4, %get3A_5, %get3A_6] : memref<2x1000x64xbf16, #tpu.memory_space<vmem>>, vector<1x1000x64xbf16>
    %get3A_8 = vector.shape_cast %get3A_7 : vector<1x1000x64xbf16> to vector<1000x64xbf16>
    %concatenate3A = tpu.concatenate %get3A_3, %get3A_8 in 1 : vector<1000x64xbf16>, vector<1000x64xbf16> -> vector<1000x128xbf16>
    %convert_element_type3A = arith.extf %concatenate3A : vector<1000x128xbf16> to vector<1000x128xf32>
    %get3A_9 = arith.constant 0 : index
    %get3A_10 = arith.constant 0 : index
    %get3A_11 = vector.load %arg5[%get3A_9, %get3A_10] : memref<128x128xf32, #tpu.memory_space<vmem>>, vector<128x128xf32>
    %dot_general3A = arith.constant dense<0.000000e+00> : vector<1000x128xf32>
    %dot_general3A_12 = tpu.matmul %convert_element_type3A, %get3A_11, %dot_general3A {dimension_numbers = #tpu.dot_dimension_numbers<[1], [0], [0], [1], [0, 0, 1, 1], [], []>, transpose_lhs_hint = false} : vector<1000x128xf32>, vector<128x128xf32>, vector<1000x128xf32> -> vector<1000x128xf32>
    %get3A_13 = arith.constant 0 : index
    %get3A_14 = arith.constant 0 : index
    %get3A_15 = vector.load %arg3[%get3A_13, %get3A_14] : memref<1000x1xf32, #tpu.memory_space<vmem>>, vector<1000x1xf32>
    %get3A_16 = arith.constant 0 : index
    %get3A_17 = arith.constant 0 : index
    %get3A_18 = arith.constant 0 : index
    %get3A_19 = vector.load %arg1[%get3A_16, %get3A_17, %get3A_18] : memref<2x1000x64xf32, #tpu.memory_space<vmem>>, vector<1x1000x64xf32>
    %get3A_20 = vector.shape_cast %get3A_19 : vector<1x1000x64xf32> to vector<1000x64xf32>
    %get3A_21 = arith.constant 1 : index
    %get3A_22 = arith.constant 0 : index
    %get3A_23 = arith.constant 0 : index
    %get3A_24 = vector.load %arg1[%get3A_21, %get3A_22, %get3A_23] : memref<2x1000x64xf32, #tpu.memory_space<vmem>>, vector<1x1000x64xf32>
    %get3A_25 = vector.shape_cast %get3A_24 : vector<1x1000x64xf32> to vector<1000x64xf32>
    %concatenate3A_26 = tpu.concatenate %get3A_20, %get3A_25 in 1 : vector<1000x64xf32>, vector<1000x64xf32> -> vector<1000x128xf32>
    %mul3A = vector.broadcast %get3A_15 : vector<1000x1xf32> to vector<1000x128xf32>
    %mul3A_27 = arith.mulf %mul3A, %dot_general3A_12 : vector<1000x128xf32>
    %add3A = arith.addf %concatenate3A_26, %mul3A_27 : vector<1000x128xf32>
    %get3A_28 = arith.constant 0 : index
    %get3A_29 = arith.constant 0 : index
    %get3A_30 = arith.constant 0 : index
    %get3A_31 = vector.load %arg2[%get3A_28, %get3A_29, %get3A_30] : memref<2x1000x8xf32, #tpu.memory_space<vmem>>, vector<1x1000x1xf32>
    %get3A_32 = vector.shape_cast %get3A_31 : vector<1x1000x1xf32> to vector<1000x1xf32>
    %add3A_33 = arith.addf %get3A_32, %get3A_15 : vector<1000x1xf32>
    %div3A = vector.broadcast %add3A_33 : vector<1000x1xf32> to vector<1000x128xf32>
    %div3A_34 = arith.divf %add3A, %div3A : vector<1000x128xf32>
    %get3A_35 = arith.constant 0 : index
    %get3A_36 = arith.constant 0 : index
    %get3A_37 = vector.load %arg6[%get3A_35, %get3A_36] : memref<1x128xf32, #tpu.memory_space<vmem>>, vector<1x128xf32>
    %add3A_38 = vector.broadcast %get3A_37 : vector<1x128xf32> to vector<1000x128xf32>
    %add3A_39 = arith.addf %div3A_34, %add3A_38 : vector<1000x128xf32>
    %swap3A = arith.constant 0 : index
    %swap3A_40 = arith.constant 0 : index
    %swap3A_41 = vector.load %arg7[%swap3A, %swap3A_40] : memref<1000x128xf32, #tpu.memory_space<vmem>>, vector<1000x128xf32>
    tpu.vector_store %arg7[%swap3A, %swap3A_40], %add3A_39 {strides = array<i32>} : memref<1000x128xf32, #tpu.memory_space<vmem>>, vector<1000x128xf32>,
    return
  }
  func.func @transform_0(%arg0: i32) -> (i32, i32, i32) {
    %c0_i32 = arith.constant 0 : i32
    %c0_i32_0 = arith.constant 0 : i32
    %c0_i32_1 = arith.constant 0 : i32
    return %c0_i32, %arg0, %c0_i32_0 : i32, i32, i32
  }
  func.func @transform_1(%arg0: i32) -> (i32, i32, i32) {
    %c0_i32 = arith.constant 0 : i32
    %c0_i32_0 = arith.constant 0 : i32
    %c0_i32_1 = arith.constant 0 : i32
    return %c0_i32, %arg0, %c0_i32_0 : i32, i32, i32
  }
  func.func @transform_2(%arg0: i32) -> (i32, i32) {
    %c0_i32 = arith.constant 0 : i32
    %c0_i32_0 = arith.constant 0 : i32
    return %arg0, %c0_i32 : i32, i32
  }
  func.func @transform_3(%arg0: i32) -> (i32, i32, i32) {
    %c0_i32 = arith.constant 0 : i32
    %c0_i32_0 = arith.constant 0 : i32
    %c0_i32_1 = arith.constant 0 : i32
    return %c0_i32, %arg0, %c0_i32_0 : i32, i32, i32
  }
  func.func @transform_4(%arg0: i32) -> (i32, i32) {
    %c0_i32 = arith.constant 0 : i32
    %c0_i32_0 = arith.constant 0 : i32
    %c0_i32_1 = arith.constant 0 : i32
    return %c0_i32, %c0_i32_0 : i32, i32
  }
  func.func @transform_5(%arg0: i32) -> (i32, i32) {
    %c0_i32 = arith.constant 0 : i32
    %c0_i32_0 = arith.constant 0 : i32
    %c0_i32_1 = arith.constant 0 : i32
    return %c0_i32, %c0_i32_0 : i32, i32
  }
  func.func @transform_6(%arg0: i32) -> (i32, i32) {
    %c0_i32 = arith.constant 0 : i32
    %c0_i32_0 = arith.constant 0 : i32
    return %arg0, %c0_i32 : i32, i32
  }
}

</mosaic_0001>

<sc_bundles>
// kernel: kernel.10.cloned.1.call-start
scs
__scs_entry_jumppad:
0x0: {  	(pc) =	sbr.rel $0x88, $3  }
0x1: {  	(tag) =	ssettag $0x0;
	lr =	simm.s32 $0x1  }
0x2: {  	[smem:$0x3F97] =	sst lr;
	_ =	strace $0xD0000000  }
0x3: {  	_ = 	snop  }
0x4: {  	_ = 	snop  }
0x5: {  	_ = 	snop  }
0x6: {  	_ = 	snop  }
0x7: {  	_ = 	snop  }
__scs_overlays_trampoline_lowered:
0x8: {  	[smem:$0x3FA6] =	sst s0  }
0x9: {  	[smem:$0x3FA7] =	sst s1  }
0xa: {  	[smem:$0x3FA8] =	sst s2  }
0xb: {  	[smem:$0x3FA9] =	sst s3  }
0xc: {  	[smem:$0x3FAA] =	sst s4  }
0xd: {  	[smem:$0x3FAB] =	sst s5  }
0xe: {  	[smem:$0x3FAC] =	sst s6  }
0xf: {  	[smem:$0x3FAD] =	sst s7  }
0x10: {  	[smem:$0x3FAE] =	sst s8  }
0x11: {  	[smem:$0x3FAF] =	sst s9;
	s0 =	simm.s32 @!p0 $0x0  }
0x12: {  	s1 =	sld [smem:$0x3F95];
	s0 =	simm.s32 @p0 $0x1  }
0x13: {  	[smem:$0x3FB0] =	sst s0;
	s0 =	simm.s32 @!p1 $0x0  }
0x14: {  	s2 =	sld [smem:$0x3F94];
	s0 =	simm.s32 @p1 $0x1  }
0x15: {  	[smem:$0x3FB1] =	sst s0;
	s0 =	simm.s32 @!p2 $0x0  }
0x16: {  	s3 =	sld [smem:$0x3FDB];
	s0 =	simm.s32 @p2 $0x1  }
0x17: {  	s4 =	simm.s32 $0x1BF5;
	[smem:$0x3FB3] =	sst s0  }
0x18: {  	s0 =	sld [smem:$0x3F96];
	_ =	swait.ge [sflag:s4], $0x0  }
0x19: {  	s7 =	sld [smem:$0x3F97]  }
0x1a: {  	s8 =	sadd.s32 $0xFFFFE003, lr  }
0x1b: {  	s9 =	sadd.s32 $0xFFFFFEF7, lr;
	s5 =	simm.s32 $0xFFFFFFFF;
	p2 =	slt.u32 s8, $0xFFFFF086  }
0x1c: {  	p1 =	slt.u32 s9, $0xF7A;
	s5 =	simm.s32 @!p2 $0x0  }
0x1d: {  	s5 =	simm.s32 @p1 $0x1;
	p0 =	seq.s32 s7, s2  }
0x1e: {  	s7 =	smul.u32 @!p0 $0xF7A, s2;
	p2 =	seq.s32 @!p0 s5, $0x0  }
0x1f: {  	s9 =	smul.u32 $0xF7A, s1;
	s8 =	simm.s32 @!p0 $0x1BF5;
	p2 =	por !p2, p0  }
0x20: {  	[sflag:s8] =	ssyncset.s32 @!p0 $0xFFFFF086;
	s6 =	sadd.s32 @!p0 s3, s7;
	s7 =	simm.s32 @!p0 $0x108  }
0x21: {  	s3 =	sadd.s32 s3, s9;
	s6 =	sadd.s32 @!p0 $0x88, s6;
	s7 =	simm.s32 @p2 $0x1082  }
0x22: {  	[simem:s7], [sflag:s8] =	dma.local @!p0 [hbm:s6], $0xF7A  }
0x23: {  	s9 =	sor.u32 $0xD0000000, s2;
	s6 =	simm.s32 $0x108;
	_ =	swait.ge @!p0 [sflag:s8], $0x0  }
0x24: {  	s3 =	sadd.s32 $0x88, s3;
	s6 =	simm.s32 @!p1 $0x1082;
	[sflag:s4] =	ssyncset.s32 $0xFFFFF086  }
0x25: {  	[simem:s6], [sflag:s4] =	dma.local [hbm:s3], $0xF7A  }
0x26: {  	[smem:$0x3F97] =	sst s1;
	(tag) =	ssettag s2;
	_ =	strace s9  }
0x27: {  	s1 =	sld [smem:$0x3FA7]  }
0x28: {  	s2 =	sld [smem:$0x3FA8]  }
0x29: {  	s4 =	sld [smem:$0x3FAA]  }
0x2a: {  	p0 =	seq.s32 s5, $0x0;
	s5 =	sld [smem:$0x3FAB]  }
0x2b: {  	s6 =	sld [smem:$0x3FAC]  }
0x2c: {  	s7 =	sld [smem:$0x3FAD]  }
0x2d: {  	s3 =	simm.s32 $0x108;
	s8 =	sld [smem:$0x3FAE]  }
0x2e: {  	s3 =	simm.s32 @!p0 $0x1082;
	s9 =	sld [smem:$0x3FAF]  }
0x2f: {  	lr =	sadd.s32 s0, s3;
	s0 =	sld [smem:$0x3FA6]  }
0x30: {  	s3 =	sld [smem:$0x3FA9]  }
0x31: {  	[smem:$0x3FB2] =	sst s10  }
0x32: {  	s10 =	sld [smem:$0x3FB0];
	_ =	sdelay $0x3  }
0x33: {  	p0 =	seq.s32 s10, $0x1;
	s10 =	sld [smem:$0x3FB2];
	_ =	sdelay $0x3  }
0x34: {  	[smem:$0x3FB2] =	sst s10  }
0x35: {  	s10 =	sld [smem:$0x3FB1];
	_ =	sdelay $0x3  }
0x36: {  	p1 =	seq.s32 s10, $0x1;
	s10 =	sld [smem:$0x3FB2];
	_ =	sdelay $0x3  }
0x37: {  	[smem:$0x3FB2] =	sst s10  }
0x38: {  	s10 =	sld [smem:$0x3FB3]  }
0x39: {  	_ = 	snop;
	(pc) =	sbr.ind lr, $3  }
0x3a: {  	_ = 	snop  }
0x3b: {  	_ = 	snop  }
0x3c: {  	p2 =	seq.s32 s10, $0x1;
	s10 =	sld [smem:$0x3FB2]  }
0x3d: {  	_ =	shalt  }
0x3e: {  	_ =	shalt  }
0x3f: {  	_ =	shalt  }
0x40: {  	_ =	shalt  }
0x41: {  	_ =	shalt  }
0x42: {  	_ =	shalt  }
0x43: {  	_ =	shalt  }
0x44: {  	_ =	shalt  }
0x45: {  	_ =	shalt  }
0x46: {  	_ =	shalt  }
0x47: {  	_ =	shalt  }
0x48: {  	_ =	shalt  }
0x49: {  	_ =	shalt  }
0x4a: {  	_ =	shalt  }
0x4b: {  	_ =	shalt  }
0x4c: {  	_ =	shalt  }
0x4d: {  	_ =	shalt  }
0x4e: {  	_ =	shalt  }
0x4f: {  	_ =	shalt  }
0x50: {  	_ =	shalt  }
0x51: {  	_ =	shalt  }
0x52: {  	_ =	shalt  }
0x53: {  	_ =	shalt  }
0x54: {  	_ =	shalt  }
0x55: {  	_ =	shalt  }
0x56: {  	_ =	shalt  }
0x57: {  	_ =	shalt  }
0x58: {  	_ =	shalt  }
0x59: {  	_ =	shalt  }
0x5a: {  	_ =	shalt  }
0x5b: {  	_ =	shalt  }
0x5c: {  	_ =	shalt  }
0x5d: {  	_ =	shalt  }
0x5e: {  	_ =	shalt  }
0x5f: {  	_ =	shalt  }
0x60: {  	_ =	shalt  }
0x61: {  	_ =	shalt  }
0x62: {  	_ =	shalt  }
0x63: {  	_ =	shalt  }
0x64: {  	_ =	shalt  }
0x65: {  	_ =	shalt  }
0x66: {  	_ =	shalt  }
0x67: {  	_ =	shalt  }
0x68: {  	_ =	shalt  }
0x69: {  	_ =	shalt  }
0x6a: {  	_ =	shalt  }
0x6b: {  	_ =	shalt  }
0x6c: {  	_ =	shalt  }
0x6d: {  	_ =	shalt  }
0x6e: {  	_ =	shalt  }
0x6f: {  	_ =	shalt  }
0x70: {  	_ =	shalt  }
0x71: {  	_ =	shalt  }
0x72: {  	_ =	shalt  }
0x73: {  	_ =	shalt  }
0x74: {  	_ =	shalt  }
0x75: {  	_ =	shalt  }
0x76: {  	_ =	shalt  }
0x77: {  	_ =	shalt  }
0x78: {  	_ =	shalt  }
0x79: {  	_ =	shalt  }
0x7a: {  	_ =	shalt  }
0x7b: {  	_ =	shalt  }
0x7c: {  	_ =	shalt  }
0x7d: {  	_ =	shalt  }
0x7e: {  	_ =	shalt  }
0x7f: {  	_ =	shalt  }
0x80: {  	_ =	shalt  }
0x81: {  	_ =	shalt  }
0x82: {  	_ =	shalt  }
0x83: {  	_ =	shalt  }
0x84: {  	_ =	shalt  }
0x85: {  	_ =	shalt  }
0x86: {  	_ =	shalt  }
0x87: {  	_ =	shalt  }
.Lfunc_end0:
.L_simem_size_0:
called_computation.1_lowered:
.L_overlay_start_0:
0x88: {  	s2 =	sld [smem:$0x3FD9]  }
0x89: {  	s3 =	sld [smem:$0x3FFE];
	_ =	sdelay $0x1  }
0x8a: {  	s1 =	srdreg.scid  }
0x8b: {  	s0 =	sand.u32 $0x1, s1  }
0x8c: {  	s17 =	sshll.u32 s0, $0xA;
	s2 =	sadd.s32 s3, s2  }
0x8d: {  	s2 =	sadd.s32 s2, s17  }
0x8e: {  	[smem:$0x3FBE] =	sst s2  }
0x8f: {  	_ = 	snop  }
0x90: {  	s2 =	sld [smem:$0x3FD0];
	(tm) =	ssettm $0x1  }
0x91: {  	s18 =	sld [smem:$0x3FFB];
	_ =	sdelay $0x3  }
0x92: {  	_ =	strace s18  }
0x93: {  	s3 =	sld [smem:$0x3FFC];
	_ =	sdelay $0x3  }
0x94: {  	_ =	strace s3  }
0x95: {  	s3 =	sld [smem:$0x3FFD];
	_ =	sdelay $0x3  }
0x96: {  	_ =	strace s3  }
0x97: {  	_ =	strace $0x8FFFFFFF  }
0x98: {  	s19 =	sld [smem:$0x3FDB];
	_ =	sdelay $0x1  }
0x99: {  	s4 =	simm.s32 $_scs_section_size  }
0x9a: {  	s5 =	simm.s32 $_size__tile_overlayer_lowered;
	s6 =	simm.s32 $_tile_overlayer_lowered  }
0x9b: {  	s22 =	simm.s32 $0x1BFF;
	s21 =	sshll.u32 s6, $0x1;
	s3 =	sadd.s32 s4, s19  }
0x9c: {  	s7 =	simm.s32 $0x0;
	s20 =	sshll.u32 s5, $0x1;
	s5 =	sadd.s32 s21, s3  }
0x9d: {  	[timem:s7], [sflag:s22] =	dma.local [hbm:s5], s20  }
0x9e: {  	_ =	swait.ge [sflag:s22], s20  }
0x9f: {  	s4 =	ssub.s32 $0x0, s20;
	[sflag:s22] =	ssyncset.done $0x0  }
0xa0: {  	[sflag:s22] =	ssyncadd.s32 s4;
	_ =	sdelay $0x1  }
0xa1: {  	s23 =	simm.s32 $0x1B8B  }
0xa2: {  	_ =	swait.ge [sflag:s23], $0x1  }
0xa3: {  	[sflag:s23] =	ssyncset.done $0x0  }
0xa4: {  	s25 =	simm.s32 $0x1B8E;
	s24 =	sld [smem:$0x3FFE];
	[sflag:s23] =	ssyncadd.s32 $0xFFFFFFFF  }
0xa5: {  	s26 =	simm.s32 $execute0_lowered;
	[smem:$0x3FD2] =	sst s25  }
0xa6: {  	s5 =	sshll.u32 s26, $0x1;
	_ =	strace $0x80000049;
	[dreg:$0x1] =	wrdreg $0xFFFFFFFF  }
0xa7: {  	s28 =	simm.s32 $_size_execute0_lowered;
	s3 =	sadd.s32 s3, s5;
	[dreg:$0x0] =	wrdreg $0x0  }
0xa8: {  	s5 =	sshll.u32 s28, $0x1;
	[dreg:$0x2] =	wrdreg s3  }
0xa9: {  	[dreg:$0x3] =	wrdreg s5  }
0xaa: {  	[dreg:$0x4] =	wrdreg $0xC0  }
0xab: {  	_ =	task [dreg:s7], $0x5FFFF  }
0xac: {  	[dreg:$0x1] =	wrdreg $0xFFFFFFFF  }
0xad: {  	[dreg:$0x0] =	wrdreg $0x60  }
0xae: {  	[dreg:$0x2] =	wrdreg s24  }
0xaf: {  	[dreg:$0x3] =	wrdreg s2  }
0xb0: {  	[dreg:$0x4] =	wrdreg $0x14E600  }
0xb1: {  	[dreg:$0x5] =	wrdreg $0x1EAA00  }
0xb2: {  	[dreg:$0x6] =	wrdreg $0x9  }
0xb3: {  	_ =	task.clear_ibuf [dreg:s7], $0x7FFFF;
	_ =	strace $0x90000049  }
0xb4: {  	s29 =	simm.s32 $0x9;
	_ =	strace $0x8000004B  }
0xb5: {  	_ =	swait.ge [sflag:s29], $0x1  }
0xb6: {  	[sflag:s29] =	ssyncadd.s32 $0xFFFFFFFF  }
0xb7: {  	_ =	strace $0x9000004B  }
0xb8: {  	_ =	sfence  }
0xb9: {  	s30 =	sld [smem:$0x0];
	_ =	sdelay $0x2  }
0xba: {  	s31 =	sshll.u32 s1, $0xD;
	s1 =	sshrl.u32 s1, $0x2  }
0xbb: {  	s3 =	sand.u32 $0x4000, s31;
	s1 =	sadd.s32 s1, s30  }
0xbc: {  	s0 =	sor.u32 s3, s0;
	s1 =	sshll.u32 s1, $0x11  }
0xbd: {  	s0 =	sor.u32 s1, s0  }
0xbe: {  	s0 =	sadd.s32 $0x8F2B, s0  }
0xbf: {  	[sflag:s0] =	ssyncadd.remote.s32 $0x1  }
0xc0: {  	_ =	sfence.sel $0xFFFF  }
0xc1: {  	[dreg:$0x0] =	wrdreg $0xFFFFFFFF;
	(pc) =	sbr.abs _section_cstart, $3  }
0xc2: {  	[dreg:$0x1] =	wrdreg $0xFFFFFFFF  }
0xc3: {  	_ =	task.clear_ibuf [dreg:s7], $0x2FFFF;
	_ =	strace $0x9FFFFFFF  }
0xc4: {  	(tm) =	ssettm $0x7FFFFFFF  }
0xc5: {  	_ =	shalt  }
tec
execute0_lowered:
.L_overlay_start_1:
0x0: {  	(tag) =	ssettag $0x1  }
0x1: {  	s0 =	rddreg [dreg:$0x0]  }
0x2: {  	s3 =	rddreg [dreg:$0x1]  }
0x3: {  	s1 =	rddreg [dreg:$0x2];
	s4 =	srdreg.scid  }
0x4: {  	s2 =	rddreg [dreg:$0x3];
	s6 =	simm.s32 $0x0;
	s8 =	stileid.u32  }
0x5: {  	s28 =	simm.s32 $0x50;
	s31 =	simm.s32 $0x1;
	s4 =	sand.u32 $0x1, s4  }
0x6: {  	[smem:$0x7FF] =	sst s6;
	s7 =	smul.u32 $0x9C4, s8;
	s9 =	sadd.s32 $0x14600, s0  }
0x7: {  	s14 =	sadd.s32 $0x14C00, s0;
	s15 =	sadd.s32 $0x50200, s0;
	s10 =	sadd.s32 $0x4FE00, s0  }
0x8: {  	s11 =	smul.u32 $0x9C00, s8;
	_ =	strace $0x8000004A;
	[dreg:$0x5] =	wrdreg s9  }
0x9: {  	s18 =	smul.u32 $0x1380, s8;
	s19 =	sshll.u32 s8, $0x6;
	[dreg:$0x6] =	wrdreg s14  }
0xa: {  	s22 =	sadd.s32 $0x9C000, s1;
	s24 =	sadd.s32 $0x13800, s2;
	[dreg:$0x7] =	wrdreg s15  }
0xb: {  	p0 =	sne.s32 s8, $0xF;
	s5 =	smul.u32 $0x9C400, s4;
	[dreg:$0x8] =	wrdreg s10  }
0xc: {  	s16 =	ssub.s32 $0x2, s4;
	[dreg:$0xd] =	wrdreg s22;
	s4 =	smul.u32 $0x13880, s4  }
0xd: {  	[dreg:$0xe] =	wrdreg s24;
	s24 =	simm.s32 $0xC350;
	s22 =	simm.s32 $0x0  }
0xe: {  	s7 =	sadd.s32 s7, s0;
	s17 =	sshrl.u32 s16, $0x1;
	s20 =	sadd.s32 s11, s1  }
0xf: {  	s21 =	sadd.s32 s18, s2;
	s13 =	sshrl.u32 s5, $0x4;
	s9 =	ssub.s32 s16, s17  }
0x10: {  	s12 =	sadd.s32 $0xA800, s7;
	s7 =	sadd.s32 $0xA00, s7;
	[dreg:$0xb] =	wrdreg s20  }
0x11: {  	[dreg:$0xc] =	wrdreg s21;
	s23 =	sadd.s32 s11, s5;
	s26 =	sadd.s32 s18, s4  }
0x12: {  	s5 =	sshrl.u32 s5, $0x3;
	s4 =	sshrl.u32 s4, $0x3;
	[dreg:$0x9] =	wrdreg s12  }
0x13: {  	s6 =	sadd.s32 s13, s0;
	s0 =	sadd.s32 $0x28C00, s0;
	[dreg:$0xa] =	wrdreg s7  }
0x14: {  	s12 =	sor.u32 $0x1C04, s19;
	s25 =	sshrl.u32 s23, $0x3;
	s30 =	smax.u32 s9, $0x1  }
0x15: {  	s23 =	simm.s32 $0x9C40;
	s16 =	sadd.s32 $0x15200, s6;
	s6 =	sadd.s32 s3, s25  }
0x16: {  	s3 =	sadd.s32 s3, s5;
	[dreg:$0x13] =	wrdreg s30;
	s25 =	simm.s32 $0xEA60  }
0x17: {  	[dreg:$0xf] =	wrdreg s6;
	s6 =	sshrl.u32 s26, $0x3;
	s3 =	sadd.s32 $0x13800, s3  }
0x18: {  	s29 =	sadd.s32 s0, s6;
	[dreg:$0x11] =	wrdreg s3;
	s0 =	sadd.s32 s0, s4  }
0x19: {  	v0 =	vlaneseq.u32;
	s26 =	simm.s32 $0x4;
	[dreg:$0x10] =	wrdreg s29;
	s0 =	sadd.s32 $0x2700, s0  }
0x1a: {  	v0 =	vmul.u32 $0x8, v0;
	s3 =	simm.s32 $0x3;
	[dreg:$0x12] =	wrdreg s0;
	s0 =	simm.s32 $0x2  }
.LBB2_1:
0x1b: {  	s5 =	rddreg [dreg:$0x9]  }
0x1c: {  	s17 =	rddreg [dreg:$0xa]  }
0x1d: {  	s18 =	rddreg [dreg:$0x5]  }
0x1e: {  	s4 =	simm.s32 $0x0;
	s19 =	rddreg [dreg:$0x6]  }
0x1f: {  	[tilespmem:s4], [sflag:$0x4] =	stream.linear.gather [hbm4b:s5+s4], $0x4E20, $0x38;
	[tilespmem:$0x1FE28] =	vst v63  }
0x20: {  	s6 =	simm.s32 $0x4E20;
	s20 =	rddreg [dreg:$0xb]  }
0x21: {  	[tilespmem:s6], [sflag:$0x4] =	stream.linear.gather [hbm4b:s17+s4], $0x4E20, $0x38;
	[tilespmem:$0x1FE28] =	vst v63  }
0x22: {  	s21 =	sshrl.u32 s20, $0x3;
	s5 =	rddreg [dreg:$0x7]  }
0x23: {  	[tilespmem:s23], [sflag:$0x4] =	stream.linear.gather [hbm4b:s18+s4], $0x2710, $0x38;
	[tilespmem:$0x1FE28] =	vst v63  }
0x24: {  	[dreg:$0x16] =	wrdreg s21  }
0x25: {  	[tilespmem:s24], [sflag:$0x4] =	stream.linear.gather [hbm4b:s19+s4], $0x2710, $0x38;
	[tilespmem:$0x1FE28] =	vst v63  }
0x26: {  	[spmem:s21], [sflag:s12] =	dma.local [hbm:s5], $0x1380  }
0x27: {  	s6 =	rddreg [dreg:$0xc]  }
0x28: {  	s7 =	rddreg [dreg:$0x8];
	s6 =	sshrl.u32 s6, $0x3  }
0x29: {  	[spmem:s6], [sflag:s12] =	dma.local [hbm:s7], $0x270  }
0x2a: {  	[tilespmem:s25], [sflag:$0x4] =	stream.linear.gather [hbm4b:s7+s4], $0xA00, $0x38;
	[tilespmem:$0x1FE28] =	vst v63  }
0x2b: {  	s8 =	rddreg [dreg:$0xd]  }
0x2c: {  	s8 =	sshrl.u32 @!p0 s8, $0x3  }
0x2d: {  	[dreg:$0x14] =	wrdreg s8  }
0x2e: {  	[spmem:s8], [sflag:s12] =	dma.local @!p0 [hbm:s5], $0x80  }
0x2f: {  	s5 =	rddreg [dreg:$0xe]  }
0x30: {  	s5 =	sshrl.u32 @!p0 s5, $0x3  }
0x31: {  	[dreg:$0x15] =	wrdreg s5  }
0x32: {  	[spmem:s5], [sflag:s12] =	dma.local @!p0 [hbm:s7], $0x10  }
0x33: {  	_ =	swait.ge [sflag:s26], $0x4E20  }
0x34: {  	[sflag:s26] =	ssyncset.done $0x0  }
0x35: {  	s29 =	simm.s32 $0xF460;
	[sflag:s26] =	ssyncadd.s32 $0xFFFFB1E0  }
0x36: {  	[tilespmem:s29], [sflag:$0x1] =	stream.indirect.gather [hbm4b:s16+s28], $0x20, s4, s28, $0xb8;
	[tilespmem:$0x1FE28] =	vst v63  }
0x37: {  	s30 =	simm.s32 $0xFE60  }
0x38: {  	[tilespmem:s30], [sflag:$0x1] =	stream.indirect.gather [hbm4b:s16+s28], $0x20, s28, s28, $0xb8;
	[tilespmem:$0x1FE28] =	vst v63  }
0x39: {  	_ =	swait.ge [sflag:s26], $0x4E20  }
0x3a: {  	[sflag:s26] =	ssyncset.done $0x0  }
0x3b: {  	[sflag:s26] =	ssyncadd.s32 $0xFFFFB1E0  }
0x3c: {  	_ =	swait.ge [sflag:s26], $0x2710  }
0x3d: {  	[sflag:s26] =	ssyncset.done $0x0  }
0x3e: {  	[sflag:s26] =	ssyncadd.s32 $0xFFFFD8F0  }
0x3f: {  	_ =	swait.ge [sflag:s26], $0x2710  }
0x40: {  	[sflag:s26] =	ssyncset.done $0x0  }
0x41: {  	[sflag:s26] =	ssyncadd.s32 $0xFFFFD8F0  }
0x42: {  	_ =	swait.ge [sflag:s26], $0x1380  }
0x43: {  	[sflag:s26] =	ssyncset.done $0x0  }
0x44: {  	[sflag:s26] =	ssyncadd.s32 $0xFFFFEC80  }
0x45: {  	_ =	swait.ge [sflag:s26], $0x270  }
0x46: {  	[sflag:s26] =	ssyncset.done $0x0  }
0x47: {  	[sflag:s26] =	ssyncadd.s32 $0xFFFFFD90  }
0x48: {  	_ =	swait.ge [sflag:s26], $0xA00  }
0x49: {  	[sflag:s26] =	ssyncset.done $0x0  }
0x4a: {  	s4 =	simm.s32 @!p0 $0x4;
	[sflag:s26] =	ssyncadd.s32 $0xFFFFF600  }
0x4b: {  	_ =	swait.ge @!p0 [sflag:s4], $0x80  }
0x4c: {  	[sflag:s4] =	ssyncset.done @!p0 $0x0  }
0x4d: {  	[sflag:s4] =	ssyncadd.s32 @!p0 $0xFFFFFF80  }
0x4e: {  	_ =	swait.ge @!p0 [sflag:s4], $0x10  }
0x4f: {  	[sflag:s4] =	ssyncset.done @!p0 $0x0  }
0x50: {  	s10 =	simm.s32 $0xF550;
	s11 =	simm.s32 $0x0;
	[sflag:s4] =	ssyncadd.s32 @!p0 $0xFFFFFFF0  }
0x51: {  	s13 =	simm.s32 $0x0;
	s21 =	simm.s32 $0x11260;
	[bflag:$0x0] =	sbarrier.arrive $0xFFFF  }
.LBB2_2:
0x52: {  	p1 =	slt.u32 s13, $0x4  }
0x53: {  	s4 =	simm.s32 @!p1 $0x3  }
0x54: {  	p2 =	sgt.u32 @!p1 s13, $0xF7;
	_ =	swait.ge @!p1 [sflag:s4], $0x280  }
0x55: {  	p2 =	por p1, !p2;
	[sflag:s4] =	ssyncset.done @!p1 $0x0  }
0x56: {  	[sflag:s4] =	ssyncadd.s32 @!p1 $0xFFFFFD80;
	s4 =	sadd.s32 @p2 $0x2, s13  }
0x57: {  	s7 =	smul.u32 @p2 $0xAB, s4;
	_ =	sdelay $0x1  }
0x58: {  	s7 =	sshrl.u32 @p2 s7, $0x9  }
0x59: {  	s7 =	sand.u32 @p2 $0x7F, s7  }
0x5a: {  	s7 =	smul.u32 @p2 $0x3, s7;
	_ =	sdelay $0x1  }
0x5b: {  	s7 =	ssub.s32 @p2 s4, s7  }
0x5c: {  	s7 =	sand.u32 @p2 $0xFF, s7  }
0x5d: {  	s7 =	smul.u32 @p2 $0x2800, s7  }
0x5e: {  	s4 =	smul.u32 @p2 $0x140, s4  }
0x5f: {  	s7 =	sshrl.u32 @p2 s7, $0x2  }
0x60: {  	s29 =	smul.u32 $0x50, s13;
	s4 =	sshra.s32 @p2 s4, $0x2;
	s7 =	sadd.s32 @p2 $0xF460, s7  }
0x61: {  	[tilespmem:s7], [sflag:$0x1] =	stream.indirect.gather @p2 [hbm4b:s16+s28], $0x20, s4, s28, $0xb8;
	[tilespmem:$0x1FE28] =	vst v63  }
0x62: {  	v1 =	vld [tilespmem:s29+$0x0]  }
0x63: {  	v2 =	vld [tilespmem:s29+$0x4E20];
	_ =	sdelay $0x6  }
0x64: {  	v1 =	vld.idx.msk [tilespmem:v1+s23+$0x0], $0xffff  }
0x65: {  	v2 =	vld.idx.msk [tilespmem:v2+s24+$0x0], $0xffff;
	_ =	sdelay $0x4  }
0x66: {  	v1 =	vadd.f32 v2, v1;
	_ =	sdelay $0x1  }
0x67: {  	v2 =	vmul.f32 $2.000000030e-01, v1;
	_ =	sdelay $0x1  }
0x68: {  	v1 =	vmax.f32 v1, v2  }
0x69: {  	v1 =	vmul.f32 $1.442695020e+00, v1;
	_ =	sdelay $0x1  }
0x6a: {  	s30 =	sand.u32 $0x3, s13;
	(erf) = vpow2.f32 v1  }
0x6b: {  	s9 =	smul.u32 $0x50, s30;
	_ =	sdelay $0x1  }
0x6c: {  	v1 =	vmov s9  }
0x6d: {  	v1 =	vshll.u32 v1, $0x3  }
0x6e: {  	v1 =	vor.u32 v0, v1;
	_ =	sdelay $0x3  }
0x6f: {  	v2 =	vpop (erf)  }
0x70: {  	[tilespmem:v1+s25+$0x0] =	vst.idx.msk $0xffff, v2  }
0x71: {  	v1 =	vld [tilespmem:s29+$0x10]  }
0x72: {  	v2 =	vld [tilespmem:s29+$0x4E30];
	_ =	sdelay $0x6  }
0x73: {  	v1 =	vld.idx.msk [tilespmem:v1+s23+$0x0], $0xffff  }
0x74: {  	v2 =	vld.idx.msk [tilespmem:v2+s24+$0x0], $0xffff;
	_ =	sdelay $0x4  }
0x75: {  	v1 =	vadd.f32 v2, v1;
	_ =	sdelay $0x1  }
0x76: {  	v2 =	vmul.f32 $2.000000030e-01, v1;
	_ =	sdelay $0x1  }
0x77: {  	v1 =	vmax.f32 v1, v2  }
0x78: {  	v1 =	vmul.f32 $1.442695020e+00, v1;
	_ =	sdelay $0x1  }
0x79: {  	(erf) = vpow2.f32 v1;
	_ =	sdelay $0x1  }
0x7a: {  	s14 =	sadd.s32 $0x10, s9  }
0x7b: {  	v1 =	vmov s14  }
0x7c: {  	v1 =	vshll.u32 v1, $0x3  }
0x7d: {  	v1 =	vor.u32 v0, v1;
	_ =	sdelay $0x3  }
0x7e: {  	v2 =	vpop (erf)  }
0x7f: {  	[tilespmem:v1+s25+$0x0] =	vst.idx.msk $0xffff, v2  }
0x80: {  	v1 =	vld [tilespmem:s29+$0x20]  }
0x81: {  	v2 =	vld [tilespmem:s29+$0x4E40];
	_ =	sdelay $0x6  }
0x82: {  	v1 =	vld.idx.msk [tilespmem:v1+s23+$0x0], $0xffff  }
0x83: {  	v2 =	vld.idx.msk [tilespmem:v2+s24+$0x0], $0xffff;
	_ =	sdelay $0x4  }
0x84: {  	v1 =	vadd.f32 v2, v1;
	_ =	sdelay $0x1  }
0x85: {  	v2 =	vmul.f32 $2.000000030e-01, v1;
	_ =	sdelay $0x1  }
0x86: {  	v1 =	vmax.f32 v1, v2  }
0x87: {  	v1 =	vmul.f32 $1.442695020e+00, v1;
	_ =	sdelay $0x1  }
0x88: {  	(erf) = vpow2.f32 v1;
	_ =	sdelay $0x1  }
0x89: {  	s5 =	sadd.s32 $0x20, s9  }
0x8a: {  	v1 =	vmov s5  }
0x8b: {  	v1 =	vshll.u32 v1, $0x3  }
0x8c: {  	v1 =	vor.u32 v0, v1;
	_ =	sdelay $0x3  }
0x8d: {  	v2 =	vpop (erf)  }
0x8e: {  	[tilespmem:v1+s25+$0x0] =	vst.idx.msk $0xffff, v2  }
0x8f: {  	v1 =	vld [tilespmem:s29+$0x30]  }
0x90: {  	v2 =	vld [tilespmem:s29+$0x4E50];
	_ =	sdelay $0x6  }
0x91: {  	v1 =	vld.idx.msk [tilespmem:v1+s23+$0x0], $0xffff  }
0x92: {  	v2 =	vld.idx.msk [tilespmem:v2+s24+$0x0], $0xffff;
	_ =	sdelay $0x4  }
0x93: {  	v1 =	vadd.f32 v2, v1;
	_ =	sdelay $0x1  }
0x94: {  	v2 =	vmul.f32 $2.000000030e-01, v1;
	_ =	sdelay $0x1  }
0x95: {  	v1 =	vmax.f32 v1, v2  }
0x96: {  	v1 =	vmul.f32 $1.442695020e+00, v1;
	_ =	sdelay $0x1  }
0x97: {  	(erf) = vpow2.f32 v1;
	_ =	sdelay $0x1  }
0x98: {  	s8 =	sadd.s32 $0x30, s9  }
0x99: {  	v1 =	vmov s8  }
0x9a: {  	v1 =	vshll.u32 v1, $0x3  }
0x9b: {  	v1 =	vor.u32 v0, v1;
	_ =	sdelay $0x3  }
0x9c: {  	v2 =	vpop (erf)  }
0x9d: {  	[tilespmem:v1+s25+$0x0] =	vst.idx.msk $0xffff, v2  }
0x9e: {  	v1 =	vld [tilespmem:s29+$0x40]  }
0x9f: {  	v2 =	vld [tilespmem:s29+$0x4E60];
	_ =	sdelay $0x6  }
0xa0: {  	v1 =	vld.idx.msk [tilespmem:v1+s23+$0x0], $0xffff  }
0xa1: {  	v2 =	vld.idx.msk [tilespmem:v2+s24+$0x0], $0xffff;
	_ =	sdelay $0x4  }
0xa2: {  	v1 =	vadd.f32 v2, v1;
	_ =	sdelay $0x1  }
0xa3: {  	v2 =	vmul.f32 $2.000000030e-01, v1;
	_ =	sdelay $0x1  }
0xa4: {  	v1 =	vmax.f32 v1, v2  }
0xa5: {  	v1 =	vmul.f32 $1.442695020e+00, v1;
	_ =	sdelay $0x1  }
0xa6: {  	(erf) = vpow2.f32 v1;
	_ =	sdelay $0x1  }
0xa7: {  	s9 =	sadd.s32 $0x40, s9  }
0xa8: {  	v1 =	vmov s9  }
0xa9: {  	v1 =	vshll.u32 v1, $0x3  }
0xaa: {  	s15 =	sand.u32 $0x3, s11;
	s17 =	smulhi.u32 $0xAAAAAAAB, s13;
	v1 =	vor.u32 v0, v1  }
0xab: {  	s15 =	smul.u32 $0x50, s15  }
0xac: {  	s18 =	sshrl.u32 s17, $0x1;
	s7 =	smul.u32 $0xA00, s30  }
0xad: {  	s20 =	smul.u32 $0xFFFF8800, s18  }
0xae: {  	s17 =	sadd.s32 $0xFFFFFFF8, s15;
	p1 =	slt.u32 s13, $0x3;
	s7 =	sshrl.u32 s7, $0x2;
	v2 =	vpop (erf)  }
0xaf: {  	s19 =	sadd.s32 $0xEA60, s7;
	s7 =	simm.s32 @!p1 $0x2;
	s14 =	sadd.s32 $0x4E20, s29;
	[tilespmem:v1+s25+$0x0] =	vst.idx.msk $0xffff, v2  }
0xb0: {  	[spmem:s2] =	stream.indirect.scatter.add.f32 [tilespmem:s19], [sflag:$0x3], $0x8, s14, s28, $0xb8;
	[tilespmem:$0x1FE28] =	vst v63  }
0xb1: {  	s17 =	sshll.u32 s17, $0x3;
	s4 =	sshra.s32 s20, $0x2;
	_ =	swait.ge @!p1 [sflag:s7], $0x1400  }
0xb2: {  	s29 =	sadd.s32 $0x78, s17;
	v2 =	vmov s4;
	[sflag:s7] =	ssyncset.done @!p1 $0x0  }
0xb3: {  	v1 =	vmov s29;
	[sflag:s7] =	ssyncadd.s32 @!p1 $0xFFFFEC00  }
0xb4: {  	_ =	swait.ge [sflag:s31], $0xA00  }
0xb5: {  	[sflag:s31] =	ssyncset.done $0x0  }
0xb6: {  	[sflag:s31] =	ssyncadd.s32 $0xFFFFF600  }
0xb7: {  	s30 =	smul.u32 $0xFFFF1000, s18;
	v3 =	vld.idx.msk [tilespmem:v2+s10+$0xFFFFFFF0 ss:$0x1], $0xffff  }
0xb8: {  	s5 =	sadd.s32 $0x40, s17;
	v4 =	vld.idx.msk [tilespmem:v1+s25+$0x0], $0xffff  }
0xb9: {  	v5 =	vmov s5;
	s8 =	sadd.s32 $0x48, s17;
	s4 =	sshra.s32 s30, $0x2  }
0xba: {  	v6 =	vmov s8;
	v1 =	vmov s4;
	_ =	sdelay $0x1  }
0xbb: {  	s9 =	sadd.s32 $0x50, s17;
	v8 =	vld.idx.msk [tilespmem:v2+s10+$0xFFFFFF10 ss:$0x1], $0xffff;
	v7 =	vunpack.i.l.bf16.f32 v3  }
0xbc: {  	v10 =	vmov s9;
	v9 =	vld.idx.msk [tilespmem:v2+s10+$0xFFFFFF30 ss:$0x1], $0xffff;
	v3 =	vunpack.i.u.bf16.f32 v3;
	v7 =	vmul.f32 v7, v4  }
0xbd: {  	s19 =	sadd.s32 $0x60, s17;
	v5 =	vld.idx.msk [tilespmem:v5+s25+$0x0], $0xffff;
	v3 =	vmul.f32 v3, v4  }
0xbe: {  	s18 =	sadd.s32 $0x58, s17;
	v11 =	vmov s19;
	v6 =	vld.idx.msk [tilespmem:v6+s25+$0x0], $0xffff;
	[tilespmem:v1+s21+$0x1C0 ss:$0x1] =	vst.idx.msk $0xffff, v7  }
0xbf: {  	v12 =	vld.idx.msk [tilespmem:v2+s10+$0xFFFFFF50 ss:$0x1], $0xffff;
	[tilespmem:v1+s21+$0x1D0 ss:$0x1] =	vst.idx.msk $0xffff, v3;
	v3 =	vmov s18  }
0xc0: {  	v7 =	vld.idx.msk [tilespmem:v2+s10+$0x0 ss:$0x1], $0xffff  }
0xc1: {  	s20 =	sadd.s32 $0x68, s17;
	v10 =	vld.idx.msk [tilespmem:v10+s25+$0x0], $0xffff;
	v13 =	vunpack.i.l.bf16.f32 v8  }
0xc2: {  	v14 =	vmov s20;
	v15 =	vld.idx.msk [tilespmem:v2+s10+$0xFFFFFF70 ss:$0x1], $0xffff;
	v8 =	vunpack.i.u.bf16.f32 v8;
	v13 =	vmul.f32 v13, v5  }
0xc3: {  	v11 =	vld.idx.msk [tilespmem:v11+s25+$0x0], $0xffff;
	v16 =	vunpack.i.l.bf16.f32 v9;
	v8 =	vmul.f32 v8, v5  }
0xc4: {  	v9 =	vunpack.i.u.bf16.f32 v9;
	[tilespmem:v1+s21+$0x0 ss:$0x1] =	vst.idx.msk $0xffff, v13;
	v17 =	vld.idx.msk [tilespmem:v3+s25+$0x0], $0xffff;
	v3 =	vmul.f32 v16, v6  }
0xc5: {  	s29 =	sadd.s32 $0x70, s17;
	v19 =	vld.idx.msk [tilespmem:v2+s10+$0xFFFFFFB0 ss:$0x1], $0xffff;
	v9 =	vmul.f32 v9, v6;
	[tilespmem:v1+s21+$0x10 ss:$0x1] =	vst.idx.msk $0xffff, v8;
	v13 =	vunpack.i.l.bf16.f32 v7  }
0xc6: {  	v18 =	vunpack.i.l.bf16.f32 v12;
	v16 =	vld.idx.msk [tilespmem:v2+s10+$0xFFFFFF90 ss:$0x1], $0xffff;
	v8 =	vmul.f32 v13, v4;
	v13 =	vmov s29;
	[tilespmem:v1+s21+$0x40 ss:$0x1] =	vst.idx.msk $0xffff, v3  }
0xc7: {  	s17 =	sadd.s32 $0x100, s10;
	v14 =	vld.idx.msk [tilespmem:v14+s25+$0x0], $0xffff;
	v3 =	vunpack.i.u.bf16.f32 v12;
	v12 =	vmul.f32 v18, v10;
	[tilespmem:v1+s21+$0x50 ss:$0x1] =	vst.idx.msk $0xffff, v9  }
0xc8: {  	v22 =	vld.idx.msk [tilespmem:v2+s17+$0xFFFFFF50 ss:$0x1], $0xffff;
	v7 =	vunpack.i.u.bf16.f32 v7;
	v3 =	vmul.f32 v3, v10;
	[tilespmem:v1+s21+$0x1E0 ss:$0x1] =	vst.idx.msk $0xffff, v8  }
0xc9: {  	v25 =	vld.idx.msk [tilespmem:v2+s17+$0xFFFFFFB0 ss:$0x1], $0xffff;
	v4 =	vmul.f32 v7, v4;
	v8 =	vunpack.i.l.bf16.f32 v15;
	[tilespmem:v1+s21+$0x80 ss:$0x1] =	vst.idx.msk $0xffff, v12  }
0xca: {  	v9 =	vunpack.i.u.bf16.f32 v15;
	v12 =	vld.idx.msk [tilespmem:v2+s10+$0xFFFFFFD0 ss:$0x1], $0xffff;
	v8 =	vmul.f32 v8, v17;
	[tilespmem:v1+s21+$0x90 ss:$0x1] =	vst.idx.msk $0xffff, v3  }
0xcb: {  	v15 =	vunpack.i.l.bf16.f32 v16;
	v9 =	vmul.f32 v9, v17;
	[tilespmem:v1+s21+$0x1F0 ss:$0x1] =	vst.idx.msk $0xffff, v4;
	v3 =	vld.idx.msk [tilespmem:v13+s25+$0x0], $0xffff  }
0xcc: {  	s30 =	sadd.s32 $0x0, s15;
	v16 =	vunpack.i.u.bf16.f32 v16;
	v13 =	vmul.f32 v15, v11;
	[tilespmem:v1+s21+$0xC0 ss:$0x1] =	vst.idx.msk $0xffff, v8;
	v15 =	vld.idx.msk [tilespmem:v2+s10+$0xFFFFFF20 ss:$0x1], $0xffff  }
0xcd: {  	s4 =	sshll.u32 s30, $0x3;
	v26 =	vld.idx.msk [tilespmem:v2+s17+$0xFFFFFFD0 ss:$0x1], $0xffff;
	v16 =	vmul.f32 v16, v11;
	v8 =	vunpack.i.l.bf16.f32 v19;
	[tilespmem:v1+s21+$0xD0 ss:$0x1] =	vst.idx.msk $0xffff, v9  }
0xce: {  	s5 =	sadd.s32 $0x78, s4;
	v18 =	vld.idx.msk [tilespmem:v2+s10+$0xFFFFFF40 ss:$0x1], $0xffff;
	v9 =	vunpack.i.u.bf16.f32 v19;
	v8 =	vmul.f32 v8, v14;
	[tilespmem:v1+s21+$0x100 ss:$0x1] =	vst.idx.msk $0xffff, v13  }
0xcf: {  	v9 =	vmul.f32 v9, v14;
	v13 =	vld.idx.msk [tilespmem:v2+s10+$0xFFFFFF60 ss:$0x1], $0xffff;
	v19 =	vunpack.i.l.bf16.f32 v12;
	[tilespmem:v1+s21+$0x110 ss:$0x1] =	vst.idx.msk $0xffff, v16;
	v16 =	vmov s5  }
0xd0: {  	v7 =	vld.idx.msk [tilespmem:v2+s10+$0xFFFFFF80 ss:$0x1], $0xffff;
	[tilespmem:v1+s21+$0x140 ss:$0x1] =	vst.idx.msk $0xffff, v8;
	v8 =	vunpack.i.u.bf16.f32 v12;
	v12 =	vmul.f32 v19, v3  }
0xd1: {  	s9 =	sadd.s32 $0x48, s4;
	[tilespmem:v1+s21+$0x150 ss:$0x1] =	vst.idx.msk $0xffff, v9;
	v19 =	vld.idx.msk [tilespmem:v2+s10+$0xFFFFFFA0 ss:$0x1], $0xffff;
	v4 =	vmul.f32 v8, v3;
	v8 =	vunpack.i.l.bf16.f32 v15  }
0xd2: {  	s19 =	sadd.s32 $0x58, s4;
	v20 =	vmov s9;
	v9 =	vld.idx.msk [tilespmem:v2+s10+$0xFFFFFFC0 ss:$0x1], $0xffff;
	v15 =	vunpack.i.u.bf16.f32 v15;
	v8 =	vmul.f32 v8, v5;
	[tilespmem:v1+s21+$0x180 ss:$0x1] =	vst.idx.msk $0xffff, v12  }
0xd3: {  	v23 =	vmov s19;
	v5 =	vmul.f32 v15, v5;
	v15 =	vunpack.i.l.bf16.f32 v18;
	v12 =	vld.idx.msk [tilespmem:v2+s17+$0xFFFFFFF0 ss:$0x1], $0xffff;
	[tilespmem:v1+s21+$0x190 ss:$0x1] =	vst.idx.msk $0xffff, v4  }
0xd4: {  	s8 =	sadd.s32 $0x40, s4;
	v18 =	vunpack.i.u.bf16.f32 v18;
	v21 =	vunpack.i.l.bf16.f32 v13;
	v16 =	vld.idx.msk [tilespmem:v16+s25+$0x0], $0xffff;
	[tilespmem:v1+s21+$0x20 ss:$0x1] =	vst.idx.msk $0xffff, v8;
	v8 =	vmul.f32 v15, v6  }
0xd5: {  	s20 =	sadd.s32 $0x60, s4;
	v13 =	vunpack.i.u.bf16.f32 v13;
	v4 =	vmov s8;
	v15 =	vld.idx.msk [tilespmem:v2+s17+$0xFFFFFF10 ss:$0x1], $0xffff;
	v21 =	vmul.f32 v21, v10;
	[tilespmem:v1+s21+$0x30 ss:$0x1] =	vst.idx.msk $0xffff, v5  }
0xd6: {  	s18 =	sadd.s32 $0x50, s4;
	v10 =	vmul.f32 v13, v10;
	v13 =	vmov s20;
	v5 =	vmul.f32 v18, v6;
	v6 =	vld.idx.msk [tilespmem:v2+s17+$0xFFFFFF30 ss:$0x1], $0xffff;
	[tilespmem:v1+s21+$0x60 ss:$0x1] =	vst.idx.msk $0xffff, v8  }
0xd7: {  	v18 =	vmov s18;
	v8 =	vunpack.i.l.bf16.f32 v7;
	[tilespmem:v1+s21+$0xA0 ss:$0x1] =	vst.idx.msk $0xffff, v21;
	v21 =	vld.idx.msk [tilespmem:v2+s17+$0xFFFFFF90 ss:$0x1], $0xffff;
	v7 =	vunpack.i.u.bf16.f32 v7  }
0xd8: {  	v61 =	vunpack.i.u.bf16.f32 v19;
	v19 =	vunpack.i.l.bf16.f32 v19;
	[tilespmem:v1+s21+$0x70 ss:$0x1] =	vst.idx.msk $0xffff, v5;
	v5 =	vld.idx.msk [tilespmem:v2+s17+$0xFFFFFF70 ss:$0x1], $0xffff;
	v8 =	vmul.f32 v8, v17  }
0xd9: {  	[tilespmem:v1+s21+$0xB0 ss:$0x1] =	vst.idx.msk $0xffff, v10;
	v7 =	vmul.f32 v7, v17;
	v17 =	vmul.f32 v19, v11;
	v10 =	vunpack.i.u.bf16.f32 v12  }
0xda: {  	s29 =	sadd.s32 $0x68, s4;
	v24 =	vunpack.i.l.bf16.f32 v12;
	[tilespmem:v1+s21+$0xE0 ss:$0x1] =	vst.idx.msk $0xffff, v8;
	v8 =	vmul.f32 v10, v16;
	v10 =	vld.idx.msk [tilespmem:v4+s25+$0x0], $0xffff  }
0xdb: {  	s4 =	sadd.s32 $0x70, s4;
	v27 =	vmov s29;
	v12 =	vmul.f32 v24, v16;
	v4 =	vld.idx.msk [tilespmem:v20+s25+$0x0], $0xffff;
	[tilespmem:v1+s21+$0x120 ss:$0x1] =	vst.idx.msk $0xffff, v17  }
0xdc: {  	s18 =	sadd.s32 $0x200, s21;
	v11 =	vmul.f32 v61, v11;
	v19 =	vmov s4;
	[tilespmem:v1+s21+$0xF0 ss:$0x1] =	vst.idx.msk $0xffff, v7;
	v62 =	vunpack.i.u.bf16.f32 v6;
	v7 =	vld.idx.msk [tilespmem:v23+s25+$0x0], $0xffff  }
0xdd: {  	v17 =	vunpack.i.l.bf16.f32 v6;
	v6 =	vld.idx.msk [tilespmem:v13+s25+$0x0], $0xffff;
	[tilespmem:v1+s18+$0x1C0 ss:$0x1] =	vst.idx.msk $0xffff, v12;
	v12 =	vunpack.i.u.bf16.f32 v9;
	v9 =	vunpack.i.l.bf16.f32 v9  }
0xde: {  	v20 =	vunpack.i.u.bf16.f32 v15;
	v15 =	vunpack.i.l.bf16.f32 v15;
	[tilespmem:v1+s18+$0x1D0 ss:$0x1] =	vst.idx.msk $0xffff, v8;
	v9 =	vmul.f32 v9, v14;
	v8 =	vld.idx.msk [tilespmem:v18+s25+$0x0], $0xffff  }
0xdf: {  	[tilespmem:v1+s21+$0x130 ss:$0x1] =	vst.idx.msk $0xffff, v11;
	v13 =	vunpack.i.u.bf16.f32 v21;
	v12 =	vmul.f32 v12, v14;
	v18 =	vunpack.i.u.bf16.f32 v22;
	v14 =	vld.idx.msk [tilespmem:v2+s17+$0x0 ss:$0x1], $0xffff  }
0xe0: {  	v29 =	vld.idx.msk [tilespmem:v2+s10+$0xFFFFFFE0 ss:$0x1], $0xffff;
	v23 =	vunpack.i.u.bf16.f32 v5;
	v28 =	vunpack.i.l.bf16.f32 v5;
	[tilespmem:v1+s21+$0x160 ss:$0x1] =	vst.idx.msk $0xffff, v9;
	v9 =	vmul.f32 v15, v10  }
0xe1: {  	v5 =	vld.idx.msk [tilespmem:v27+s25+$0x0], $0xffff;
	v17 =	vmul.f32 v17, v4;
	v24 =	vmul.f32 v62, v4;
	[tilespmem:v1+s21+$0x170 ss:$0x1] =	vst.idx.msk $0xffff, v12  }
0xe2: {  	v15 =	vunpack.i.l.bf16.f32 v21;
	v12 =	vmul.f32 v20, v10;
	v28 =	vmul.f32 v28, v7;
	[tilespmem:v1+s18+$0x0 ss:$0x1] =	vst.idx.msk $0xffff, v9  }
0xe3: {  	s30 =	smul.u32 $0xAB, s13;
	v22 =	vunpack.i.l.bf16.f32 v22;
	v21 =	vmul.f32 v23, v7;
	v20 =	vmul.f32 v15, v6;
	[tilespmem:v1+s18+$0x40 ss:$0x1] =	vst.idx.msk $0xffff, v17  }
0xe4: {  	v11 =	vld.idx.msk [tilespmem:v19+s25+$0x0], $0xffff;
	[tilespmem:v1+s18+$0x10 ss:$0x1] =	vst.idx.msk $0xffff, v12;
	v9 =	vunpack.i.l.bf16.f32 v14;
	v12 =	vunpack.i.u.bf16.f32 v14;
	v14 =	vmul.f32 v22, v8  }
0xe5: {  	s4 =	sshrl.u32 s30, $0x9;
	v19 =	vmul.f32 v13, v6;
	[tilespmem:v1+s18+$0x50 ss:$0x1] =	vst.idx.msk $0xffff, v24;
	v17 =	vld.idx.msk [tilespmem:v2+s17+$0xFFFFFF20 ss:$0x1], $0xffff;
	v9 =	vmul.f32 v9, v16  }
0xe6: {  	v63 =	vunpack.i.u.bf16.f32 v25;
	s4 =	sand.u32 $0x7F, s4;
	v22 =	vmul.f32 v18, v8;
	v12 =	vmul.f32 v12, v16;
	[tilespmem:v1+s18+$0x80 ss:$0x1] =	vst.idx.msk $0xffff, v14  }
0xe7: {  	s4 =	smul.u32 $0x3, s4;
	v16 =	vmul.f32 v63, v5;
	v14 =	vunpack.i.u.bf16.f32 v29;
	[tilespmem:v1+s18+$0x1E0 ss:$0x1] =	vst.idx.msk $0xffff, v9;
	v9 =	vunpack.i.l.bf16.f32 v25  }
0xe8: {  	v15 =	vld.idx.msk [tilespmem:v2+s17+$0xFFFFFF40 ss:$0x1], $0xffff;
	[tilespmem:v1+s18+$0x1F0 ss:$0x1] =	vst.idx.msk $0xffff, v12;
	v12 =	vunpack.i.l.bf16.f32 v26;
	v18 =	vmul.f32 v9, v5;
	v9 =	vunpack.i.u.bf16.f32 v26  }
0xe9: {  	s7 =	smov.u32 s17;
	s9 =	smov.u32 s21;
	s4 =	ssub.s32 s13, s4;
	[tilespmem:v1+s18+$0x90 ss:$0x1] =	vst.idx.msk $0xffff, v22;
	v13 =	vmul.f32 v12, v11;
	v12 =	vmul.f32 v9, v11;
	v9 =	vunpack.i.l.bf16.f32 v29  }
0xea: {  	s20 =	smov.u32 s18;
	s19 =	sand.u32 $0xFF, s4;
	s4 =	simm.s32 $0x8;
	[tilespmem:v1+s18+$0xC0 ss:$0x1] =	vst.idx.msk $0xffff, v28;
	v22 =	vunpack.i.u.bf16.f32 v17;
	v23 =	vunpack.i.l.bf16.f32 v17;
	v17 =	vld.idx.msk [tilespmem:v2+s17+$0xFFFFFF60 ss:$0x1], $0xffff;
	v9 =	vmul.f32 v9, v3  }
.LBB2_3:
0xeb: {  	s8 =	sadd.s32 s4, s15;
	v23 =	vmul.f32 v23, v10;
	v10 =	vmul.f32 v22, v10;
	[tilespmem:v1+s18+$0xD0 ss:$0x1] =	vst.idx.msk $0xffff, v21  }
0xec: {  	v14 =	vmul.f32 v14, v3;
	v3 =	vmov v11;
	s8 =	sshll.u32 s8, $0x3;
	v21 =	vld.idx.msk [tilespmem:v2+s17+$0xFFFFFF80 ss:$0x1], $0xffff;
	[tilespmem:v1+s18+$0x100 ss:$0x1] =	vst.idx.msk $0xffff, v20  }
0xed: {  	s4 =	sadd.s32 $0x8, s4;
	s29 =	sadd.s32 $0x40, s8;
	s30 =	sadd.s32 $0x78, s8;
	[tilespmem:v1+s18+$0x110 ss:$0x1] =	vst.idx.msk $0xffff, v19  }
0xee: {  	p1 =	slt.u32 s4, $0x48;
	s5 =	sadd.s32 $0x50, s8;
	v20 =	vunpack.i.u.bf16.f32 v15;
	v11 =	vmov s29;
	s29 =	sadd.s32 $0x48, s8;
	v19 =	vmov s30;
	v22 =	vld.idx.msk [tilespmem:v2+s17+$0xFFFFFFA0 ss:$0x1], $0xffff;
	[tilespmem:v1+s18+$0x140 ss:$0x1] =	vst.idx.msk $0xffff, v18  }
0xef: {  	v15 =	vunpack.i.l.bf16.f32 v15;
	v24 =	vmov s5;
	s5 =	sadd.s32 $0x58, s8;
	s30 =	sadd.s32 $0x68, s8;
	v18 =	vmov s29;
	s29 =	sadd.s32 $0x60, s8;
	[tilespmem:v1+s18+$0x150 ss:$0x1] =	vst.idx.msk $0xffff, v16  }
0xf0: {  	v16 =	vmov s5;
	v26 =	vmov s30;
	s5 =	sadd.s32 $0x70, s8;
	v25 =	vmov s29;
	[tilespmem:v1+s18+$0x180 ss:$0x1] =	vst.idx.msk $0xffff, v13  }
0xf1: {  	s17 =	sadd.s32 $0x100, s17;
	v27 =	vunpack.i.u.bf16.f32 v17;
	v17 =	vunpack.i.l.bf16.f32 v17;
	v13 =	vmov s5;
	v28 =	vld.idx.msk [tilespmem:v2+s7+$0xFFFFFFC0 ss:$0x1], $0xffff;
	[tilespmem:v1+s18+$0x190 ss:$0x1] =	vst.idx.msk $0xffff, v12  }
0xf2: {  	v15 =	vmul.f32 v15, v4;
	v12 =	vld.idx.msk [tilespmem:v2+s17+$0xFFFFFFF0 ss:$0x1], $0xffff;
	[tilespmem:v1+s18+$0x20 ss:$0x1] =	vst.idx.msk $0xffff, v23;
	v23 =	vunpack.i.u.bf16.f32 v21;
	v21 =	vunpack.i.l.bf16.f32 v21  }
0xf3: {  	v4 =	vmul.f32 v20, v4;
	v19 =	vld.idx.msk [tilespmem:v19+s25+$0x0], $0xffff;
	[tilespmem:v1+s18+$0x30 ss:$0x1] =	vst.idx.msk $0xffff, v10;
	v10 =	vmul.f32 v17, v8  }
0xf4: {  	v8 =	vmul.f32 v27, v8;
	v20 =	vunpack.i.l.bf16.f32 v22;
	v17 =	vld.idx.msk [tilespmem:v2+s17+$0xFFFFFF10 ss:$0x1], $0xffff;
	[tilespmem:v1+s18+$0x60 ss:$0x1] =	vst.idx.msk $0xffff, v15;
	v15 =	vunpack.i.u.bf16.f32 v22  }
0xf5: {  	v22 =	vld.idx.msk [tilespmem:v2+s17+$0xFFFFFF30 ss:$0x1], $0xffff;
	[tilespmem:v1+s18+$0x70 ss:$0x1] =	vst.idx.msk $0xffff, v4;
	v4 =	vmul.f32 v21, v7;
	v7 =	vmul.f32 v23, v7  }
0xf6: {  	v20 =	vmul.f32 v20, v6;
	v6 =	vmul.f32 v15, v6;
	v21 =	vld.idx.msk [tilespmem:v2+s17+$0xFFFFFF50 ss:$0x1], $0xffff;
	[tilespmem:v1+s18+$0xA0 ss:$0x1] =	vst.idx.msk $0xffff, v10  }
0xf7: {  	v10 =	vunpack.i.l.bf16.f32 v28;
	v15 =	vld.idx.msk [tilespmem:v2+s17+$0xFFFFFF70 ss:$0x1], $0xffff;
	[tilespmem:v1+s18+$0xB0 ss:$0x1] =	vst.idx.msk $0xffff, v8;
	v8 =	vunpack.i.u.bf16.f32 v28  }
0xf8: {  	v27 =	vunpack.i.l.bf16.f32 v12;
	v28 =	vmul.f32 v10, v5;
	v23 =	vld.idx.msk [tilespmem:v2+s17+$0xFFFFFF90 ss:$0x1], $0xffff;
	v5 =	vmul.f32 v8, v5  }
0xf9: {  	v8 =	vunpack.i.u.bf16.f32 v12;
	v12 =	vmul.f32 v27, v19;
	v29 =	vld.idx.msk [tilespmem:v2+s17+$0xFFFFFFB0 ss:$0x1], $0xffff;
	[tilespmem:v1+s18+$0xE0 ss:$0x1] =	vst.idx.msk $0xffff, v4  }
0xfa: {  	v27 =	vunpack.i.u.bf16.f32 v17;
	v17 =	vunpack.i.l.bf16.f32 v17;
	v8 =	vmul.f32 v8, v19;
	s18 =	sadd.s32 $0x200, s18;
	v30 =	vld.idx.msk [tilespmem:v2+s17+$0xFFFFFFD0 ss:$0x1], $0xffff;
	[tilespmem:v1+s20+$0xF0 ss:$0x1] =	vst.idx.msk $0xffff, v7  }
0xfb: {  	v10 =	vld.idx.msk [tilespmem:v11+s25+$0x0], $0xffff;
	v11 =	vunpack.i.u.bf16.f32 v22;
	v22 =	vunpack.i.l.bf16.f32 v22;
	[tilespmem:v1+s18+$0x1C0 ss:$0x1] =	vst.idx.msk $0xffff, v12  }
0xfc: {  	v12 =	vunpack.i.u.bf16.f32 v21;
	v4 =	vld.idx.msk [tilespmem:v18+s25+$0x0], $0xffff;
	v18 =	vunpack.i.l.bf16.f32 v21;
	[tilespmem:v1+s18+$0x1D0 ss:$0x1] =	vst.idx.msk $0xffff, v8  }
0xfd: {  	v21 =	vunpack.i.u.bf16.f32 v15;
	v15 =	vunpack.i.l.bf16.f32 v15;
	v31 =	vld.idx.msk [tilespmem:v2+s17+$0x0 ss:$0x1], $0xffff;
	[tilespmem:v1+s20+$0x120 ss:$0x1] =	vst.idx.msk $0xffff, v20  }
0xfe: {  	v20 =	vunpack.i.l.bf16.f32 v23;
	v8 =	vld.idx.msk [tilespmem:v24+s25+$0x0], $0xffff;
	v24 =	vunpack.i.u.bf16.f32 v23;
	[tilespmem:v1+s20+$0x130 ss:$0x1] =	vst.idx.msk $0xffff, v6  }
0xff: {  	v23 =	vunpack.i.l.bf16.f32 v29;
	v7 =	vld.idx.msk [tilespmem:v16+s25+$0x0], $0xffff;
	v16 =	vunpack.i.u.bf16.f32 v29;
	[tilespmem:v1+s20+$0x160 ss:$0x1] =	vst.idx.msk $0xffff, v28  }
0x100: {  	v28 =	vunpack.i.l.bf16.f32 v30;
	v6 =	vld.idx.msk [tilespmem:v25+s25+$0x0], $0xffff;
	v25 =	vunpack.i.u.bf16.f32 v30;
	[tilespmem:v1+s20+$0x170 ss:$0x1] =	vst.idx.msk $0xffff, v5  }
0x101: {  	v17 =	vmul.f32 v17, v10;
	v27 =	vmul.f32 v27, v10;
	v5 =	vld.idx.msk [tilespmem:v26+s25+$0x0], $0xffff;
	[tilespmem:v1+s9+$0x1A0 ss:$0x1] =	vst.idx.msk $0xffff, v9  }
0x102: {  	v9 =	vmul.f32 v22, v4;
	v22 =	vmul.f32 v11, v4;
	v11 =	vld.idx.msk [tilespmem:v13+s25+$0x0], $0xffff;
	[tilespmem:v1+s9+$0x1B0 ss:$0x1] =	vst.idx.msk $0xffff, v14;
	s9 =	smov.u32 s20;
	s20 =	smov.u32 s18  }
0x103: {  	v13 =	vunpack.i.l.bf16.f32 v31;
	[tilespmem:v1+s18+$0x0 ss:$0x1] =	vst.idx.msk $0xffff, v17;
	v17 =	vld.idx.msk [tilespmem:v2+s7+$0xFFFFFFE0 ss:$0x1], $0xffff;
	s7 =	smov.u32 s17  }
0x104: {  	v14 =	vmul.f32 v18, v8;
	v18 =	vunpack.i.u.bf16.f32 v31;
	v13 =	vmul.f32 v13, v19;
	[tilespmem:v1+s18+$0x10 ss:$0x1] =	vst.idx.msk $0xffff, v27  }
0x105: {  	v26 =	vld.idx.msk [tilespmem:v2+s17+$0xFFFFFF20 ss:$0x1], $0xffff;
	[tilespmem:v1+s18+$0x40 ss:$0x1] =	vst.idx.msk $0xffff, v9;
	v9 =	vmul.f32 v12, v8;
	v12 =	vmul.f32 v18, v19  }
0x106: {  	v27 =	vmul.f32 v15, v7;
	v21 =	vmul.f32 v21, v7;
	[tilespmem:v1+s18+$0x1E0 ss:$0x1] =	vst.idx.msk $0xffff, v13  }
.Ltmp0:
0x107: {  	v20 =	vmul.f32 v20, v6;
	v19 =	vmul.f32 v24, v6;
	[tilespmem:v1+s18+$0x1F0 ss:$0x1] =	vst.idx.msk $0xffff, v12;
	(pc) =	sbr.rel @p1 .LBB2_3-.Ltmp0, $4  }
0x108: {  	v18 =	vmul.f32 v23, v5;
	v16 =	vmul.f32 v16, v5;
	[tilespmem:v1+s18+$0x50 ss:$0x1] =	vst.idx.msk $0xffff, v22  }
0x109: {  	v13 =	vmul.f32 v28, v11;
	v12 =	vmul.f32 v25, v11;
	v15 =	vld.idx.msk [tilespmem:v2+s17+$0xFFFFFF40 ss:$0x1], $0xffff;
	[tilespmem:v1+s18+$0x80 ss:$0x1] =	vst.idx.msk $0xffff, v14  }
0x10a: {  	v14 =	vunpack.i.u.bf16.f32 v17;
	[tilespmem:v1+s18+$0x90 ss:$0x1] =	vst.idx.msk $0xffff, v9;
	v9 =	vunpack.i.l.bf16.f32 v17  }
0x10b: {  	v22 =	vunpack.i.u.bf16.f32 v26;
	v23 =	vunpack.i.l.bf16.f32 v26;
	v17 =	vld.idx.msk [tilespmem:v2+s17+$0xFFFFFF60 ss:$0x1], $0xffff;
	[tilespmem:v1+s18+$0xC0 ss:$0x1] =	vst.idx.msk $0xffff, v27;
	v9 =	vmul.f32 v9, v3  }
0x10c: {  	_ =	sdelay $0x3  }
0x10d: {  	[tilespmem:v1+s18+$0xD0 ss:$0x1] =	vst.idx.msk $0xffff, v21  }
0x10e: {  	[tilespmem:v1+s18+$0x100 ss:$0x1] =	vst.idx.msk $0xffff, v20  }
0x10f: {  	[tilespmem:v1+s18+$0x140 ss:$0x1] =	vst.idx.msk $0xffff, v18  }
0x110: {  	[tilespmem:v1+s18+$0x180 ss:$0x1] =	vst.idx.msk $0xffff, v13  }
0x111: {  	[tilespmem:v1+s18+$0x110 ss:$0x1] =	vst.idx.msk $0xffff, v19  }
0x112: {  	[tilespmem:v1+s18+$0x150 ss:$0x1] =	vst.idx.msk $0xffff, v16  }
0x113: {  	v43 =	vmul.f32 v23, v10;
	[tilespmem:v1+s18+$0x190 ss:$0x1] =	vst.idx.msk $0xffff, v12  }
0x114: {  	v3 =	vmul.f32 v14, v3;
	v44 =	vld.idx.msk [tilespmem:v2+s17+$0xFFFFFF80 ss:$0x1], $0xffff;
	[tilespmem:v1+s9+$0x1A0 ss:$0x1] =	vst.idx.msk $0xffff, v9  }
0x115: {  	v45 =	vmul.f32 v22, v10;
	v46 =	vunpack.i.l.bf16.f32 v15;
	[tilespmem:v1+s18+$0x20 ss:$0x1] =	vst.idx.msk $0xffff, v43  }
0x116: {  	v47 =	vunpack.i.u.bf16.f32 v15;
	v48 =	vld.idx.msk [tilespmem:v2+s17+$0xFFFFFFA0 ss:$0x1], $0xffff;
	[tilespmem:v1+s9+$0x1B0 ss:$0x1] =	vst.idx.msk $0xffff, v3;
	v13 =	vmul.f32 v46, v4  }
0x117: {  	v52 =	vld.idx.msk [tilespmem:v2+s7+$0xFFFFFFC0 ss:$0x1], $0xffff;
	[tilespmem:v1+s18+$0x30 ss:$0x1] =	vst.idx.msk $0xffff, v45;
	v50 =	vmul.f32 v47, v4;
	v49 =	vunpack.i.l.bf16.f32 v17  }
0x118: {  	v51 =	vunpack.i.u.bf16.f32 v17;
	v16 =	vmul.f32 v49, v8;
	[tilespmem:v1+s18+$0x60 ss:$0x1] =	vst.idx.msk $0xffff, v13  }
0x119: {  	v54 =	vmul.f32 v51, v8;
	v53 =	vunpack.i.l.bf16.f32 v44;
	[tilespmem:v1+s18+$0x70 ss:$0x1] =	vst.idx.msk $0xffff, v50  }
0x11a: {  	v2 =	vld.idx.msk [tilespmem:v2+s7+$0xFFFFFFE0 ss:$0x1], $0xffff;
	v55 =	vunpack.i.u.bf16.f32 v44;
	v56 =	vmul.f32 v53, v7;
	[tilespmem:v1+s18+$0xA0 ss:$0x1] =	vst.idx.msk $0xffff, v16  }
0x11b: {  	v57 =	vunpack.i.l.bf16.f32 v48;
	v4 =	vmul.f32 v55, v7;
	[tilespmem:v1+s18+$0xB0 ss:$0x1] =	vst.idx.msk $0xffff, v54  }
0x11c: {  	v61 =	vunpack.i.l.bf16.f32 v52;
	v59 =	vmul.f32 v57, v6;
	[tilespmem:v1+s18+$0xE0 ss:$0x1] =	vst.idx.msk $0xffff, v56  }
0x11d: {  	v62 =	vunpack.i.u.bf16.f32 v52;
	v7 =	vmul.f32 v61, v5;
	[tilespmem:v1+s20+$0xF0 ss:$0x1] =	vst.idx.msk $0xffff, v4  }
0x11e: {  	s13 =	sadd.s32 $0x1, s13;
	v58 =	vunpack.i.u.bf16.f32 v48;
	[tilespmem:v1+s20+$0x120 ss:$0x1] =	vst.idx.msk $0xffff, v59;
	v4 =	vmul.f32 v62, v5  }
0x11f: {  	s4 =	smul.u32 $0x5000, s19;
	p1 =	sne.s32 s13, $0xFA;
	v63 =	vunpack.i.l.bf16.f32 v2;
	v60 =	vmul.f32 v58, v6;
	[tilespmem:v1+s20+$0x160 ss:$0x1] =	vst.idx.msk $0xffff, v7  }
.Ltmp1:
0x120: {  	v2 =	vunpack.i.u.bf16.f32 v2;
	[tilespmem:v1+s20+$0x170 ss:$0x1] =	vst.idx.msk $0xffff, v4;
	v4 =	vmul.f32 v63, v11;
	(pc) =	sbr.rel @p1 .LBB2_2-.Ltmp1, $4  }
0x121: {  	v2 =	vmul.f32 v2, v11;
	[tilespmem:v1+s20+$0x130 ss:$0x1] =	vst.idx.msk $0xffff, v60  }
0x122: {  	s11 =	sadd.s32 $0x1, s11;
	s4 =	sshrl.u32 s4, $0x2;
	[tilespmem:v1+s20+$0x1A0 ss:$0x1] =	vst.idx.msk $0xffff, v4  }
0x123: {  	s21 =	sadd.s32 $0x1400, s21;
	s10 =	sadd.s32 $0xA00, s10;
	s4 =	sadd.s32 $0x11260, s4;
	[tilespmem:v1+s20+$0x1B0 ss:$0x1] =	vst.idx.msk $0xffff, v2  }
0x124: {  	[spmem:s1] =	stream.indirect.scatter.add.f32 [tilespmem:s4], [sflag:$0x2], $0x40, s14, s28, $0xb8;
	[tilespmem:$0x1FE28] =	vst v63  }
0x125: {  	_ =	swait.ge [sflag:s0], $0x1400  }
0x126: {  	[sflag:s0] =	ssyncset.done $0x0  }
0x127: {  	[sflag:s0] =	ssyncadd.s32 $0xFFFFEC00  }
0x128: {  	_ =	swait.ge [sflag:s0], $0x1400  }
0x129: {  	[sflag:s0] =	ssyncset.done $0x0  }
0x12a: {  	[sflag:s0] =	ssyncadd.s32 $0xFFFFEC00  }
0x12b: {  	_ =	swait.ge [sflag:s0], $0x1400  }
0x12c: {  	[sflag:s0] =	ssyncset.done $0x0  }
0x12d: {  	[sflag:s0] =	ssyncadd.s32 $0xFFFFEC00  }
0x12e: {  	_ =	swait.ge [sflag:s3], $0x280  }
0x12f: {  	[sflag:s3] =	ssyncset.done $0x0  }
0x130: {  	[sflag:s3] =	ssyncadd.s32 $0xFFFFFD80  }
0x131: {  	_ =	swait.ge [sflag:s3], $0x280  }
0x132: {  	[sflag:s3] =	ssyncset.done $0x0  }
0x133: {  	[sflag:s3] =	ssyncadd.s32 $0xFFFFFD80  }
0x134: {  	_ =	swait.ge [sflag:s3], $0x280  }
0x135: {  	[sflag:s3] =	ssyncset.done $0x0  }
0x136: {  	[sflag:s3] =	ssyncadd.s32 $0xFFFFFD80  }
0x137: {  	_ =	swait.ge [sflag:s3], $0x280  }
0x138: {  	[sflag:s3] =	ssyncset.done $0x0  }
0x139: {  	[sflag:s3] =	ssyncadd.s32 $0xFFFFFD80  }
0x13a: {  	[bflag:$0x0] =	sbarrier.arrive $0xFFFF  }
0x13b: {  	s4 =	rddreg [dreg:$0xf]  }
0x13c: {  	s5 =	rddreg [dreg:$0x16]  }
0x13d: {  	[hbm:s4], [sflag:s12] =	dma.local [spmem:s5], $0x1380  }
0x13e: {  	s4 =	rddreg [dreg:$0x10]  }
0x13f: {  	[hbm:s4], [sflag:s12] =	dma.local [spmem:s6], $0x270  }
0x140: {  	s4 =	simm.s32 @p0 $0x4  }
0x141: {  	_ =	swait.ge @p0 [sflag:s4], $0x1380  }
0x142: {  	[sflag:s4] =	ssyncset.done @p0 $0x0  }
0x143: {  	[sflag:s4] =	ssyncadd.s32 @p0 $0xFFFFEC80  }
0x144: {  	_ =	swait.ge @p0 [sflag:s4], $0x270  }
0x145: {  	[sflag:s4] =	ssyncset.done @p0 $0x0;
	s5 =	rddreg [dreg:$0x14]  }
0x146: {  	[sflag:s4] =	ssyncadd.s32 @p0 $0xFFFFFD90;
	s4 =	rddreg [dreg:$0x11]  }
0x147: {  	[hbm:s4], [sflag:s12] =	dma.local @!p0 [spmem:s5], $0x80  }
0x148: {  	s4 =	rddreg [dreg:$0x12]  }
0x149: {  	s5 =	rddreg [dreg:$0x15]  }
0x14a: {  	[hbm:s4], [sflag:s12] =	dma.local @!p0 [spmem:s5], $0x10  }
0x14b: {  	s4 =	simm.s32 @!p0 $0x4  }
0x14c: {  	_ =	swait.ge @!p0 [sflag:s4], $0x1380  }
0x14d: {  	[sflag:s4] =	ssyncset.done @!p0 $0x0  }
0x14e: {  	[sflag:s4] =	ssyncadd.s32 @!p0 $0xFFFFEC80  }
0x14f: {  	_ =	swait.ge @!p0 [sflag:s4], $0x270  }
0x150: {  	[sflag:s4] =	ssyncset.done @!p0 $0x0  }
0x151: {  	[sflag:s4] =	ssyncadd.s32 @!p0 $0xFFFFFD90  }
0x152: {  	_ =	swait.ge @!p0 [sflag:s4], $0x80  }
0x153: {  	[sflag:s4] =	ssyncset.done @!p0 $0x0  }
0x154: {  	[sflag:s4] =	ssyncadd.s32 @!p0 $0xFFFFFF80  }
0x155: {  	_ =	swait.ge @!p0 [sflag:s4], $0x10  }
0x156: {  	s22 =	sadd.s32 $0x1, s22;
	s30 =	rddreg [dreg:$0x13]  }
0x157: {  	p1 =	sne.s32 s22, s30  }
.Ltmp2:
0x158: {  	_ = 	snop;
	(pc) =	sbr.rel @p1 .LBB2_1-.Ltmp2, $3  }
0x159: {  	_ =	sdelay $0x1  }
0x15a: {  	[sflag:s4] =	ssyncset.done @!p0 $0x0  }
0x15b: {  	[sflag:s4] =	ssyncadd.s32 @!p0 $0xFFFFFFF0  }
0x15c: {  	_ =	sfence.sel $0x180000  }
0x15d: {  	[bflag:$0x0] =	sbarrier.arrive $0xFFFF  }
0x15e: {  	_ =	strace $0x9000004A  }
0x15f: {  	s0 =	stileid.u32;
	[bflag:$0x2] =	sbarrier.arrive $0xFFFF  }
0x160: {  	p0 =	sne.s32 s0, $0x0;
	s0 =	rddreg [dreg:$0x4]  }
0x161: {  	s0 =	sadd.s32 @!p0 $0x100000, s0  }
0x162: {  	[sflag:s0] =	ssyncadd.tile.s32 @!p0 $0x1;
	_ =	shalt  }
.Lfunc_end2:
_tile_overlayer_lowered:
.L_overlay_start_2:
0x163: {  	(tag) =	ssettag $0x2  }
0x164: {  	s0 =	rddreg [dreg:$0x0];
	s2 =	stileid.u32  }
0x165: {  	s1 =	rddreg [dreg:$0x1];
	p0 =	sne.s32 s2, $0x0  }
0x166: {  	s3 =	rddreg [dreg:$0x2];
	[bflag:$0x3] =	sbarrier.arrive $0xFFFF;
	s2 =	simm.s32 @!p0 $0x1C05  }
0x167: {  	[timem:s3], [sflag:s2] =	dma.local @!p0 [hbm:s0], s1  }
0x168: {  	s0 =	simm.s32 @!p0 $0x5  }
0x169: {  	_ =	swait.ge @!p0 [sflag:s0], s1  }
0x16a: {  	s1 =	ssub.s32 @!p0 $0x0, s1;
	[sflag:s0] =	ssyncset.done @!p0 $0x0  }
0x16b: {  	[sflag:s0] =	ssyncadd.s32 @!p0 s1  }
0x16c: {  	[bflag:$0x3] =	sbarrier.arrive $0xFFFF  }
0x16d: {  	_ =	shalt  }

// kernel: kernel.7.cloned.1.call-start
scs
__scs_entry_jumppad:
0x0: {  	(pc) =	sbr.rel $0x88, $3  }
0x1: {  	(tag) =	ssettag $0x0;
	lr =	simm.s32 $0x1  }
0x2: {  	[smem:$0x3F97] =	sst lr;
	_ =	strace $0xD0000000  }
0x3: {  	_ = 	snop  }
0x4: {  	_ = 	snop  }
0x5: {  	_ = 	snop  }
0x6: {  	_ = 	snop  }
0x7: {  	_ = 	snop  }
__scs_overlays_trampoline_lowered:
0x8: {  	[smem:$0x3FA6] =	sst s0  }
0x9: {  	[smem:$0x3FA7] =	sst s1  }
0xa: {  	[smem:$0x3FA8] =	sst s2  }
0xb: {  	[smem:$0x3FA9] =	sst s3  }
0xc: {  	[smem:$0x3FAA] =	sst s4  }
0xd: {  	[smem:$0x3FAB] =	sst s5  }
0xe: {  	[smem:$0x3FAC] =	sst s6  }
0xf: {  	[smem:$0x3FAD] =	sst s7  }
0x10: {  	[smem:$0x3FAE] =	sst s8  }
0x11: {  	[smem:$0x3FAF] =	sst s9;
	s0 =	simm.s32 @!p0 $0x0  }
0x12: {  	s1 =	sld [smem:$0x3F95];
	s0 =	simm.s32 @p0 $0x1  }
0x13: {  	[smem:$0x3FB0] =	sst s0;
	s0 =	simm.s32 @!p1 $0x0  }
0x14: {  	s2 =	sld [smem:$0x3F94];
	s0 =	simm.s32 @p1 $0x1  }
0x15: {  	[smem:$0x3FB1] =	sst s0;
	s0 =	simm.s32 @!p2 $0x0  }
0x16: {  	s3 =	sld [smem:$0x3FDB];
	s0 =	simm.s32 @p2 $0x1  }
0x17: {  	s4 =	simm.s32 $0x1BF5;
	[smem:$0x3FB3] =	sst s0  }
0x18: {  	s0 =	sld [smem:$0x3F96];
	_ =	swait.ge [sflag:s4], $0x0  }
0x19: {  	s7 =	sld [smem:$0x3F97]  }
0x1a: {  	s8 =	sadd.s32 $0xFFFFE003, lr  }
0x1b: {  	s9 =	sadd.s32 $0xFFFFFEF7, lr;
	s5 =	simm.s32 $0xFFFFFFFF;
	p2 =	slt.u32 s8, $0xFFFFF086  }
0x1c: {  	p1 =	slt.u32 s9, $0xF7A;
	s5 =	simm.s32 @!p2 $0x0  }
0x1d: {  	s5 =	simm.s32 @p1 $0x1;
	p0 =	seq.s32 s7, s2  }
0x1e: {  	s7 =	smul.u32 @!p0 $0xF7A, s2;
	p2 =	seq.s32 @!p0 s5, $0x0  }
0x1f: {  	s9 =	smul.u32 $0xF7A, s1;
	s8 =	simm.s32 @!p0 $0x1BF5;
	p2 =	por !p2, p0  }
0x20: {  	[sflag:s8] =	ssyncset.s32 @!p0 $0xFFFFF086;
	s6 =	sadd.s32 @!p0 s3, s7;
	s7 =	simm.s32 @!p0 $0x108  }
0x21: {  	s3 =	sadd.s32 s3, s9;
	s6 =	sadd.s32 @!p0 $0x88, s6;
	s7 =	simm.s32 @p2 $0x1082  }
0x22: {  	[simem:s7], [sflag:s8] =	dma.local @!p0 [hbm:s6], $0xF7A  }
0x23: {  	s9 =	sor.u32 $0xD0000000, s2;
	s6 =	simm.s32 $0x108;
	_ =	swait.ge @!p0 [sflag:s8], $0x0  }
0x24: {  	s3 =	sadd.s32 $0x88, s3;
	s6 =	simm.s32 @!p1 $0x1082;
	[sflag:s4] =	ssyncset.s32 $0xFFFFF086  }
0x25: {  	[simem:s6], [sflag:s4] =	dma.local [hbm:s3], $0xF7A  }
0x26: {  	[smem:$0x3F97] =	sst s1;
	(tag) =	ssettag s2;
	_ =	strace s9  }
0x27: {  	s1 =	sld [smem:$0x3FA7]  }
0x28: {  	s2 =	sld [smem:$0x3FA8]  }
0x29: {  	s4 =	sld [smem:$0x3FAA]  }
0x2a: {  	p0 =	seq.s32 s5, $0x0;
	s5 =	sld [smem:$0x3FAB]  }
0x2b: {  	s6 =	sld [smem:$0x3FAC]  }
0x2c: {  	s7 =	sld [smem:$0x3FAD]  }
0x2d: {  	s3 =	simm.s32 $0x108;
	s8 =	sld [smem:$0x3FAE]  }
0x2e: {  	s3 =	simm.s32 @!p0 $0x1082;
	s9 =	sld [smem:$0x3FAF]  }
0x2f: {  	lr =	sadd.s32 s0, s3;
	s0 =	sld [smem:$0x3FA6]  }
0x30: {  	s3 =	sld [smem:$0x3FA9]  }
0x31: {  	[smem:$0x3FB2] =	sst s10  }
0x32: {  	s10 =	sld [smem:$0x3FB0];
	_ =	sdelay $0x3  }
0x33: {  	p0 =	seq.s32 s10, $0x1;
	s10 =	sld [smem:$0x3FB2];
	_ =	sdelay $0x3  }
0x34: {  	[smem:$0x3FB2] =	sst s10  }
0x35: {  	s10 =	sld [smem:$0x3FB1];
	_ =	sdelay $0x3  }
0x36: {  	p1 =	seq.s32 s10, $0x1;
	s10 =	sld [smem:$0x3FB2];
	_ =	sdelay $0x3  }
0x37: {  	[smem:$0x3FB2] =	sst s10  }
0x38: {  	s10 =	sld [smem:$0x3FB3]  }
0x39: {  	_ = 	snop;
	(pc) =	sbr.ind lr, $3  }
0x3a: {  	_ = 	snop  }
0x3b: {  	_ = 	snop  }
0x3c: {  	p2 =	seq.s32 s10, $0x1;
	s10 =	sld [smem:$0x3FB2]  }
0x3d: {  	_ =	shalt  }
0x3e: {  	_ =	shalt  }
0x3f: {  	_ =	shalt  }
0x40: {  	_ =	shalt  }
0x41: {  	_ =	shalt  }
0x42: {  	_ =	shalt  }
0x43: {  	_ =	shalt  }
0x44: {  	_ =	shalt  }
0x45: {  	_ =	shalt  }
0x46: {  	_ =	shalt  }
0x47: {  	_ =	shalt  }
0x48: {  	_ =	shalt  }
0x49: {  	_ =	shalt  }
0x4a: {  	_ =	shalt  }
0x4b: {  	_ =	shalt  }
0x4c: {  	_ =	shalt  }
0x4d: {  	_ =	shalt  }
0x4e: {  	_ =	shalt  }
0x4f: {  	_ =	shalt  }
0x50: {  	_ =	shalt  }
0x51: {  	_ =	shalt  }
0x52: {  	_ =	shalt  }
0x53: {  	_ =	shalt  }
0x54: {  	_ =	shalt  }
0x55: {  	_ =	shalt  }
0x56: {  	_ =	shalt  }
0x57: {  	_ =	shalt  }
0x58: {  	_ =	shalt  }
0x59: {  	_ =	shalt  }
0x5a: {  	_ =	shalt  }
0x5b: {  	_ =	shalt  }
0x5c: {  	_ =	shalt  }
0x5d: {  	_ =	shalt  }
0x5e: {  	_ =	shalt  }
0x5f: {  	_ =	shalt  }
0x60: {  	_ =	shalt  }
0x61: {  	_ =	shalt  }
0x62: {  	_ =	shalt  }
0x63: {  	_ =	shalt  }
0x64: {  	_ =	shalt  }
0x65: {  	_ =	shalt  }
0x66: {  	_ =	shalt  }
0x67: {  	_ =	shalt  }
0x68: {  	_ =	shalt  }
0x69: {  	_ =	shalt  }
0x6a: {  	_ =	shalt  }
0x6b: {  	_ =	shalt  }
0x6c: {  	_ =	shalt  }
0x6d: {  	_ =	shalt  }
0x6e: {  	_ =	shalt  }
0x6f: {  	_ =	shalt  }
0x70: {  	_ =	shalt  }
0x71: {  	_ =	shalt  }
0x72: {  	_ =	shalt  }
0x73: {  	_ =	shalt  }
0x74: {  	_ =	shalt  }
0x75: {  	_ =	shalt  }
0x76: {  	_ =	shalt  }
0x77: {  	_ =	shalt  }
0x78: {  	_ =	shalt  }
0x79: {  	_ =	shalt  }
0x7a: {  	_ =	shalt  }
0x7b: {  	_ =	shalt  }
0x7c: {  	_ =	shalt  }
0x7d: {  	_ =	shalt  }
0x7e: {  	_ =	shalt  }
0x7f: {  	_ =	shalt  }
0x80: {  	_ =	shalt  }
0x81: {  	_ =	shalt  }
0x82: {  	_ =	shalt  }
0x83: {  	_ =	shalt  }
0x84: {  	_ =	shalt  }
0x85: {  	_ =	shalt  }
0x86: {  	_ =	shalt  }
0x87: {  	_ =	shalt  }
.Lfunc_end0:
.L_simem_size_0:
called_computation_lowered:
.L_overlay_start_0:
0x88: {  	s2 =	sld [smem:$0x3FD9]  }
0x89: {  	s3 =	sld [smem:$0x3FFE];
	_ =	sdelay $0x1  }
0x8a: {  	s1 =	srdreg.scid  }
0x8b: {  	s0 =	sand.u32 $0x1, s1  }
0x8c: {  	s16 =	sshll.u32 s0, $0xA;
	s2 =	sadd.s32 s3, s2  }
0x8d: {  	s2 =	sadd.s32 s2, s16  }
0x8e: {  	[smem:$0x3FBE] =	sst s2  }
0x8f: {  	_ = 	snop  }
0x90: {  	(tm) =	ssettm $0x1  }
0x91: {  	s17 =	sld [smem:$0x3FFB];
	_ =	sdelay $0x3  }
0x92: {  	_ =	strace s17  }
0x93: {  	s2 =	sld [smem:$0x3FFC];
	_ =	sdelay $0x3  }
0x94: {  	_ =	strace s2  }
0x95: {  	s2 =	sld [smem:$0x3FFD];
	_ =	sdelay $0x3  }
0x96: {  	_ =	strace s2  }
0x97: {  	_ =	strace $0x8FFFFFFF  }
0x98: {  	s18 =	sld [smem:$0x3FDB];
	_ =	sdelay $0x1  }
0x99: {  	s19 =	simm.s32 $_scs_section_size  }
0x9a: {  	s4 =	simm.s32 $_size__tile_overlayer_lowered;
	s5 =	simm.s32 $_tile_overlayer_lowered  }
0x9b: {  	s22 =	simm.s32 $0x1BFF;
	s21 =	sshll.u32 s5, $0x1;
	s2 =	sadd.s32 s19, s18  }
0x9c: {  	s6 =	simm.s32 $0x0;
	s20 =	sshll.u32 s4, $0x1;
	s4 =	sadd.s32 s21, s2  }
0x9d: {  	[timem:s6], [sflag:s22] =	dma.local [hbm:s4], s20  }
0x9e: {  	_ =	swait.ge [sflag:s22], s20  }
0x9f: {  	s3 =	ssub.s32 $0x0, s20;
	[sflag:s22] =	ssyncset.done $0x0  }
0xa0: {  	[sflag:s22] =	ssyncadd.s32 s3;
	_ =	sdelay $0x1  }
0xa1: {  	s23 =	simm.s32 $0x1B8B  }
0xa2: {  	_ =	swait.ge [sflag:s23], $0x1  }
0xa3: {  	[sflag:s23] =	ssyncset.done $0x0  }
0xa4: {  	s25 =	simm.s32 $0x1B8E;
	s24 =	sld [smem:$0x3FFE];
	[sflag:s23] =	ssyncadd.s32 $0xFFFFFFFF  }
0xa5: {  	s26 =	simm.s32 $execute0_lowered;
	[smem:$0x3FD2] =	sst s25  }
0xa6: {  	s4 =	sshll.u32 s26, $0x1;
	_ =	strace $0x80000046;
	[dreg:$0x1] =	wrdreg $0xFFFFFFFF  }
0xa7: {  	s28 =	simm.s32 $_size_execute0_lowered;
	s2 =	sadd.s32 s2, s4;
	[dreg:$0x0] =	wrdreg $0x0  }
0xa8: {  	s4 =	sshll.u32 s28, $0x1;
	[dreg:$0x2] =	wrdreg s2  }
0xa9: {  	[dreg:$0x3] =	wrdreg s4  }
0xaa: {  	[dreg:$0x4] =	wrdreg $0xC0  }
0xab: {  	_ =	task [dreg:s6], $0x5FFFF  }
0xac: {  	[dreg:$0x1] =	wrdreg $0xFFFFFFFF  }
0xad: {  	[dreg:$0x0] =	wrdreg $0x60  }
0xae: {  	[dreg:$0x2] =	wrdreg s24  }
0xaf: {  	[dreg:$0x3] =	wrdreg $0x14E600  }
0xb0: {  	[dreg:$0x4] =	wrdreg $0x1EAA00  }
0xb1: {  	[dreg:$0x5] =	wrdreg $0x9  }
0xb2: {  	_ =	task.clear_ibuf [dreg:s6], $0x6FFFF;
	_ =	strace $0x90000046  }
0xb3: {  	s29 =	simm.s32 $0x9;
	_ =	strace $0x80000048  }
0xb4: {  	_ =	swait.ge [sflag:s29], $0x1  }
0xb5: {  	[sflag:s29] =	ssyncadd.s32 $0xFFFFFFFF  }
0xb6: {  	_ =	strace $0x90000048  }
0xb7: {  	_ =	sfence  }
0xb8: {  	s30 =	sld [smem:$0x0];
	_ =	sdelay $0x2  }
0xb9: {  	s31 =	sshll.u32 s1, $0xD;
	s1 =	sshrl.u32 s1, $0x2  }
0xba: {  	s3 =	sand.u32 $0x4000, s31;
	s1 =	sadd.s32 s1, s30  }
0xbb: {  	s0 =	sor.u32 s3, s0;
	s1 =	sshll.u32 s1, $0x11  }
0xbc: {  	s0 =	sor.u32 s1, s0  }
0xbd: {  	s0 =	sadd.s32 $0x8F2B, s0  }
0xbe: {  	[sflag:s0] =	ssyncadd.remote.s32 $0x1  }
0xbf: {  	_ =	sfence.sel $0xFFFF  }
0xc0: {  	[dreg:$0x0] =	wrdreg $0xFFFFFFFF;
	(pc) =	sbr.abs _section_cstart, $3  }
0xc1: {  	[dreg:$0x1] =	wrdreg $0xFFFFFFFF  }
0xc2: {  	_ =	task.clear_ibuf [dreg:s6], $0x2FFFF;
	_ =	strace $0x9FFFFFFF  }
0xc3: {  	(tm) =	ssettm $0x7FFFFFFF  }
tec
execute0_lowered:
.L_overlay_start_1:
0x0: {  	(tag) =	ssettag $0x1  }
0x1: {  	s0 =	rddreg [dreg:$0x0]  }
0x2: {  	s1 =	rddreg [dreg:$0x1]  }
0x3: {  	s2 =	srdreg.scid;
	s3 =	rddreg [dreg:$0x2]  }
0x4: {  	s5 =	simm.s32 $0x0;
	s8 =	stileid.u32;
	s28 =	simm.s32 $0x50  }
0x5: {  	s31 =	simm.s32 $0x1;
	s2 =	sand.u32 $0x1, s2;
	[smem:$0x7FF] =	sst s5  }
0x6: {  	s6 =	smul.u32 $0x9C4, s8;
	s7 =	sadd.s32 $0x3B800, s0;
	s15 =	sadd.s32 $0x3BE00, s0  }
0x7: {  	s16 =	sadd.s32 $0x50200, s0;
	s17 =	sadd.s32 $0x4FE00, s0;
	s9 =	sadd.s32 $0x51600, s0  }
0x8: {  	s11 =	smul.u32 $0x9C00, s8;
	_ =	strace $0x80000047;
	[dreg:$0x4] =	wrdreg s7  }
0x9: {  	s19 =	smul.u32 $0x1380, s8;
	s20 =	sshll.u32 s8, $0x6;
	[dreg:$0x5] =	wrdreg s15  }
0xa: {  	s23 =	sadd.s32 $0x9C000, s1;
	s25 =	sadd.s32 $0x13800, s3;
	[dreg:$0x6] =	wrdreg s16  }
0xb: {  	p0 =	sne.s32 s8, $0xF;
	s4 =	smul.u32 $0x9C400, s2;
	[dreg:$0x7] =	wrdreg s17  }
0xc: {  	s18 =	ssub.s32 $0x2, s2;
	[dreg:$0xc] =	wrdreg s23;
	s2 =	smul.u32 $0x13880, s2  }
0xd: {  	[dreg:$0xd] =	wrdreg s25;
	s23 =	simm.s32 $0x9C40;
	s25 =	simm.s32 $0xEA60  }
0xe: {  	s6 =	sadd.s32 s6, s0;
	s10 =	sshrl.u32 s18, $0x1;
	s21 =	sadd.s32 s11, s1  }
0xf: {  	s22 =	sadd.s32 s19, s3;
	s14 =	sshrl.u32 s4, $0x4;
	s7 =	ssub.s32 s18, s10  }
0x10: {  	s12 =	sadd.s32 $0xA800, s6;
	s6 =	sadd.s32 $0xA00, s6;
	[dreg:$0xa] =	wrdreg s21  }
0x11: {  	[dreg:$0xb] =	wrdreg s22;
	s24 =	sadd.s32 s11, s4;
	s29 =	sadd.s32 s19, s2  }
0x12: {  	s4 =	sshrl.u32 s4, $0x3;
	s2 =	sshrl.u32 s2, $0x3;
	s22 =	simm.s32 $0x0  }
0x13: {  	s5 =	sadd.s32 s14, s0;
	s0 =	sadd.s32 $0x78800, s0;
	[dreg:$0x8] =	wrdreg s12  }
0x14: {  	[dreg:$0x9] =	wrdreg s6;
	s12 =	sor.u32 $0x1C04, s20;
	s26 =	sshrl.u32 s24, $0x3  }
0x15: {  	s4 =	sadd.s32 s9, s4;
	s30 =	smax.u32 s7, $0x1;
	s24 =	simm.s32 $0xC350  }
0x16: {  	s16 =	sadd.s32 $0x3C400, s5;
	s5 =	sadd.s32 s9, s26;
	[dreg:$0x12] =	wrdreg s30  }
0x17: {  	s4 =	sadd.s32 $0x13800, s4;
	[dreg:$0xe] =	wrdreg s5;
	s5 =	sshrl.u32 s29, $0x3  }
0x18: {  	[dreg:$0x10] =	wrdreg s4;
	s5 =	sadd.s32 s0, s5;
	s0 =	sadd.s32 s0, s2  }
0x19: {  	v0 =	vlaneseq.u32;
	s26 =	simm.s32 $0x4;
	[dreg:$0xf] =	wrdreg s5;
	s0 =	sadd.s32 $0x2700, s0  }
0x1a: {  	v0 =	vmul.u32 $0x8, v0;
	s2 =	simm.s32 $0x3;
	[dreg:$0x11] =	wrdreg s0;
	s0 =	simm.s32 $0x2  }
.LBB2_1:
0x1b: {  	s5 =	rddreg [dreg:$0x8]  }
0x1c: {  	s17 =	rddreg [dreg:$0x9]  }
0x1d: {  	s18 =	rddreg [dreg:$0x4]  }
0x1e: {  	s4 =	simm.s32 $0x0;
	s19 =	rddreg [dreg:$0x5]  }
0x1f: {  	[tilespmem:s4], [sflag:$0x4] =	stream.linear.gather [hbm4b:s5+s4], $0x4E20, $0x38;
	[tilespmem:$0x1FE28] =	vst v63  }
0x20: {  	s6 =	simm.s32 $0x4E20;
	s20 =	rddreg [dreg:$0xa]  }
0x21: {  	[tilespmem:s6], [sflag:$0x4] =	stream.linear.gather [hbm4b:s17+s4], $0x4E20, $0x38;
	[tilespmem:$0x1FE28] =	vst v63  }
0x22: {  	s21 =	sshrl.u32 s20, $0x3;
	s5 =	rddreg [dreg:$0x6]  }
0x23: {  	[tilespmem:s23], [sflag:$0x4] =	stream.linear.gather [hbm4b:s18+s4], $0x2710, $0x38;
	[tilespmem:$0x1FE28] =	vst v63  }
0x24: {  	[dreg:$0x15] =	wrdreg s21  }
0x25: {  	[tilespmem:s24], [sflag:$0x4] =	stream.linear.gather [hbm4b:s19+s4], $0x2710, $0x38;
	[tilespmem:$0x1FE28] =	vst v63  }
0x26: {  	[spmem:s21], [sflag:s12] =	dma.local [hbm:s5], $0x1380  }
0x27: {  	s6 =	rddreg [dreg:$0xb]  }
0x28: {  	s7 =	rddreg [dreg:$0x7];
	s6 =	sshrl.u32 s6, $0x3  }
0x29: {  	[spmem:s6], [sflag:s12] =	dma.local [hbm:s7], $0x270  }
0x2a: {  	[tilespmem:s25], [sflag:$0x4] =	stream.linear.gather [hbm4b:s7+s4], $0xA00, $0x38;
	[tilespmem:$0x1FE28] =	vst v63  }
0x2b: {  	s8 =	rddreg [dreg:$0xc]  }
0x2c: {  	s8 =	sshrl.u32 @!p0 s8, $0x3  }
0x2d: {  	[dreg:$0x13] =	wrdreg s8  }
0x2e: {  	[spmem:s8], [sflag:s12] =	dma.local @!p0 [hbm:s5], $0x80  }
0x2f: {  	s5 =	rddreg [dreg:$0xd]  }
0x30: {  	s5 =	sshrl.u32 @!p0 s5, $0x3  }
0x31: {  	[dreg:$0x14] =	wrdreg s5  }
0x32: {  	[spmem:s5], [sflag:s12] =	dma.local @!p0 [hbm:s7], $0x10  }
0x33: {  	_ =	swait.ge [sflag:s26], $0x4E20  }
0x34: {  	[sflag:s26] =	ssyncset.done $0x0  }
0x35: {  	s29 =	simm.s32 $0xF460;
	[sflag:s26] =	ssyncadd.s32 $0xFFFFB1E0  }
0x36: {  	[tilespmem:s29], [sflag:$0x1] =	stream.indirect.gather [hbm4b:s16+s28], $0x20, s4, s28, $0xb8;
	[tilespmem:$0x1FE28] =	vst v63  }
0x37: {  	s30 =	simm.s32 $0xFE60  }
0x38: {  	[tilespmem:s30], [sflag:$0x1] =	stream.indirect.gather [hbm4b:s16+s28], $0x20, s28, s28, $0xb8;
	[tilespmem:$0x1FE28] =	vst v63  }
0x39: {  	_ =	swait.ge [sflag:s26], $0x4E20  }
0x3a: {  	[sflag:s26] =	ssyncset.done $0x0  }
0x3b: {  	[sflag:s26] =	ssyncadd.s32 $0xFFFFB1E0  }
0x3c: {  	_ =	swait.ge [sflag:s26], $0x2710  }
0x3d: {  	[sflag:s26] =	ssyncset.done $0x0  }
0x3e: {  	[sflag:s26] =	ssyncadd.s32 $0xFFFFD8F0  }
0x3f: {  	_ =	swait.ge [sflag:s26], $0x2710  }
0x40: {  	[sflag:s26] =	ssyncset.done $0x0  }
0x41: {  	[sflag:s26] =	ssyncadd.s32 $0xFFFFD8F0  }
0x42: {  	_ =	swait.ge [sflag:s26], $0x1380  }
0x43: {  	[sflag:s26] =	ssyncset.done $0x0  }
0x44: {  	[sflag:s26] =	ssyncadd.s32 $0xFFFFEC80  }
0x45: {  	_ =	swait.ge [sflag:s26], $0x270  }
0x46: {  	[sflag:s26] =	ssyncset.done $0x0  }
0x47: {  	[sflag:s26] =	ssyncadd.s32 $0xFFFFFD90  }
0x48: {  	_ =	swait.ge [sflag:s26], $0xA00  }
0x49: {  	[sflag:s26] =	ssyncset.done $0x0  }
0x4a: {  	s4 =	simm.s32 @!p0 $0x4;
	[sflag:s26] =	ssyncadd.s32 $0xFFFFF600  }
0x4b: {  	_ =	swait.ge @!p0 [sflag:s4], $0x80  }
0x4c: {  	[sflag:s4] =	ssyncset.done @!p0 $0x0  }
0x4d: {  	[sflag:s4] =	ssyncadd.s32 @!p0 $0xFFFFFF80  }
0x4e: {  	_ =	swait.ge @!p0 [sflag:s4], $0x10  }
0x4f: {  	[sflag:s4] =	ssyncset.done @!p0 $0x0  }
0x50: {  	s10 =	simm.s32 $0xF550;
	s11 =	simm.s32 $0x0;
	[sflag:s4] =	ssyncadd.s32 @!p0 $0xFFFFFFF0  }
0x51: {  	s13 =	simm.s32 $0x0;
	s21 =	simm.s32 $0x11260;
	[bflag:$0x0] =	sbarrier.arrive $0xFFFF  }
.LBB2_2:
0x52: {  	p1 =	slt.u32 s13, $0x4  }
0x53: {  	s4 =	simm.s32 @!p1 $0x3  }
0x54: {  	p2 =	sgt.u32 @!p1 s13, $0xF7;
	_ =	swait.ge @!p1 [sflag:s4], $0x280  }
0x55: {  	p2 =	por p1, !p2;
	[sflag:s4] =	ssyncset.done @!p1 $0x0  }
0x56: {  	[sflag:s4] =	ssyncadd.s32 @!p1 $0xFFFFFD80;
	s4 =	sadd.s32 @p2 $0x2, s13  }
0x57: {  	s7 =	smul.u32 @p2 $0xAB, s4;
	_ =	sdelay $0x1  }
0x58: {  	s7 =	sshrl.u32 @p2 s7, $0x9  }
0x59: {  	s7 =	sand.u32 @p2 $0x7F, s7  }
0x5a: {  	s7 =	smul.u32 @p2 $0x3, s7;
	_ =	sdelay $0x1  }
0x5b: {  	s7 =	ssub.s32 @p2 s4, s7  }
0x5c: {  	s7 =	sand.u32 @p2 $0xFF, s7  }
0x5d: {  	s7 =	smul.u32 @p2 $0x2800, s7  }
0x5e: {  	s4 =	smul.u32 @p2 $0x140, s4  }
0x5f: {  	s7 =	sshrl.u32 @p2 s7, $0x2  }
0x60: {  	s29 =	smul.u32 $0x50, s13;
	s4 =	sshra.s32 @p2 s4, $0x2;
	s7 =	sadd.s32 @p2 $0xF460, s7  }
0x61: {  	[tilespmem:s7], [sflag:$0x1] =	stream.indirect.gather @p2 [hbm4b:s16+s28], $0x20, s4, s28, $0xb8;
	[tilespmem:$0x1FE28] =	vst v63  }
0x62: {  	v1 =	vld [tilespmem:s29+$0x0]  }
0x63: {  	v2 =	vld [tilespmem:s29+$0x4E20];
	_ =	sdelay $0x6  }
0x64: {  	v1 =	vld.idx.msk [tilespmem:v1+s23+$0x0], $0xffff  }
0x65: {  	v2 =	vld.idx.msk [tilespmem:v2+s24+$0x0], $0xffff;
	_ =	sdelay $0x4  }
0x66: {  	v1 =	vadd.f32 v2, v1;
	_ =	sdelay $0x1  }
0x67: {  	v2 =	vmul.f32 $2.000000030e-01, v1;
	_ =	sdelay $0x1  }
0x68: {  	v1 =	vmax.f32 v1, v2  }
0x69: {  	v1 =	vmul.f32 $1.442695020e+00, v1;
	_ =	sdelay $0x1  }
0x6a: {  	s30 =	sand.u32 $0x3, s13;
	(erf) = vpow2.f32 v1  }
0x6b: {  	s9 =	smul.u32 $0x50, s30;
	_ =	sdelay $0x1  }
0x6c: {  	v1 =	vmov s9  }
0x6d: {  	v1 =	vshll.u32 v1, $0x3  }
0x6e: {  	v1 =	vor.u32 v0, v1;
	_ =	sdelay $0x3  }
0x6f: {  	v2 =	vpop (erf)  }
0x70: {  	[tilespmem:v1+s25+$0x0] =	vst.idx.msk $0xffff, v2  }
0x71: {  	v1 =	vld [tilespmem:s29+$0x10]  }
0x72: {  	v2 =	vld [tilespmem:s29+$0x4E30];
	_ =	sdelay $0x6  }
0x73: {  	v1 =	vld.idx.msk [tilespmem:v1+s23+$0x0], $0xffff  }
0x74: {  	v2 =	vld.idx.msk [tilespmem:v2+s24+$0x0], $0xffff;
	_ =	sdelay $0x4  }
0x75: {  	v1 =	vadd.f32 v2, v1;
	_ =	sdelay $0x1  }
0x76: {  	v2 =	vmul.f32 $2.000000030e-01, v1;
	_ =	sdelay $0x1  }
0x77: {  	v1 =	vmax.f32 v1, v2  }
0x78: {  	v1 =	vmul.f32 $1.442695020e+00, v1;
	_ =	sdelay $0x1  }
0x79: {  	(erf) = vpow2.f32 v1;
	_ =	sdelay $0x1  }
0x7a: {  	s14 =	sadd.s32 $0x10, s9  }
0x7b: {  	v1 =	vmov s14  }
0x7c: {  	v1 =	vshll.u32 v1, $0x3  }
0x7d: {  	v1 =	vor.u32 v0, v1;
	_ =	sdelay $0x3  }
0x7e: {  	v2 =	vpop (erf)  }
0x7f: {  	[tilespmem:v1+s25+$0x0] =	vst.idx.msk $0xffff, v2  }
0x80: {  	v1 =	vld [tilespmem:s29+$0x20]  }
0x81: {  	v2 =	vld [tilespmem:s29+$0x4E40];
	_ =	sdelay $0x6  }
0x82: {  	v1 =	vld.idx.msk [tilespmem:v1+s23+$0x0], $0xffff  }
0x83: {  	v2 =	vld.idx.msk [tilespmem:v2+s24+$0x0], $0xffff;
	_ =	sdelay $0x4  }
0x84: {  	v1 =	vadd.f32 v2, v1;
	_ =	sdelay $0x1  }
0x85: {  	v2 =	vmul.f32 $2.000000030e-01, v1;
	_ =	sdelay $0x1  }
0x86: {  	v1 =	vmax.f32 v1, v2  }
0x87: {  	v1 =	vmul.f32 $1.442695020e+00, v1;
	_ =	sdelay $0x1  }
0x88: {  	(erf) = vpow2.f32 v1;
	_ =	sdelay $0x1  }
0x89: {  	s5 =	sadd.s32 $0x20, s9  }
0x8a: {  	v1 =	vmov s5  }
0x8b: {  	v1 =	vshll.u32 v1, $0x3  }
0x8c: {  	v1 =	vor.u32 v0, v1;
	_ =	sdelay $0x3  }
0x8d: {  	v2 =	vpop (erf)  }
0x8e: {  	[tilespmem:v1+s25+$0x0] =	vst.idx.msk $0xffff, v2  }
0x8f: {  	v1 =	vld [tilespmem:s29+$0x30]  }
0x90: {  	v2 =	vld [tilespmem:s29+$0x4E50];
	_ =	sdelay $0x6  }
0x91: {  	v1 =	vld.idx.msk [tilespmem:v1+s23+$0x0], $0xffff  }
0x92: {  	v2 =	vld.idx.msk [tilespmem:v2+s24+$0x0], $0xffff;
	_ =	sdelay $0x4  }
0x93: {  	v1 =	vadd.f32 v2, v1;
	_ =	sdelay $0x1  }
0x94: {  	v2 =	vmul.f32 $2.000000030e-01, v1;
	_ =	sdelay $0x1  }
0x95: {  	v1 =	vmax.f32 v1, v2  }
0x96: {  	v1 =	vmul.f32 $1.442695020e+00, v1;
	_ =	sdelay $0x1  }
0x97: {  	(erf) = vpow2.f32 v1;
	_ =	sdelay $0x1  }
0x98: {  	s8 =	sadd.s32 $0x30, s9  }
0x99: {  	v1 =	vmov s8  }
0x9a: {  	v1 =	vshll.u32 v1, $0x3  }
0x9b: {  	v1 =	vor.u32 v0, v1;
	_ =	sdelay $0x3  }
0x9c: {  	v2 =	vpop (erf)  }
0x9d: {  	[tilespmem:v1+s25+$0x0] =	vst.idx.msk $0xffff, v2  }
0x9e: {  	v1 =	vld [tilespmem:s29+$0x40]  }
0x9f: {  	v2 =	vld [tilespmem:s29+$0x4E60];
	_ =	sdelay $0x6  }
0xa0: {  	v1 =	vld.idx.msk [tilespmem:v1+s23+$0x0], $0xffff  }
0xa1: {  	v2 =	vld.idx.msk [tilespmem:v2+s24+$0x0], $0xffff;
	_ =	sdelay $0x4  }
0xa2: {  	v1 =	vadd.f32 v2, v1;
	_ =	sdelay $0x1  }
0xa3: {  	v2 =	vmul.f32 $2.000000030e-01, v1;
	_ =	sdelay $0x1  }
0xa4: {  	v1 =	vmax.f32 v1, v2  }
0xa5: {  	v1 =	vmul.f32 $1.442695020e+00, v1;
	_ =	sdelay $0x1  }
0xa6: {  	(erf) = vpow2.f32 v1;
	_ =	sdelay $0x1  }
0xa7: {  	s9 =	sadd.s32 $0x40, s9  }
0xa8: {  	v1 =	vmov s9  }
0xa9: {  	v1 =	vshll.u32 v1, $0x3  }
0xaa: {  	s15 =	sand.u32 $0x3, s11;
	s17 =	smulhi.u32 $0xAAAAAAAB, s13;
	v1 =	vor.u32 v0, v1  }
0xab: {  	s15 =	smul.u32 $0x50, s15  }
0xac: {  	s18 =	sshrl.u32 s17, $0x1;
	s7 =	smul.u32 $0xA00, s30  }
0xad: {  	s20 =	smul.u32 $0xFFFF8800, s18  }
0xae: {  	s17 =	sadd.s32 $0xFFFFFFF8, s15;
	p1 =	slt.u32 s13, $0x3;
	s7 =	sshrl.u32 s7, $0x2;
	v2 =	vpop (erf)  }
0xaf: {  	s19 =	sadd.s32 $0xEA60, s7;
	s7 =	simm.s32 @!p1 $0x2;
	s14 =	sadd.s32 $0x4E20, s29;
	[tilespmem:v1+s25+$0x0] =	vst.idx.msk $0xffff, v2  }
0xb0: {  	[spmem:s3] =	stream.indirect.scatter.add.f32 [tilespmem:s19], [sflag:$0x3], $0x8, s14, s28, $0xb8;
	[tilespmem:$0x1FE28] =	vst v63  }
0xb1: {  	s17 =	sshll.u32 s17, $0x3;
	s4 =	sshra.s32 s20, $0x2;
	_ =	swait.ge @!p1 [sflag:s7], $0x1400  }
0xb2: {  	s29 =	sadd.s32 $0x78, s17;
	v2 =	vmov s4;
	[sflag:s7] =	ssyncset.done @!p1 $0x0  }
0xb3: {  	v1 =	vmov s29;
	[sflag:s7] =	ssyncadd.s32 @!p1 $0xFFFFEC00  }
0xb4: {  	_ =	swait.ge [sflag:s31], $0xA00  }
0xb5: {  	[sflag:s31] =	ssyncset.done $0x0  }
0xb6: {  	[sflag:s31] =	ssyncadd.s32 $0xFFFFF600  }
0xb7: {  	s30 =	smul.u32 $0xFFFF1000, s18;
	v3 =	vld.idx.msk [tilespmem:v2+s10+$0xFFFFFFF0 ss:$0x1], $0xffff  }
0xb8: {  	s5 =	sadd.s32 $0x40, s17;
	v4 =	vld.idx.msk [tilespmem:v1+s25+$0x0], $0xffff  }
0xb9: {  	v5 =	vmov s5;
	s8 =	sadd.s32 $0x48, s17;
	s4 =	sshra.s32 s30, $0x2  }
0xba: {  	v6 =	vmov s8;
	v1 =	vmov s4;
	_ =	sdelay $0x1  }
0xbb: {  	s9 =	sadd.s32 $0x50, s17;
	v8 =	vld.idx.msk [tilespmem:v2+s10+$0xFFFFFF10 ss:$0x1], $0xffff;
	v7 =	vunpack.i.l.bf16.f32 v3  }
0xbc: {  	v10 =	vmov s9;
	v9 =	vld.idx.msk [tilespmem:v2+s10+$0xFFFFFF30 ss:$0x1], $0xffff;
	v3 =	vunpack.i.u.bf16.f32 v3;
	v7 =	vmul.f32 v7, v4  }
0xbd: {  	s19 =	sadd.s32 $0x60, s17;
	v5 =	vld.idx.msk [tilespmem:v5+s25+$0x0], $0xffff;
	v3 =	vmul.f32 v3, v4  }
0xbe: {  	s18 =	sadd.s32 $0x58, s17;
	v11 =	vmov s19;
	v6 =	vld.idx.msk [tilespmem:v6+s25+$0x0], $0xffff;
	[tilespmem:v1+s21+$0x1C0 ss:$0x1] =	vst.idx.msk $0xffff, v7  }
0xbf: {  	v12 =	vld.idx.msk [tilespmem:v2+s10+$0xFFFFFF50 ss:$0x1], $0xffff;
	[tilespmem:v1+s21+$0x1D0 ss:$0x1] =	vst.idx.msk $0xffff, v3;
	v3 =	vmov s18  }
0xc0: {  	v7 =	vld.idx.msk [tilespmem:v2+s10+$0x0 ss:$0x1], $0xffff  }
0xc1: {  	s20 =	sadd.s32 $0x68, s17;
	v10 =	vld.idx.msk [tilespmem:v10+s25+$0x0], $0xffff;
	v13 =	vunpack.i.l.bf16.f32 v8  }
0xc2: {  	v14 =	vmov s20;
	v15 =	vld.idx.msk [tilespmem:v2+s10+$0xFFFFFF70 ss:$0x1], $0xffff;
	v8 =	vunpack.i.u.bf16.f32 v8;
	v13 =	vmul.f32 v13, v5  }
0xc3: {  	v11 =	vld.idx.msk [tilespmem:v11+s25+$0x0], $0xffff;
	v16 =	vunpack.i.l.bf16.f32 v9;
	v8 =	vmul.f32 v8, v5  }
0xc4: {  	v9 =	vunpack.i.u.bf16.f32 v9;
	[tilespmem:v1+s21+$0x0 ss:$0x1] =	vst.idx.msk $0xffff, v13;
	v17 =	vld.idx.msk [tilespmem:v3+s25+$0x0], $0xffff;
	v3 =	vmul.f32 v16, v6  }
0xc5: {  	s29 =	sadd.s32 $0x70, s17;
	v19 =	vld.idx.msk [tilespmem:v2+s10+$0xFFFFFFB0 ss:$0x1], $0xffff;
	v9 =	vmul.f32 v9, v6;
	[tilespmem:v1+s21+$0x10 ss:$0x1] =	vst.idx.msk $0xffff, v8;
	v13 =	vunpack.i.l.bf16.f32 v7  }
0xc6: {  	v18 =	vunpack.i.l.bf16.f32 v12;
	v16 =	vld.idx.msk [tilespmem:v2+s10+$0xFFFFFF90 ss:$0x1], $0xffff;
	v8 =	vmul.f32 v13, v4;
	v13 =	vmov s29;
	[tilespmem:v1+s21+$0x40 ss:$0x1] =	vst.idx.msk $0xffff, v3  }
0xc7: {  	s17 =	sadd.s32 $0x100, s10;
	v14 =	vld.idx.msk [tilespmem:v14+s25+$0x0], $0xffff;
	v3 =	vunpack.i.u.bf16.f32 v12;
	v12 =	vmul.f32 v18, v10;
	[tilespmem:v1+s21+$0x50 ss:$0x1] =	vst.idx.msk $0xffff, v9  }
0xc8: {  	v22 =	vld.idx.msk [tilespmem:v2+s17+$0xFFFFFF50 ss:$0x1], $0xffff;
	v7 =	vunpack.i.u.bf16.f32 v7;
	v3 =	vmul.f32 v3, v10;
	[tilespmem:v1+s21+$0x1E0 ss:$0x1] =	vst.idx.msk $0xffff, v8  }
0xc9: {  	v25 =	vld.idx.msk [tilespmem:v2+s17+$0xFFFFFFB0 ss:$0x1], $0xffff;
	v4 =	vmul.f32 v7, v4;
	v8 =	vunpack.i.l.bf16.f32 v15;
	[tilespmem:v1+s21+$0x80 ss:$0x1] =	vst.idx.msk $0xffff, v12  }
0xca: {  	v9 =	vunpack.i.u.bf16.f32 v15;
	v12 =	vld.idx.msk [tilespmem:v2+s10+$0xFFFFFFD0 ss:$0x1], $0xffff;
	v8 =	vmul.f32 v8, v17;
	[tilespmem:v1+s21+$0x90 ss:$0x1] =	vst.idx.msk $0xffff, v3  }
0xcb: {  	v15 =	vunpack.i.l.bf16.f32 v16;
	v9 =	vmul.f32 v9, v17;
	[tilespmem:v1+s21+$0x1F0 ss:$0x1] =	vst.idx.msk $0xffff, v4;
	v3 =	vld.idx.msk [tilespmem:v13+s25+$0x0], $0xffff  }
0xcc: {  	s30 =	sadd.s32 $0x0, s15;
	v16 =	vunpack.i.u.bf16.f32 v16;
	v13 =	vmul.f32 v15, v11;
	[tilespmem:v1+s21+$0xC0 ss:$0x1] =	vst.idx.msk $0xffff, v8;
	v15 =	vld.idx.msk [tilespmem:v2+s10+$0xFFFFFF20 ss:$0x1], $0xffff  }
0xcd: {  	s4 =	sshll.u32 s30, $0x3;
	v26 =	vld.idx.msk [tilespmem:v2+s17+$0xFFFFFFD0 ss:$0x1], $0xffff;
	v16 =	vmul.f32 v16, v11;
	v8 =	vunpack.i.l.bf16.f32 v19;
	[tilespmem:v1+s21+$0xD0 ss:$0x1] =	vst.idx.msk $0xffff, v9  }
0xce: {  	s5 =	sadd.s32 $0x78, s4;
	v18 =	vld.idx.msk [tilespmem:v2+s10+$0xFFFFFF40 ss:$0x1], $0xffff;
	v9 =	vunpack.i.u.bf16.f32 v19;
	v8 =	vmul.f32 v8, v14;
	[tilespmem:v1+s21+$0x100 ss:$0x1] =	vst.idx.msk $0xffff, v13  }
0xcf: {  	v9 =	vmul.f32 v9, v14;
	v13 =	vld.idx.msk [tilespmem:v2+s10+$0xFFFFFF60 ss:$0x1], $0xffff;
	v19 =	vunpack.i.l.bf16.f32 v12;
	[tilespmem:v1+s21+$0x110 ss:$0x1] =	vst.idx.msk $0xffff, v16;
	v16 =	vmov s5  }
0xd0: {  	v7 =	vld.idx.msk [tilespmem:v2+s10+$0xFFFFFF80 ss:$0x1], $0xffff;
	[tilespmem:v1+s21+$0x140 ss:$0x1] =	vst.idx.msk $0xffff, v8;
	v8 =	vunpack.i.u.bf16.f32 v12;
	v12 =	vmul.f32 v19, v3  }
0xd1: {  	s9 =	sadd.s32 $0x48, s4;
	[tilespmem:v1+s21+$0x150 ss:$0x1] =	vst.idx.msk $0xffff, v9;
	v19 =	vld.idx.msk [tilespmem:v2+s10+$0xFFFFFFA0 ss:$0x1], $0xffff;
	v4 =	vmul.f32 v8, v3;
	v8 =	vunpack.i.l.bf16.f32 v15  }
0xd2: {  	s19 =	sadd.s32 $0x58, s4;
	v20 =	vmov s9;
	v9 =	vld.idx.msk [tilespmem:v2+s10+$0xFFFFFFC0 ss:$0x1], $0xffff;
	v15 =	vunpack.i.u.bf16.f32 v15;
	v8 =	vmul.f32 v8, v5;
	[tilespmem:v1+s21+$0x180 ss:$0x1] =	vst.idx.msk $0xffff, v12  }
0xd3: {  	v23 =	vmov s19;
	v5 =	vmul.f32 v15, v5;
	v15 =	vunpack.i.l.bf16.f32 v18;
	v12 =	vld.idx.msk [tilespmem:v2+s17+$0xFFFFFFF0 ss:$0x1], $0xffff;
	[tilespmem:v1+s21+$0x190 ss:$0x1] =	vst.idx.msk $0xffff, v4  }
0xd4: {  	s8 =	sadd.s32 $0x40, s4;
	v18 =	vunpack.i.u.bf16.f32 v18;
	v21 =	vunpack.i.l.bf16.f32 v13;
	v16 =	vld.idx.msk [tilespmem:v16+s25+$0x0], $0xffff;
	[tilespmem:v1+s21+$0x20 ss:$0x1] =	vst.idx.msk $0xffff, v8;
	v8 =	vmul.f32 v15, v6  }
0xd5: {  	s20 =	sadd.s32 $0x60, s4;
	v13 =	vunpack.i.u.bf16.f32 v13;
	v4 =	vmov s8;
	v15 =	vld.idx.msk [tilespmem:v2+s17+$0xFFFFFF10 ss:$0x1], $0xffff;
	v21 =	vmul.f32 v21, v10;
	[tilespmem:v1+s21+$0x30 ss:$0x1] =	vst.idx.msk $0xffff, v5  }
0xd6: {  	s18 =	sadd.s32 $0x50, s4;
	v10 =	vmul.f32 v13, v10;
	v13 =	vmov s20;
	v5 =	vmul.f32 v18, v6;
	v6 =	vld.idx.msk [tilespmem:v2+s17+$0xFFFFFF30 ss:$0x1], $0xffff;
	[tilespmem:v1+s21+$0x60 ss:$0x1] =	vst.idx.msk $0xffff, v8  }
0xd7: {  	v18 =	vmov s18;
	v8 =	vunpack.i.l.bf16.f32 v7;
	[tilespmem:v1+s21+$0xA0 ss:$0x1] =	vst.idx.msk $0xffff, v21;
	v21 =	vld.idx.msk [tilespmem:v2+s17+$0xFFFFFF90 ss:$0x1], $0xffff;
	v7 =	vunpack.i.u.bf16.f32 v7  }
0xd8: {  	v61 =	vunpack.i.u.bf16.f32 v19;
	v19 =	vunpack.i.l.bf16.f32 v19;
	[tilespmem:v1+s21+$0x70 ss:$0x1] =	vst.idx.msk $0xffff, v5;
	v5 =	vld.idx.msk [tilespmem:v2+s17+$0xFFFFFF70 ss:$0x1], $0xffff;
	v8 =	vmul.f32 v8, v17  }
0xd9: {  	[tilespmem:v1+s21+$0xB0 ss:$0x1] =	vst.idx.msk $0xffff, v10;
	v7 =	vmul.f32 v7, v17;
	v17 =	vmul.f32 v19, v11;
	v10 =	vunpack.i.u.bf16.f32 v12  }
0xda: {  	s29 =	sadd.s32 $0x68, s4;
	v24 =	vunpack.i.l.bf16.f32 v12;
	[tilespmem:v1+s21+$0xE0 ss:$0x1] =	vst.idx.msk $0xffff, v8;
	v8 =	vmul.f32 v10, v16;
	v10 =	vld.idx.msk [tilespmem:v4+s25+$0x0], $0xffff  }
0xdb: {  	s4 =	sadd.s32 $0x70, s4;
	v27 =	vmov s29;
	v12 =	vmul.f32 v24, v16;
	v4 =	vld.idx.msk [tilespmem:v20+s25+$0x0], $0xffff;
	[tilespmem:v1+s21+$0x120 ss:$0x1] =	vst.idx.msk $0xffff, v17  }
0xdc: {  	s18 =	sadd.s32 $0x200, s21;
	v11 =	vmul.f32 v61, v11;
	v19 =	vmov s4;
	[tilespmem:v1+s21+$0xF0 ss:$0x1] =	vst.idx.msk $0xffff, v7;
	v62 =	vunpack.i.u.bf16.f32 v6;
	v7 =	vld.idx.msk [tilespmem:v23+s25+$0x0], $0xffff  }
0xdd: {  	v17 =	vunpack.i.l.bf16.f32 v6;
	v6 =	vld.idx.msk [tilespmem:v13+s25+$0x0], $0xffff;
	[tilespmem:v1+s18+$0x1C0 ss:$0x1] =	vst.idx.msk $0xffff, v12;
	v12 =	vunpack.i.u.bf16.f32 v9;
	v9 =	vunpack.i.l.bf16.f32 v9  }
0xde: {  	v20 =	vunpack.i.u.bf16.f32 v15;
	v15 =	vunpack.i.l.bf16.f32 v15;
	[tilespmem:v1+s18+$0x1D0 ss:$0x1] =	vst.idx.msk $0xffff, v8;
	v9 =	vmul.f32 v9, v14;
	v8 =	vld.idx.msk [tilespmem:v18+s25+$0x0], $0xffff  }
0xdf: {  	[tilespmem:v1+s21+$0x130 ss:$0x1] =	vst.idx.msk $0xffff, v11;
	v13 =	vunpack.i.u.bf16.f32 v21;
	v12 =	vmul.f32 v12, v14;
	v18 =	vunpack.i.u.bf16.f32 v22;
	v14 =	vld.idx.msk [tilespmem:v2+s17+$0x0 ss:$0x1], $0xffff  }
0xe0: {  	v29 =	vld.idx.msk [tilespmem:v2+s10+$0xFFFFFFE0 ss:$0x1], $0xffff;
	v23 =	vunpack.i.u.bf16.f32 v5;
	v28 =	vunpack.i.l.bf16.f32 v5;
	[tilespmem:v1+s21+$0x160 ss:$0x1] =	vst.idx.msk $0xffff, v9;
	v9 =	vmul.f32 v15, v10  }
0xe1: {  	v5 =	vld.idx.msk [tilespmem:v27+s25+$0x0], $0xffff;
	v17 =	vmul.f32 v17, v4;
	v24 =	vmul.f32 v62, v4;
	[tilespmem:v1+s21+$0x170 ss:$0x1] =	vst.idx.msk $0xffff, v12  }
0xe2: {  	v15 =	vunpack.i.l.bf16.f32 v21;
	v12 =	vmul.f32 v20, v10;
	v28 =	vmul.f32 v28, v7;
	[tilespmem:v1+s18+$0x0 ss:$0x1] =	vst.idx.msk $0xffff, v9  }
0xe3: {  	s30 =	smul.u32 $0xAB, s13;
	v22 =	vunpack.i.l.bf16.f32 v22;
	v21 =	vmul.f32 v23, v7;
	v20 =	vmul.f32 v15, v6;
	[tilespmem:v1+s18+$0x40 ss:$0x1] =	vst.idx.msk $0xffff, v17  }
0xe4: {  	v11 =	vld.idx.msk [tilespmem:v19+s25+$0x0], $0xffff;
	[tilespmem:v1+s18+$0x10 ss:$0x1] =	vst.idx.msk $0xffff, v12;
	v9 =	vunpack.i.l.bf16.f32 v14;
	v12 =	vunpack.i.u.bf16.f32 v14;
	v14 =	vmul.f32 v22, v8  }
0xe5: {  	s4 =	sshrl.u32 s30, $0x9;
	v19 =	vmul.f32 v13, v6;
	[tilespmem:v1+s18+$0x50 ss:$0x1] =	vst.idx.msk $0xffff, v24;
	v17 =	vld.idx.msk [tilespmem:v2+s17+$0xFFFFFF20 ss:$0x1], $0xffff;
	v9 =	vmul.f32 v9, v16  }
0xe6: {  	v63 =	vunpack.i.u.bf16.f32 v25;
	s4 =	sand.u32 $0x7F, s4;
	v22 =	vmul.f32 v18, v8;
	v12 =	vmul.f32 v12, v16;
	[tilespmem:v1+s18+$0x80 ss:$0x1] =	vst.idx.msk $0xffff, v14  }
0xe7: {  	s4 =	smul.u32 $0x3, s4;
	v16 =	vmul.f32 v63, v5;
	v14 =	vunpack.i.u.bf16.f32 v29;
	[tilespmem:v1+s18+$0x1E0 ss:$0x1] =	vst.idx.msk $0xffff, v9;
	v9 =	vunpack.i.l.bf16.f32 v25  }
0xe8: {  	v15 =	vld.idx.msk [tilespmem:v2+s17+$0xFFFFFF40 ss:$0x1], $0xffff;
	[tilespmem:v1+s18+$0x1F0 ss:$0x1] =	vst.idx.msk $0xffff, v12;
	v12 =	vunpack.i.l.bf16.f32 v26;
	v18 =	vmul.f32 v9, v5;
	v9 =	vunpack.i.u.bf16.f32 v26  }
0xe9: {  	s7 =	smov.u32 s17;
	s9 =	smov.u32 s21;
	s4 =	ssub.s32 s13, s4;
	[tilespmem:v1+s18+$0x90 ss:$0x1] =	vst.idx.msk $0xffff, v22;
	v13 =	vmul.f32 v12, v11;
	v12 =	vmul.f32 v9, v11;
	v9 =	vunpack.i.l.bf16.f32 v29  }
0xea: {  	s20 =	smov.u32 s18;
	s19 =	sand.u32 $0xFF, s4;
	s4 =	simm.s32 $0x8;
	[tilespmem:v1+s18+$0xC0 ss:$0x1] =	vst.idx.msk $0xffff, v28;
	v22 =	vunpack.i.u.bf16.f32 v17;
	v23 =	vunpack.i.l.bf16.f32 v17;
	v17 =	vld.idx.msk [tilespmem:v2+s17+$0xFFFFFF60 ss:$0x1], $0xffff;
	v9 =	vmul.f32 v9, v3  }
.LBB2_3:
0xeb: {  	s8 =	sadd.s32 s4, s15;
	v23 =	vmul.f32 v23, v10;
	v10 =	vmul.f32 v22, v10;
	[tilespmem:v1+s18+$0xD0 ss:$0x1] =	vst.idx.msk $0xffff, v21  }
0xec: {  	v14 =	vmul.f32 v14, v3;
	v3 =	vmov v11;
	s8 =	sshll.u32 s8, $0x3;
	v21 =	vld.idx.msk [tilespmem:v2+s17+$0xFFFFFF80 ss:$0x1], $0xffff;
	[tilespmem:v1+s18+$0x100 ss:$0x1] =	vst.idx.msk $0xffff, v20  }
0xed: {  	s4 =	sadd.s32 $0x8, s4;
	s29 =	sadd.s32 $0x40, s8;
	s30 =	sadd.s32 $0x78, s8;
	[tilespmem:v1+s18+$0x110 ss:$0x1] =	vst.idx.msk $0xffff, v19  }
0xee: {  	p1 =	slt.u32 s4, $0x48;
	s5 =	sadd.s32 $0x50, s8;
	v20 =	vunpack.i.u.bf16.f32 v15;
	v11 =	vmov s29;
	s29 =	sadd.s32 $0x48, s8;
	v19 =	vmov s30;
	v22 =	vld.idx.msk [tilespmem:v2+s17+$0xFFFFFFA0 ss:$0x1], $0xffff;
	[tilespmem:v1+s18+$0x140 ss:$0x1] =	vst.idx.msk $0xffff, v18  }
0xef: {  	v15 =	vunpack.i.l.bf16.f32 v15;
	v24 =	vmov s5;
	s5 =	sadd.s32 $0x58, s8;
	s30 =	sadd.s32 $0x68, s8;
	v18 =	vmov s29;
	s29 =	sadd.s32 $0x60, s8;
	[tilespmem:v1+s18+$0x150 ss:$0x1] =	vst.idx.msk $0xffff, v16  }
0xf0: {  	v16 =	vmov s5;
	v26 =	vmov s30;
	s5 =	sadd.s32 $0x70, s8;
	v25 =	vmov s29;
	[tilespmem:v1+s18+$0x180 ss:$0x1] =	vst.idx.msk $0xffff, v13  }
0xf1: {  	s17 =	sadd.s32 $0x100, s17;
	v27 =	vunpack.i.u.bf16.f32 v17;
	v17 =	vunpack.i.l.bf16.f32 v17;
	v13 =	vmov s5;
	v28 =	vld.idx.msk [tilespmem:v2+s7+$0xFFFFFFC0 ss:$0x1], $0xffff;
	[tilespmem:v1+s18+$0x190 ss:$0x1] =	vst.idx.msk $0xffff, v12  }
0xf2: {  	v15 =	vmul.f32 v15, v4;
	v12 =	vld.idx.msk [tilespmem:v2+s17+$0xFFFFFFF0 ss:$0x1], $0xffff;
	[tilespmem:v1+s18+$0x20 ss:$0x1] =	vst.idx.msk $0xffff, v23;
	v23 =	vunpack.i.u.bf16.f32 v21;
	v21 =	vunpack.i.l.bf16.f32 v21  }
0xf3: {  	v4 =	vmul.f32 v20, v4;
	v19 =	vld.idx.msk [tilespmem:v19+s25+$0x0], $0xffff;
	[tilespmem:v1+s18+$0x30 ss:$0x1] =	vst.idx.msk $0xffff, v10;
	v10 =	vmul.f32 v17, v8  }
0xf4: {  	v8 =	vmul.f32 v27, v8;
	v20 =	vunpack.i.l.bf16.f32 v22;
	v17 =	vld.idx.msk [tilespmem:v2+s17+$0xFFFFFF10 ss:$0x1], $0xffff;
	[tilespmem:v1+s18+$0x60 ss:$0x1] =	vst.idx.msk $0xffff, v15;
	v15 =	vunpack.i.u.bf16.f32 v22  }
0xf5: {  	v22 =	vld.idx.msk [tilespmem:v2+s17+$0xFFFFFF30 ss:$0x1], $0xffff;
	[tilespmem:v1+s18+$0x70 ss:$0x1] =	vst.idx.msk $0xffff, v4;
	v4 =	vmul.f32 v21, v7;
	v7 =	vmul.f32 v23, v7  }
0xf6: {  	v20 =	vmul.f32 v20, v6;
	v6 =	vmul.f32 v15, v6;
	v21 =	vld.idx.msk [tilespmem:v2+s17+$0xFFFFFF50 ss:$0x1], $0xffff;
	[tilespmem:v1+s18+$0xA0 ss:$0x1] =	vst.idx.msk $0xffff, v10  }
0xf7: {  	v10 =	vunpack.i.l.bf16.f32 v28;
	v15 =	vld.idx.msk [tilespmem:v2+s17+$0xFFFFFF70 ss:$0x1], $0xffff;
	[tilespmem:v1+s18+$0xB0 ss:$0x1] =	vst.idx.msk $0xffff, v8;
	v8 =	vunpack.i.u.bf16.f32 v28  }
0xf8: {  	v27 =	vunpack.i.l.bf16.f32 v12;
	v28 =	vmul.f32 v10, v5;
	v23 =	vld.idx.msk [tilespmem:v2+s17+$0xFFFFFF90 ss:$0x1], $0xffff;
	v5 =	vmul.f32 v8, v5  }
0xf9: {  	v8 =	vunpack.i.u.bf16.f32 v12;
	v12 =	vmul.f32 v27, v19;
	v29 =	vld.idx.msk [tilespmem:v2+s17+$0xFFFFFFB0 ss:$0x1], $0xffff;
	[tilespmem:v1+s18+$0xE0 ss:$0x1] =	vst.idx.msk $0xffff, v4  }
0xfa: {  	v27 =	vunpack.i.u.bf16.f32 v17;
	v17 =	vunpack.i.l.bf16.f32 v17;
	v8 =	vmul.f32 v8, v19;
	s18 =	sadd.s32 $0x200, s18;
	v30 =	vld.idx.msk [tilespmem:v2+s17+$0xFFFFFFD0 ss:$0x1], $0xffff;
	[tilespmem:v1+s20+$0xF0 ss:$0x1] =	vst.idx.msk $0xffff, v7  }
0xfb: {  	v10 =	vld.idx.msk [tilespmem:v11+s25+$0x0], $0xffff;
	v11 =	vunpack.i.u.bf16.f32 v22;
	v22 =	vunpack.i.l.bf16.f32 v22;
	[tilespmem:v1+s18+$0x1C0 ss:$0x1] =	vst.idx.msk $0xffff, v12  }
0xfc: {  	v12 =	vunpack.i.u.bf16.f32 v21;
	v4 =	vld.idx.msk [tilespmem:v18+s25+$0x0], $0xffff;
	v18 =	vunpack.i.l.bf16.f32 v21;
	[tilespmem:v1+s18+$0x1D0 ss:$0x1] =	vst.idx.msk $0xffff, v8  }
0xfd: {  	v21 =	vunpack.i.u.bf16.f32 v15;
	v15 =	vunpack.i.l.bf16.f32 v15;
	v31 =	vld.idx.msk [tilespmem:v2+s17+$0x0 ss:$0x1], $0xffff;
	[tilespmem:v1+s20+$0x120 ss:$0x1] =	vst.idx.msk $0xffff, v20  }
0xfe: {  	v20 =	vunpack.i.l.bf16.f32 v23;
	v8 =	vld.idx.msk [tilespmem:v24+s25+$0x0], $0xffff;
	v24 =	vunpack.i.u.bf16.f32 v23;
	[tilespmem:v1+s20+$0x130 ss:$0x1] =	vst.idx.msk $0xffff, v6  }
0xff: {  	v23 =	vunpack.i.l.bf16.f32 v29;
	v7 =	vld.idx.msk [tilespmem:v16+s25+$0x0], $0xffff;
	v16 =	vunpack.i.u.bf16.f32 v29;
	[tilespmem:v1+s20+$0x160 ss:$0x1] =	vst.idx.msk $0xffff, v28  }
0x100: {  	v28 =	vunpack.i.l.bf16.f32 v30;
	v6 =	vld.idx.msk [tilespmem:v25+s25+$0x0], $0xffff;
	v25 =	vunpack.i.u.bf16.f32 v30;
	[tilespmem:v1+s20+$0x170 ss:$0x1] =	vst.idx.msk $0xffff, v5  }
0x101: {  	v17 =	vmul.f32 v17, v10;
	v27 =	vmul.f32 v27, v10;
	v5 =	vld.idx.msk [tilespmem:v26+s25+$0x0], $0xffff;
	[tilespmem:v1+s9+$0x1A0 ss:$0x1] =	vst.idx.msk $0xffff, v9  }
0x102: {  	v9 =	vmul.f32 v22, v4;
	v22 =	vmul.f32 v11, v4;
	v11 =	vld.idx.msk [tilespmem:v13+s25+$0x0], $0xffff;
	[tilespmem:v1+s9+$0x1B0 ss:$0x1] =	vst.idx.msk $0xffff, v14;
	s9 =	smov.u32 s20;
	s20 =	smov.u32 s18  }
0x103: {  	v13 =	vunpack.i.l.bf16.f32 v31;
	[tilespmem:v1+s18+$0x0 ss:$0x1] =	vst.idx.msk $0xffff, v17;
	v17 =	vld.idx.msk [tilespmem:v2+s7+$0xFFFFFFE0 ss:$0x1], $0xffff;
	s7 =	smov.u32 s17  }
0x104: {  	v14 =	vmul.f32 v18, v8;
	v18 =	vunpack.i.u.bf16.f32 v31;
	v13 =	vmul.f32 v13, v19;
	[tilespmem:v1+s18+$0x10 ss:$0x1] =	vst.idx.msk $0xffff, v27  }
0x105: {  	v26 =	vld.idx.msk [tilespmem:v2+s17+$0xFFFFFF20 ss:$0x1], $0xffff;
	[tilespmem:v1+s18+$0x40 ss:$0x1] =	vst.idx.msk $0xffff, v9;
	v9 =	vmul.f32 v12, v8;
	v12 =	vmul.f32 v18, v19  }
0x106: {  	v27 =	vmul.f32 v15, v7;
	v21 =	vmul.f32 v21, v7;
	[tilespmem:v1+s18+$0x1E0 ss:$0x1] =	vst.idx.msk $0xffff, v13  }
.Ltmp0:
0x107: {  	v20 =	vmul.f32 v20, v6;
	v19 =	vmul.f32 v24, v6;
	[tilespmem:v1+s18+$0x1F0 ss:$0x1] =	vst.idx.msk $0xffff, v12;
	(pc) =	sbr.rel @p1 .LBB2_3-.Ltmp0, $4  }
0x108: {  	v18 =	vmul.f32 v23, v5;
	v16 =	vmul.f32 v16, v5;
	[tilespmem:v1+s18+$0x50 ss:$0x1] =	vst.idx.msk $0xffff, v22  }
0x109: {  	v13 =	vmul.f32 v28, v11;
	v12 =	vmul.f32 v25, v11;
	v15 =	vld.idx.msk [tilespmem:v2+s17+$0xFFFFFF40 ss:$0x1], $0xffff;
	[tilespmem:v1+s18+$0x80 ss:$0x1] =	vst.idx.msk $0xffff, v14  }
0x10a: {  	v14 =	vunpack.i.u.bf16.f32 v17;
	[tilespmem:v1+s18+$0x90 ss:$0x1] =	vst.idx.msk $0xffff, v9;
	v9 =	vunpack.i.l.bf16.f32 v17  }
0x10b: {  	v22 =	vunpack.i.u.bf16.f32 v26;
	v23 =	vunpack.i.l.bf16.f32 v26;
	v17 =	vld.idx.msk [tilespmem:v2+s17+$0xFFFFFF60 ss:$0x1], $0xffff;
	[tilespmem:v1+s18+$0xC0 ss:$0x1] =	vst.idx.msk $0xffff, v27;
	v9 =	vmul.f32 v9, v3  }
0x10c: {  	_ =	sdelay $0x3  }
0x10d: {  	[tilespmem:v1+s18+$0xD0 ss:$0x1] =	vst.idx.msk $0xffff, v21  }
0x10e: {  	[tilespmem:v1+s18+$0x100 ss:$0x1] =	vst.idx.msk $0xffff, v20  }
0x10f: {  	[tilespmem:v1+s18+$0x140 ss:$0x1] =	vst.idx.msk $0xffff, v18  }
0x110: {  	[tilespmem:v1+s18+$0x180 ss:$0x1] =	vst.idx.msk $0xffff, v13  }
0x111: {  	[tilespmem:v1+s18+$0x110 ss:$0x1] =	vst.idx.msk $0xffff, v19  }
0x112: {  	[tilespmem:v1+s18+$0x150 ss:$0x1] =	vst.idx.msk $0xffff, v16  }
0x113: {  	v43 =	vmul.f32 v23, v10;
	[tilespmem:v1+s18+$0x190 ss:$0x1] =	vst.idx.msk $0xffff, v12  }
0x114: {  	v3 =	vmul.f32 v14, v3;
	v44 =	vld.idx.msk [tilespmem:v2+s17+$0xFFFFFF80 ss:$0x1], $0xffff;
	[tilespmem:v1+s9+$0x1A0 ss:$0x1] =	vst.idx.msk $0xffff, v9  }
0x115: {  	v45 =	vmul.f32 v22, v10;
	v46 =	vunpack.i.l.bf16.f32 v15;
	[tilespmem:v1+s18+$0x20 ss:$0x1] =	vst.idx.msk $0xffff, v43  }
0x116: {  	v47 =	vunpack.i.u.bf16.f32 v15;
	v48 =	vld.idx.msk [tilespmem:v2+s17+$0xFFFFFFA0 ss:$0x1], $0xffff;
	[tilespmem:v1+s9+$0x1B0 ss:$0x1] =	vst.idx.msk $0xffff, v3;
	v13 =	vmul.f32 v46, v4  }
0x117: {  	v52 =	vld.idx.msk [tilespmem:v2+s7+$0xFFFFFFC0 ss:$0x1], $0xffff;
	[tilespmem:v1+s18+$0x30 ss:$0x1] =	vst.idx.msk $0xffff, v45;
	v50 =	vmul.f32 v47, v4;
	v49 =	vunpack.i.l.bf16.f32 v17  }
0x118: {  	v51 =	vunpack.i.u.bf16.f32 v17;
	v16 =	vmul.f32 v49, v8;
	[tilespmem:v1+s18+$0x60 ss:$0x1] =	vst.idx.msk $0xffff, v13  }
0x119: {  	v54 =	vmul.f32 v51, v8;
	v53 =	vunpack.i.l.bf16.f32 v44;
	[tilespmem:v1+s18+$0x70 ss:$0x1] =	vst.idx.msk $0xffff, v50  }
0x11a: {  	v2 =	vld.idx.msk [tilespmem:v2+s7+$0xFFFFFFE0 ss:$0x1], $0xffff;
	v55 =	vunpack.i.u.bf16.f32 v44;
	v56 =	vmul.f32 v53, v7;
	[tilespmem:v1+s18+$0xA0 ss:$0x1] =	vst.idx.msk $0xffff, v16  }
0x11b: {  	v57 =	vunpack.i.l.bf16.f32 v48;
	v4 =	vmul.f32 v55, v7;
	[tilespmem:v1+s18+$0xB0 ss:$0x1] =	vst.idx.msk $0xffff, v54  }
0x11c: {  	v61 =	vunpack.i.l.bf16.f32 v52;
	v59 =	vmul.f32 v57, v6;
	[tilespmem:v1+s18+$0xE0 ss:$0x1] =	vst.idx.msk $0xffff, v56  }
0x11d: {  	v62 =	vunpack.i.u.bf16.f32 v52;
	v7 =	vmul.f32 v61, v5;
	[tilespmem:v1+s20+$0xF0 ss:$0x1] =	vst.idx.msk $0xffff, v4  }
0x11e: {  	s13 =	sadd.s32 $0x1, s13;
	v58 =	vunpack.i.u.bf16.f32 v48;
	[tilespmem:v1+s20+$0x120 ss:$0x1] =	vst.idx.msk $0xffff, v59;
	v4 =	vmul.f32 v62, v5  }
0x11f: {  	s4 =	smul.u32 $0x5000, s19;
	p1 =	sne.s32 s13, $0xFA;
	v63 =	vunpack.i.l.bf16.f32 v2;
	v60 =	vmul.f32 v58, v6;
	[tilespmem:v1+s20+$0x160 ss:$0x1] =	vst.idx.msk $0xffff, v7  }
.Ltmp1:
0x120: {  	v2 =	vunpack.i.u.bf16.f32 v2;
	[tilespmem:v1+s20+$0x170 ss:$0x1] =	vst.idx.msk $0xffff, v4;
	v4 =	vmul.f32 v63, v11;
	(pc) =	sbr.rel @p1 .LBB2_2-.Ltmp1, $4  }
0x121: {  	v2 =	vmul.f32 v2, v11;
	[tilespmem:v1+s20+$0x130 ss:$0x1] =	vst.idx.msk $0xffff, v60  }
0x122: {  	s11 =	sadd.s32 $0x1, s11;
	s4 =	sshrl.u32 s4, $0x2;
	[tilespmem:v1+s20+$0x1A0 ss:$0x1] =	vst.idx.msk $0xffff, v4  }
0x123: {  	s21 =	sadd.s32 $0x1400, s21;
	s10 =	sadd.s32 $0xA00, s10;
	s4 =	sadd.s32 $0x11260, s4;
	[tilespmem:v1+s20+$0x1B0 ss:$0x1] =	vst.idx.msk $0xffff, v2  }
0x124: {  	[spmem:s1] =	stream.indirect.scatter.add.f32 [tilespmem:s4], [sflag:$0x2], $0x40, s14, s28, $0xb8;
	[tilespmem:$0x1FE28] =	vst v63  }
0x125: {  	_ =	swait.ge [sflag:s0], $0x1400  }
0x126: {  	[sflag:s0] =	ssyncset.done $0x0  }
0x127: {  	[sflag:s0] =	ssyncadd.s32 $0xFFFFEC00  }
0x128: {  	_ =	swait.ge [sflag:s0], $0x1400  }
0x129: {  	[sflag:s0] =	ssyncset.done $0x0  }
0x12a: {  	[sflag:s0] =	ssyncadd.s32 $0xFFFFEC00  }
0x12b: {  	_ =	swait.ge [sflag:s0], $0x1400  }
0x12c: {  	[sflag:s0] =	ssyncset.done $0x0  }
0x12d: {  	[sflag:s0] =	ssyncadd.s32 $0xFFFFEC00  }
0x12e: {  	_ =	swait.ge [sflag:s2], $0x280  }
0x12f: {  	[sflag:s2] =	ssyncset.done $0x0  }
0x130: {  	[sflag:s2] =	ssyncadd.s32 $0xFFFFFD80  }
0x131: {  	_ =	swait.ge [sflag:s2], $0x280  }
0x132: {  	[sflag:s2] =	ssyncset.done $0x0  }
0x133: {  	[sflag:s2] =	ssyncadd.s32 $0xFFFFFD80  }
0x134: {  	_ =	swait.ge [sflag:s2], $0x280  }
0x135: {  	[sflag:s2] =	ssyncset.done $0x0  }
0x136: {  	[sflag:s2] =	ssyncadd.s32 $0xFFFFFD80  }
0x137: {  	_ =	swait.ge [sflag:s2], $0x280  }
0x138: {  	[sflag:s2] =	ssyncset.done $0x0  }
0x139: {  	[sflag:s2] =	ssyncadd.s32 $0xFFFFFD80  }
0x13a: {  	[bflag:$0x0] =	sbarrier.arrive $0xFFFF  }
0x13b: {  	s4 =	rddreg [dreg:$0xe]  }
0x13c: {  	s5 =	rddreg [dreg:$0x15]  }
0x13d: {  	[hbm:s4], [sflag:s12] =	dma.local [spmem:s5], $0x1380  }
0x13e: {  	s4 =	rddreg [dreg:$0xf]  }
0x13f: {  	[hbm:s4], [sflag:s12] =	dma.local [spmem:s6], $0x270  }
0x140: {  	s4 =	simm.s32 @p0 $0x4  }
0x141: {  	_ =	swait.ge @p0 [sflag:s4], $0x1380  }
0x142: {  	[sflag:s4] =	ssyncset.done @p0 $0x0  }
0x143: {  	[sflag:s4] =	ssyncadd.s32 @p0 $0xFFFFEC80  }
0x144: {  	_ =	swait.ge @p0 [sflag:s4], $0x270  }
0x145: {  	[sflag:s4] =	ssyncset.done @p0 $0x0;
	s5 =	rddreg [dreg:$0x13]  }
0x146: {  	[sflag:s4] =	ssyncadd.s32 @p0 $0xFFFFFD90;
	s4 =	rddreg [dreg:$0x10]  }
0x147: {  	[hbm:s4], [sflag:s12] =	dma.local @!p0 [spmem:s5], $0x80  }
0x148: {  	s4 =	rddreg [dreg:$0x11]  }
0x149: {  	s5 =	rddreg [dreg:$0x14]  }
0x14a: {  	[hbm:s4], [sflag:s12] =	dma.local @!p0 [spmem:s5], $0x10  }
0x14b: {  	s4 =	simm.s32 @!p0 $0x4  }
0x14c: {  	_ =	swait.ge @!p0 [sflag:s4], $0x1380  }
0x14d: {  	[sflag:s4] =	ssyncset.done @!p0 $0x0  }
0x14e: {  	[sflag:s4] =	ssyncadd.s32 @!p0 $0xFFFFEC80  }
0x14f: {  	_ =	swait.ge @!p0 [sflag:s4], $0x270  }
0x150: {  	[sflag:s4] =	ssyncset.done @!p0 $0x0  }
0x151: {  	[sflag:s4] =	ssyncadd.s32 @!p0 $0xFFFFFD90  }
0x152: {  	_ =	swait.ge @!p0 [sflag:s4], $0x80  }
0x153: {  	[sflag:s4] =	ssyncset.done @!p0 $0x0  }
0x154: {  	[sflag:s4] =	ssyncadd.s32 @!p0 $0xFFFFFF80  }
0x155: {  	_ =	swait.ge @!p0 [sflag:s4], $0x10  }
0x156: {  	s22 =	sadd.s32 $0x1, s22;
	s30 =	rddreg [dreg:$0x12]  }
0x157: {  	p1 =	sne.s32 s22, s30  }
.Ltmp2:
0x158: {  	_ = 	snop;
	(pc) =	sbr.rel @p1 .LBB2_1-.Ltmp2, $3  }
0x159: {  	_ =	sdelay $0x1  }
0x15a: {  	[sflag:s4] =	ssyncset.done @!p0 $0x0  }
0x15b: {  	[sflag:s4] =	ssyncadd.s32 @!p0 $0xFFFFFFF0  }
0x15c: {  	_ =	sfence.sel $0x180000  }
0x15d: {  	[bflag:$0x0] =	sbarrier.arrive $0xFFFF  }
0x15e: {  	_ =	strace $0x90000047  }
0x15f: {  	s0 =	stileid.u32;
	[bflag:$0x2] =	sbarrier.arrive $0xFFFF  }
0x160: {  	p0 =	sne.s32 s0, $0x0;
	s0 =	rddreg [dreg:$0x3]  }
0x161: {  	s0 =	sadd.s32 @!p0 $0x100000, s0  }
0x162: {  	[sflag:s0] =	ssyncadd.tile.s32 @!p0 $0x1;
	_ =	shalt  }
.Lfunc_end2:
_tile_overlayer_lowered:
.L_overlay_start_2:
0x163: {  	(tag) =	ssettag $0x2  }
0x164: {  	s0 =	rddreg [dreg:$0x0];
	s2 =	stileid.u32  }
0x165: {  	s1 =	rddreg [dreg:$0x1];
	p0 =	sne.s32 s2, $0x0  }
0x166: {  	s3 =	rddreg [dreg:$0x2];
	[bflag:$0x3] =	sbarrier.arrive $0xFFFF;
	s2 =	simm.s32 @!p0 $0x1C05  }
0x167: {  	[timem:s3], [sflag:s2] =	dma.local @!p0 [hbm:s0], s1  }
0x168: {  	s0 =	simm.s32 @!p0 $0x5  }
0x169: {  	_ =	swait.ge @!p0 [sflag:s0], s1  }
0x16a: {  	s1 =	ssub.s32 @!p0 $0x0, s1;
	[sflag:s0] =	ssyncset.done @!p0 $0x0  }
0x16b: {  	[sflag:s0] =	ssyncadd.s32 @!p0 s1  }
0x16c: {  	[bflag:$0x3] =	sbarrier.arrive $0xFFFF  }
0x16d: {  	_ =	shalt  }

</sc_bundles>
